<compile_context>
chip_gen: v7x
topology: tpu7x:2x2x1
jax: 0.10.2.dev20260603
libtpu: 0.0.44.dev20260713+nightly
codegen_flags: <defaults>
</compile_context>

<pallas_src>
import dataclasses
import functools

import jax
import jax.numpy as jnp
from jax import lax
from jax.experimental import pallas as pl
from jax.experimental.pallas import tpu as pltpu
from jax.experimental.pallas import tpu_sc as plsc

N = 100000
V = 100000
D = 128
CH = 80
LANES = 16
NUM_CHUNKS = N // CH
NW = 32
CPT = NUM_CHUNKS // NW
TAIL = NUM_CHUNKS - CPT * NW
GPB = 3
NB = 3
NSLOT = CPT // GPB
SLOT_ROWS = GPB * CH


def _sc_kernel(Z, C, table128):
    mesh = plsc.VectorSubcoreMesh(core_axis_name="core",
                                  subcore_axis_name="subcore")
    cp = pltpu.CompilerParams()
    if "needs_layout_passes" in pltpu.CompilerParams.__dataclass_fields__:
        cp = dataclasses.replace(cp, needs_layout_passes=False)

    @functools.partial(
        pl.kernel,
        out_type=jax.ShapeDtypeStruct((N, D), jnp.float32),
        mesh=mesh,
        compiler_params=cp,
        scratch_types=[
            pltpu.VMEM((CPT * CH,), jnp.int32),
            pltpu.VMEM((CPT * CH,), jnp.float32),
            pltpu.VMEM((SLOT_ROWS, D), jnp.float32),
            pltpu.VMEM((SLOT_ROWS, D), jnp.float32),
            pltpu.VMEM((SLOT_ROWS, D), jnp.float32),
            pltpu.SemaphoreType.DMA,
            pltpu.SemaphoreType.DMA,
            pltpu.SemaphoreType.DMA,
            pltpu.SemaphoreType.DMA,
            pltpu.SemaphoreType.DMA,
            pltpu.SemaphoreType.DMA,
        ],
    )
    def kern(table_hbm, z_hbm, c_hbm, o_hbm, idx_all, c_all,
             ob0, ob1, ob2, gs0, gs1, gs2, os0, os1, os2):
        wid = lax.axis_index("subcore") * 2 + lax.axis_index("core")
        obuf = (ob0, ob1, ob2)
        gsem = (gs0, gs1, gs2)
        osem = (os0, os1, os2)
        row0 = pl.multiple_of(wid * (CPT * CH), 8)

        d1 = pltpu.async_copy(z_hbm.at[pl.ds(row0, CPT * CH)], idx_all, gs0)
        d2 = pltpu.async_copy(c_hbm.at[pl.ds(row0, CPT * CH)], c_all, gs1)
        d1.wait()

        cols = jnp.full((LANES,), D - 1, dtype=jnp.int32)
        rowvecs = [lax.iota(jnp.int32, LANES) + (r * LANES)
                   for r in range(SLOT_ROWS // LANES)]

        def gdesc(i, t):
            s = i % NB
            j = i * GPB + t
            return pltpu.make_async_copy(
                table_hbm.at[idx_all.at[pl.ds(j * CH, CH)]],
                obuf[s].at[pl.ds(t * CH, CH), :], gsem[s])

        def odesc(i):
            s = i % NB
            base = pl.multiple_of(row0 + i * SLOT_ROWS, 8)
            return pltpu.make_async_copy(
                obuf[s], o_hbm.at[pl.ds(base, SLOT_ROWS), :], osem[s])

        def start_gathers(i):
            for t in range(GPB):
                gdesc(i, t).start()

        def finish_slot(i):
            s = i % NB
            for t in range(GPB):
                gdesc(i, t).wait()
            for r in range(SLOT_ROWS // LANES):
                vals = c_all[pl.ds(i * SLOT_ROWS + r * LANES, LANES)]
                plsc.store_scatter(obuf[s], [rowvecs[r], cols], vals)
            odesc(i).start()

        for i in range(NSLOT):
            if i >= NB:
                odesc(i - NB).wait()
            start_gathers(i)
            if i == 0:
                d2.wait()
            if i >= 1:
                finish_slot(i - 1)
        finish_slot(NSLOT - 1)
        for i in range(NSLOT - NB, NSLOT):
            odesc(i).wait()

        @pl.when(wid < TAIL)
        def _():
            base = pl.multiple_of((CPT * NW) * CH + wid * CH, 8)
            t1 = pltpu.async_copy(z_hbm.at[pl.ds(base, CH)],
                                  idx_all.at[pl.ds(0, CH)], gs0)
            t2 = pltpu.async_copy(c_hbm.at[pl.ds(base, CH)],
                                  c_all.at[pl.ds(0, CH)], gs1)
            t1.wait()
            t2.wait()
            pltpu.async_copy(table_hbm.at[idx_all.at[pl.ds(0, CH)]],
                             ob0.at[pl.ds(0, CH), :], gs0).wait()
            for r in range(CH // LANES):
                vals = c_all[pl.ds(r * LANES, LANES)]
                plsc.store_scatter(ob0, [rowvecs[r], cols], vals)
            pltpu.async_copy(ob0.at[pl.ds(0, CH), :],
                             o_hbm.at[pl.ds(base, CH), :], os0).wait()

    return kern(table128, Z, C)


@jax.jit
def kernel(Z, C, table):
    table128 = lax.pad(table, jnp.float32(0),
                       ((0, 0, 0), (0, 1, 0)))
    return _sc_kernel(Z.astype(jnp.int32), C, table128)

# --- scband reference (transcript-rebuilt; emitter-appended) ---
"""Pipeline reference for scband-node-embedding-29274497089899 (READ-ONLY COPY).

The authoritative reference and input builder live on the scoring server;
editing this copy changes nothing except your own understanding.
"""

import jax, jax.numpy as jnp
import numpy as np

N = 100000
V = 100000
D = 128

def setup_inputs(seed: int = 0) -> dict:
    key = jax.random.key(seed)
    k1, k2, k3 = jax.random.split(key, 3)
    Z = jax.random.randint(k1, (N,), 0, V)
    C = jax.random.normal(k2, (N,), dtype=jnp.float32)
    table = jax.random.normal(k3, (V, D - 1), dtype=jnp.float32) * 0.02
    table = table.at[0].set(0.0)  # padding_idx=0 -> zero row
    return {"Z": Z, "C": C, "table": table}

def reference(Z, C, table):
    # nn.Embedding with padding_idx=0: row 0 is fixed at zero
    tbl = table.at[0].set(0.0)
    embedded = jnp.take(tbl, Z, axis=0)          # [N, D-1] gather
    out = jnp.concatenate([embedded, C.reshape(-1, 1)], axis=-1)  # [N, D]
    return out

if __name__ == "__main__":
    import jax
    _d = setup_inputs()
    print(jax.jit(kernel)(*tuple(_d.values())))

</pallas_src>

<mosaic_0001>
#map = affine_map<(d0, d1) -> (0, 0)>
#map1 = affine_map<(d0, d1) -> (0)>
module attributes {stable_mosaic.version = 14 : i64} {
  func.func @kern(%arg0: i32, %arg1: i32, %arg2: memref<100000x128xf32, #tpu.memory_space<hbm>>, %arg3: memref<100000xi32, #tpu.memory_space<hbm>>, %arg4: memref<100000xf32, #tpu.memory_space<hbm>>, %arg5: memref<100000x128xf32, #tpu.memory_space<hbm>>, %arg6: memref<3120xi32, #tpu.memory_space<vmem>>, %arg7: memref<3120xf32, #tpu.memory_space<vmem>>, %arg8: memref<240x128xf32, #tpu.memory_space<vmem>>, %arg9: memref<240x128xf32, #tpu.memory_space<vmem>>, %arg10: memref<240x128xf32, #tpu.memory_space<vmem>>, %arg11: memref<!tpu.dma_semaphore, #tpu.memory_space<semaphore_mem>>, %arg12: memref<!tpu.dma_semaphore, #tpu.memory_space<semaphore_mem>>, %arg13: memref<!tpu.dma_semaphore, #tpu.memory_space<semaphore_mem>>, %arg14: memref<!tpu.dma_semaphore, #tpu.memory_space<semaphore_mem>>, %arg15: memref<!tpu.dma_semaphore, #tpu.memory_space<semaphore_mem>>, %arg16: memref<!tpu.dma_semaphore, #tpu.memory_space<semaphore_mem>>) attributes {dimension_semantics = [#tpu.dimension_semantics<core_parallel>, #tpu.dimension_semantics<subcore_parallel>], iteration_bounds = array<i64: 2, 16>, scalar_prefetch = 0 : i64, scratch_operands = 11 : i64, tpu.core_type = #tpu.core_type<sc_vector_subcore>, window_params = [{transform_indices = #map}, {transform_indices = #map1}, {transform_indices = #map1}, {transform_indices = #map}]} {
    %mul3A = arith.constant 2 : i32
    %mul3A_0 = arith.muli %arg1, %mul3A : i32
    %add3A = arith.addi %mul3A_0, %arg0 : i32
    %mul3A_1 = arith.constant 3120 : i32
    %mul3A_2 = arith.muli %add3A, %mul3A_1 : i32
    %multiple_of3A = tpu.assume_multiple %mul3A_2, 8 : i32
    %dma_start3A = tpu.memref_slice %arg3[%multiple_of3A] : memref<100000xi32, #tpu.memory_space<hbm>> -> memref<3120xi32, #tpu.memory_space<hbm>>
    %dma_start3A_3 = tpu.memref_slice %arg3[%multiple_of3A] : memref<100000xi32, #tpu.memory_space<hbm>> -> memref<3120xi32, #tpu.memory_space<hbm>>
    tpu.enqueue_dma source(%dma_start3A_3 : memref<3120xi32, #tpu.memory_space<hbm>>) target(%arg6 : memref<3120xi32, #tpu.memory_space<vmem>>) target_semaphore(%arg11 : memref<!tpu.dma_semaphore, #tpu.memory_space<semaphore_mem>>)
    %dma_start3A_4 = tpu.memref_slice %arg4[%multiple_of3A] : memref<100000xf32, #tpu.memory_space<hbm>> -> memref<3120xf32, #tpu.memory_space<hbm>>
    %dma_start3A_5 = tpu.memref_slice %arg4[%multiple_of3A] : memref<100000xf32, #tpu.memory_space<hbm>> -> memref<3120xf32, #tpu.memory_space<hbm>>
    tpu.enqueue_dma source(%dma_start3A_5 : memref<3120xf32, #tpu.memory_space<hbm>>) target(%arg7 : memref<3120xf32, #tpu.memory_space<vmem>>) target_semaphore(%arg12 : memref<!tpu.dma_semaphore, #tpu.memory_space<semaphore_mem>>)
    %dma_wait3A = tpu.memref_slice %arg3[%multiple_of3A] : memref<100000xi32, #tpu.memory_space<hbm>> -> memref<3120xi32, #tpu.memory_space<hbm>>
    %dma_wait3A_6 = tpu.memref_slice %arg3[%multiple_of3A] : memref<100000xi32, #tpu.memory_space<hbm>> -> memref<3120xi32, #tpu.memory_space<hbm>>
    tpu.wait_dma2 semaphore(%arg11 : memref<!tpu.dma_semaphore, #tpu.memory_space<semaphore_mem>>) src(%dma_wait3A_6 : memref<3120xi32, #tpu.memory_space<hbm>>) dst(%arg6 : memref<3120xi32, #tpu.memory_space<vmem>>)
    %broadcast_in_dim3A = arith.constant 127 : i32
    %broadcast_in_dim3A_7 = vector.broadcast %broadcast_in_dim3A : i32 to vector<16xi32>
    %iota3A = tpu.iota {dimensions = array<i32: 0>} : vector<16xi32>
    %add3A_8 = arith.constant 0 : i32
    %add3A_9 = vector.broadcast %add3A_8 : i32 to vector<16xi32>
    %add3A_10 = arith.addi %iota3A, %add3A_9 : vector<16xi32>
    %iota3A_11 = tpu.iota {dimensions = array<i32: 0>} : vector<16xi32>
    %add3A_12 = arith.constant 16 : i32
    %add3A_13 = vector.broadcast %add3A_12 : i32 to vector<16xi32>
    %add3A_14 = arith.addi %iota3A_11, %add3A_13 : vector<16xi32>
    %iota3A_15 = tpu.iota {dimensions = array<i32: 0>} : vector<16xi32>
    %add3A_16 = arith.constant 32 : i32
    %add3A_17 = vector.broadcast %add3A_16 : i32 to vector<16xi32>
    %add3A_18 = arith.addi %iota3A_15, %add3A_17 : vector<16xi32>
    %iota3A_19 = tpu.iota {dimensions = array<i32: 0>} : vector<16xi32>
    %add3A_20 = arith.constant 48 : i32
    %add3A_21 = vector.broadcast %add3A_20 : i32 to vector<16xi32>
    %add3A_22 = arith.addi %iota3A_19, %add3A_21 : vector<16xi32>
    %iota3A_23 = tpu.iota {dimensions = array<i32: 0>} : vector<16xi32>
    %add3A_24 = arith.constant 64 : i32
    %add3A_25 = vector.broadcast %add3A_24 : i32 to vector<16xi32>
    %add3A_26 = arith.addi %iota3A_23, %add3A_25 : vector<16xi32>
    %iota3A_27 = tpu.iota {dimensions = array<i32: 0>} : vector<16xi32>
    %add3A_28 = arith.constant 80 : i32
    %add3A_29 = vector.broadcast %add3A_28 : i32 to vector<16xi32>
    %add3A_30 = arith.addi %iota3A_27, %add3A_29 : vector<16xi32>
    %iota3A_31 = tpu.iota {dimensions = array<i32: 0>} : vector<16xi32>
    %add3A_32 = arith.constant 96 : i32
    %add3A_33 = vector.broadcast %add3A_32 : i32 to vector<16xi32>
    %add3A_34 = arith.addi %iota3A_31, %add3A_33 : vector<16xi32>
    %iota3A_35 = tpu.iota {dimensions = array<i32: 0>} : vector<16xi32>
    %add3A_36 = arith.constant 112 : i32
    %add3A_37 = vector.broadcast %add3A_36 : i32 to vector<16xi32>
    %add3A_38 = arith.addi %iota3A_35, %add3A_37 : vector<16xi32>
    %iota3A_39 = tpu.iota {dimensions = array<i32: 0>} : vector<16xi32>
    %add3A_40 = arith.constant 128 : i32
    %add3A_41 = vector.broadcast %add3A_40 : i32 to vector<16xi32>
    %add3A_42 = arith.addi %iota3A_39, %add3A_41 : vector<16xi32>
    %iota3A_43 = tpu.iota {dimensions = array<i32: 0>} : vector<16xi32>
    %add3A_44 = arith.constant 144 : i32
    %add3A_45 = vector.broadcast %add3A_44 : i32 to vector<16xi32>
    %add3A_46 = arith.addi %iota3A_43, %add3A_45 : vector<16xi32>
    %iota3A_47 = tpu.iota {dimensions = array<i32: 0>} : vector<16xi32>
    %add3A_48 = arith.constant 160 : i32
    %add3A_49 = vector.broadcast %add3A_48 : i32 to vector<16xi32>
    %add3A_50 = arith.addi %iota3A_47, %add3A_49 : vector<16xi32>
    %iota3A_51 = tpu.iota {dimensions = array<i32: 0>} : vector<16xi32>
    %add3A_52 = arith.constant 176 : i32
    %add3A_53 = vector.broadcast %add3A_52 : i32 to vector<16xi32>
    %add3A_54 = arith.addi %iota3A_51, %add3A_53 : vector<16xi32>
    %iota3A_55 = tpu.iota {dimensions = array<i32: 0>} : vector<16xi32>
    %add3A_56 = arith.constant 192 : i32
    %add3A_57 = vector.broadcast %add3A_56 : i32 to vector<16xi32>
    %add3A_58 = arith.addi %iota3A_55, %add3A_57 : vector<16xi32>
    %iota3A_59 = tpu.iota {dimensions = array<i32: 0>} : vector<16xi32>
    %add3A_60 = arith.constant 208 : i32
    %add3A_61 = vector.broadcast %add3A_60 : i32 to vector<16xi32>
    %add3A_62 = arith.addi %iota3A_59, %add3A_61 : vector<16xi32>
    %iota3A_63 = tpu.iota {dimensions = array<i32: 0>} : vector<16xi32>
    %add3A_64 = arith.constant 224 : i32
    %add3A_65 = vector.broadcast %add3A_64 : i32 to vector<16xi32>
    %add3A_66 = arith.addi %iota3A_63, %add3A_65 : vector<16xi32>
    %dma_start3A_67 = arith.constant 0 : i32
    %dma_start3A_68 = arith.constant 0 : i32
    %dma_start3A_69 = tpu.memref_slice %arg8[%dma_start3A_67, %dma_start3A_68] : memref<240x128xf32, #tpu.memory_space<vmem>> -> memref<80x128xf32, #tpu.memory_space<vmem>>
    %dma_start3A_70 = arith.constant 0 : i32
    %dma_start3A_71 = tpu.memref_slice %arg6[%dma_start3A_70] : memref<3120xi32, #tpu.memory_space<vmem>> -> memref<80xi32, #tpu.memory_space<vmem>>
    %dma_start3A_72 = arith.constant 0 : i32
    %dma_start3A_73 = arith.constant 0 : i32
    %dma_start3A_74 = tpu.memref_slice %arg2[%dma_start3A_72, %dma_start3A_73] : memref<100000x128xf32, #tpu.memory_space<hbm>> -> memref<100000x128xf32, #tpu.memory_space<hbm>>
    tpu.enqueue_indirect_dma source(%dma_start3A_74 : memref<100000x128xf32, #tpu.memory_space<hbm>>) target(%dma_start3A_69 : memref<80x128xf32, #tpu.memory_space<vmem>>) offsets(%dma_start3A_71 : memref<80xi32, #tpu.memory_space<vmem>>) semaphore(%arg11 : memref<!tpu.dma_semaphore, #tpu.memory_space<semaphore_mem>>)
    %dma_start3A_75 = arith.constant 80 : i32
    %dma_start3A_76 = arith.constant 0 : i32
    %dma_start3A_77 = tpu.memref_slice %arg8[%dma_start3A_75, %dma_start3A_76] : memref<240x128xf32, #tpu.memory_space<vmem>> -> memref<80x128xf32, #tpu.memory_space<vmem>>
    %dma_start3A_78 = arith.constant 80 : i32
    %dma_start3A_79 = tpu.memref_slice %arg6[%dma_start3A_78] : memref<3120xi32, #tpu.memory_space<vmem>> -> memref<80xi32, #tpu.memory_space<vmem>>
    %dma_start3A_80 = arith.constant 0 : i32
    %dma_start3A_81 = arith.constant 0 : i32
    %dma_start3A_82 = tpu.memref_slice %arg2[%dma_start3A_80, %dma_start3A_81] : memref<100000x128xf32, #tpu.memory_space<hbm>> -> memref<100000x128xf32, #tpu.memory_space<hbm>>
    tpu.enqueue_indirect_dma source(%dma_start3A_82 : memref<100000x128xf32, #tpu.memory_space<hbm>>) target(%dma_start3A_77 : memref<80x128xf32, #tpu.memory_space<vmem>>) offsets(%dma_start3A_79 : memref<80xi32, #tpu.memory_space<vmem>>) semaphore(%arg11 : memref<!tpu.dma_semaphore, #tpu.memory_space<semaphore_mem>>)
    %dma_start3A_83 = arith.constant 160 : i32
    %dma_start3A_84 = arith.constant 0 : i32
    %dma_start3A_85 = tpu.memref_slice %arg8[%dma_start3A_83, %dma_start3A_84] : memref<240x128xf32, #tpu.memory_space<vmem>> -> memref<80x128xf32, #tpu.memory_space<vmem>>
    %dma_start3A_86 = arith.constant 160 : i32
    %dma_start3A_87 = tpu.memref_slice %arg6[%dma_start3A_86] : memref<3120xi32, #tpu.memory_space<vmem>> -> memref<80xi32, #tpu.memory_space<vmem>>
    %dma_start3A_88 = arith.constant 0 : i32
    %dma_start3A_89 = arith.constant 0 : i32
    %dma_start3A_90 = tpu.memref_slice %arg2[%dma_start3A_88, %dma_start3A_89] : memref<100000x128xf32, #tpu.memory_space<hbm>> -> memref<100000x128xf32, #tpu.memory_space<hbm>>
    tpu.enqueue_indirect_dma source(%dma_start3A_90 : memref<100000x128xf32, #tpu.memory_space<hbm>>) target(%dma_start3A_85 : memref<80x128xf32, #tpu.memory_space<vmem>>) offsets(%dma_start3A_87 : memref<80xi32, #tpu.memory_space<vmem>>) semaphore(%arg11 : memref<!tpu.dma_semaphore, #tpu.memory_space<semaphore_mem>>)
    %dma_wait3A_91 = tpu.memref_slice %arg4[%multiple_of3A] : memref<100000xf32, #tpu.memory_space<hbm>> -> memref<3120xf32, #tpu.memory_space<hbm>>
    %dma_wait3A_92 = tpu.memref_slice %arg4[%multiple_of3A] : memref<100000xf32, #tpu.memory_space<hbm>> -> memref<3120xf32, #tpu.memory_space<hbm>>
    tpu.wait_dma2 semaphore(%arg12 : memref<!tpu.dma_semaphore, #tpu.memory_space<semaphore_mem>>) src(%dma_wait3A_92 : memref<3120xf32, #tpu.memory_space<hbm>>) dst(%arg7 : memref<3120xf32, #tpu.memory_space<vmem>>)
    %dma_start3A_93 = arith.constant 0 : i32
    %dma_start3A_94 = arith.constant 0 : i32
    %dma_start3A_95 = tpu.memref_slice %arg9[%dma_start3A_93, %dma_start3A_94] : memref<240x128xf32, #tpu.memory_space<vmem>> -> memref<80x128xf32, #tpu.memory_space<vmem>>
    %dma_start3A_96 = arith.constant 240 : i32
    %dma_start3A_97 = tpu.memref_slice %arg6[%dma_start3A_96] : memref<3120xi32, #tpu.memory_space<vmem>> -> memref<80xi32, #tpu.memory_space<vmem>>
    %dma_start3A_98 = arith.constant 0 : i32
    %dma_start3A_99 = arith.constant 0 : i32
    %dma_start3A_100 = tpu.memref_slice %arg2[%dma_start3A_98, %dma_start3A_99] : memref<100000x128xf32, #tpu.memory_space<hbm>> -> memref<100000x128xf32, #tpu.memory_space<hbm>>
    tpu.enqueue_indirect_dma source(%dma_start3A_100 : memref<100000x128xf32, #tpu.memory_space<hbm>>) target(%dma_start3A_95 : memref<80x128xf32, #tpu.memory_space<vmem>>) offsets(%dma_start3A_97 : memref<80xi32, #tpu.memory_space<vmem>>) semaphore(%arg12 : memref<!tpu.dma_semaphore, #tpu.memory_space<semaphore_mem>>)
    %dma_start3A_101 = arith.constant 80 : i32
    %dma_start3A_102 = arith.constant 0 : i32
    %dma_start3A_103 = tpu.memref_slice %arg9[%dma_start3A_101, %dma_start3A_102] : memref<240x128xf32, #tpu.memory_space<vmem>> -> memref<80x128xf32, #tpu.memory_space<vmem>>
    %dma_start3A_104 = arith.constant 320 : i32
    %dma_start3A_105 = tpu.memref_slice %arg6[%dma_start3A_104] : memref<3120xi32, #tpu.memory_space<vmem>> -> memref<80xi32, #tpu.memory_space<vmem>>
    %dma_start3A_106 = arith.constant 0 : i32
    %dma_start3A_107 = arith.constant 0 : i32
    %dma_start3A_108 = tpu.memref_slice %arg2[%dma_start3A_106, %dma_start3A_107] : memref<100000x128xf32, #tpu.memory_space<hbm>> -> memref<100000x128xf32, #tpu.memory_space<hbm>>
    tpu.enqueue_indirect_dma source(%dma_start3A_108 : memref<100000x128xf32, #tpu.memory_space<hbm>>) target(%dma_start3A_103 : memref<80x128xf32, #tpu.memory_space<vmem>>) offsets(%dma_start3A_105 : memref<80xi32, #tpu.memory_space<vmem>>) semaphore(%arg12 : memref<!tpu.dma_semaphore, #tpu.memory_space<semaphore_mem>>)
    %dma_start3A_109 = arith.constant 160 : i32
    %dma_start3A_110 = arith.constant 0 : i32
    %dma_start3A_111 = tpu.memref_slice %arg9[%dma_start3A_109, %dma_start3A_110] : memref<240x128xf32, #tpu.memory_space<vmem>> -> memref<80x128xf32, #tpu.memory_space<vmem>>
    %dma_start3A_112 = arith.constant 400 : i32
    %dma_start3A_113 = tpu.memref_slice %arg6[%dma_start3A_112] : memref<3120xi32, #tpu.memory_space<vmem>> -> memref<80xi32, #tpu.memory_space<vmem>>
    %dma_start3A_114 = arith.constant 0 : i32
    %dma_start3A_115 = arith.constant 0 : i32
    %dma_start3A_116 = tpu.memref_slice %arg2[%dma_start3A_114, %dma_start3A_115] : memref<100000x128xf32, #tpu.memory_space<hbm>> -> memref<100000x128xf32, #tpu.memory_space<hbm>>
    tpu.enqueue_indirect_dma source(%dma_start3A_116 : memref<100000x128xf32, #tpu.memory_space<hbm>>) target(%dma_start3A_111 : memref<80x128xf32, #tpu.memory_space<vmem>>) offsets(%dma_start3A_113 : memref<80xi32, #tpu.memory_space<vmem>>) semaphore(%arg12 : memref<!tpu.dma_semaphore, #tpu.memory_space<semaphore_mem>>)
    %dma_wait3A_117 = arith.constant 0 : i32
    %dma_wait3A_118 = arith.constant 0 : i32
    %dma_wait3A_119 = tpu.memref_slice %arg8[%dma_wait3A_117, %dma_wait3A_118] : memref<240x128xf32, #tpu.memory_space<vmem>> -> memref<80x128xf32, #tpu.memory_space<vmem>>
    %dma_wait3A_120 = arith.constant 0 : i32
    %dma_wait3A_121 = tpu.memref_slice %arg6[%dma_wait3A_120] : memref<3120xi32, #tpu.memory_space<vmem>> -> memref<80xi32, #tpu.memory_space<vmem>>
    %dma_wait3A_122 = arith.constant 0 : i32
    %dma_wait3A_123 = arith.constant 0 : i32
    %dma_wait3A_124 = tpu.memref_slice %arg2[%dma_wait3A_122, %dma_wait3A_123] : memref<100000x128xf32, #tpu.memory_space<hbm>> -> memref<100000x128xf32, #tpu.memory_space<hbm>>
    tpu.wait_indirect_dma semaphore(%arg11 : memref<!tpu.dma_semaphore, #tpu.memory_space<semaphore_mem>>) src(%dma_wait3A_124 : memref<100000x128xf32, #tpu.memory_space<hbm>>) dst(%dma_wait3A_119 : memref<80x128xf32, #tpu.memory_space<vmem>>)
    %dma_wait3A_125 = arith.constant 80 : i32
    %dma_wait3A_126 = arith.constant 0 : i32
    %dma_wait3A_127 = tpu.memref_slice %arg8[%dma_wait3A_125, %dma_wait3A_126] : memref<240x128xf32, #tpu.memory_space<vmem>> -> memref<80x128xf32, #tpu.memory_space<vmem>>
    %dma_wait3A_128 = arith.constant 80 : i32
    %dma_wait3A_129 = tpu.memref_slice %arg6[%dma_wait3A_128] : memref<3120xi32, #tpu.memory_space<vmem>> -> memref<80xi32, #tpu.memory_space<vmem>>
    %dma_wait3A_130 = arith.constant 0 : i32
    %dma_wait3A_131 = arith.constant 0 : i32
    %dma_wait3A_132 = tpu.memref_slice %arg2[%dma_wait3A_130, %dma_wait3A_131] : memref<100000x128xf32, #tpu.memory_space<hbm>> -> memref<100000x128xf32, #tpu.memory_space<hbm>>
    tpu.wait_indirect_dma semaphore(%arg11 : memref<!tpu.dma_semaphore, #tpu.memory_space<semaphore_mem>>) src(%dma_wait3A_132 : memref<100000x128xf32, #tpu.memory_space<hbm>>) dst(%dma_wait3A_127 : memref<80x128xf32, #tpu.memory_space<vmem>>)
    %dma_wait3A_133 = arith.constant 160 : i32
    %dma_wait3A_134 = arith.constant 0 : i32
    %dma_wait3A_135 = tpu.memref_slice %arg8[%dma_wait3A_133, %dma_wait3A_134] : memref<240x128xf32, #tpu.memory_space<vmem>> -> memref<80x128xf32, #tpu.memory_space<vmem>>
    %dma_wait3A_136 = arith.constant 160 : i32
    %dma_wait3A_137 = tpu.memref_slice %arg6[%dma_wait3A_136] : memref<3120xi32, #tpu.memory_space<vmem>> -> memref<80xi32, #tpu.memory_space<vmem>>
    %dma_wait3A_138 = arith.constant 0 : i32
    %dma_wait3A_139 = arith.constant 0 : i32
    %dma_wait3A_140 = tpu.memref_slice %arg2[%dma_wait3A_138, %dma_wait3A_139] : memref<100000x128xf32, #tpu.memory_space<hbm>> -> memref<100000x128xf32, #tpu.memory_space<hbm>>
    tpu.wait_indirect_dma semaphore(%arg11 : memref<!tpu.dma_semaphore, #tpu.memory_space<semaphore_mem>>) src(%dma_wait3A_140 : memref<100000x128xf32, #tpu.memory_space<hbm>>) dst(%dma_wait3A_135 : memref<80x128xf32, #tpu.memory_space<vmem>>)
    %get3A = arith.constant 0 : index
    %get3A_141 = tpu.vector_load %arg7[%get3A] {strides = array<i32>} : memref<3120xf32, #tpu.memory_space<vmem>>, vector<16xf32>,
    tpu.vector_store_idx %arg8[%add3A_10, %broadcast_in_dim3A_7], %get3A_141 : memref<240x128xf32, #tpu.memory_space<vmem>>[vector<16xi32>, vector<16xi32>], vector<16xf32>,
    %get3A_142 = arith.constant 16 : index
    %get3A_143 = tpu.vector_load %arg7[%get3A_142] {strides = array<i32>} : memref<3120xf32, #tpu.memory_space<vmem>>, vector<16xf32>,
    tpu.vector_store_idx %arg8[%add3A_14, %broadcast_in_dim3A_7], %get3A_143 : memref<240x128xf32, #tpu.memory_space<vmem>>[vector<16xi32>, vector<16xi32>], vector<16xf32>,
    %get3A_144 = arith.constant 32 : index
    %get3A_145 = tpu.vector_load %arg7[%get3A_144] {strides = array<i32>} : memref<3120xf32, #tpu.memory_space<vmem>>, vector<16xf32>,
    tpu.vector_store_idx %arg8[%add3A_18, %broadcast_in_dim3A_7], %get3A_145 : memref<240x128xf32, #tpu.memory_space<vmem>>[vector<16xi32>, vector<16xi32>], vector<16xf32>,
    %get3A_146 = arith.constant 48 : index
    %get3A_147 = tpu.vector_load %arg7[%get3A_146] {strides = array<i32>} : memref<3120xf32, #tpu.memory_space<vmem>>, vector<16xf32>,
    tpu.vector_store_idx %arg8[%add3A_22, %broadcast_in_dim3A_7], %get3A_147 : memref<240x128xf32, #tpu.memory_space<vmem>>[vector<16xi32>, vector<16xi32>], vector<16xf32>,
    %get3A_148 = arith.constant 64 : index
    %get3A_149 = tpu.vector_load %arg7[%get3A_148] {strides = array<i32>} : memref<3120xf32, #tpu.memory_space<vmem>>, vector<16xf32>,
    tpu.vector_store_idx %arg8[%add3A_26, %broadcast_in_dim3A_7], %get3A_149 : memref<240x128xf32, #tpu.memory_space<vmem>>[vector<16xi32>, vector<16xi32>], vector<16xf32>,
    %get3A_150 = arith.constant 80 : index
    %get3A_151 = tpu.vector_load %arg7[%get3A_150] {strides = array<i32>} : memref<3120xf32, #tpu.memory_space<vmem>>, vector<16xf32>,
    tpu.vector_store_idx %arg8[%add3A_30, %broadcast_in_dim3A_7], %get3A_151 : memref<240x128xf32, #tpu.memory_space<vmem>>[vector<16xi32>, vector<16xi32>], vector<16xf32>,
    %get3A_152 = arith.constant 96 : index
    %get3A_153 = tpu.vector_load %arg7[%get3A_152] {strides = array<i32>} : memref<3120xf32, #tpu.memory_space<vmem>>, vector<16xf32>,
    tpu.vector_store_idx %arg8[%add3A_34, %broadcast_in_dim3A_7], %get3A_153 : memref<240x128xf32, #tpu.memory_space<vmem>>[vector<16xi32>, vector<16xi32>], vector<16xf32>,
    %get3A_154 = arith.constant 112 : index
    %get3A_155 = tpu.vector_load %arg7[%get3A_154] {strides = array<i32>} : memref<3120xf32, #tpu.memory_space<vmem>>, vector<16xf32>,
    tpu.vector_store_idx %arg8[%add3A_38, %broadcast_in_dim3A_7], %get3A_155 : memref<240x128xf32, #tpu.memory_space<vmem>>[vector<16xi32>, vector<16xi32>], vector<16xf32>,
    %get3A_156 = arith.constant 128 : index
    %get3A_157 = tpu.vector_load %arg7[%get3A_156] {strides = array<i32>} : memref<3120xf32, #tpu.memory_space<vmem>>, vector<16xf32>,
    tpu.vector_store_idx %arg8[%add3A_42, %broadcast_in_dim3A_7], %get3A_157 : memref<240x128xf32, #tpu.memory_space<vmem>>[vector<16xi32>, vector<16xi32>], vector<16xf32>,
    %get3A_158 = arith.constant 144 : index
    %get3A_159 = tpu.vector_load %arg7[%get3A_158] {strides = array<i32>} : memref<3120xf32, #tpu.memory_space<vmem>>, vector<16xf32>,
    tpu.vector_store_idx %arg8[%add3A_46, %broadcast_in_dim3A_7], %get3A_159 : memref<240x128xf32, #tpu.memory_space<vmem>>[vector<16xi32>, vector<16xi32>], vector<16xf32>,
    %get3A_160 = arith.constant 160 : index
    %get3A_161 = tpu.vector_load %arg7[%get3A_160] {strides = array<i32>} : memref<3120xf32, #tpu.memory_space<vmem>>, vector<16xf32>,
    tpu.vector_store_idx %arg8[%add3A_50, %broadcast_in_dim3A_7], %get3A_161 : memref<240x128xf32, #tpu.memory_space<vmem>>[vector<16xi32>, vector<16xi32>], vector<16xf32>,
    %get3A_162 = arith.constant 176 : index
    %get3A_163 = tpu.vector_load %arg7[%get3A_162] {strides = array<i32>} : memref<3120xf32, #tpu.memory_space<vmem>>, vector<16xf32>,
    tpu.vector_store_idx %arg8[%add3A_54, %broadcast_in_dim3A_7], %get3A_163 : memref<240x128xf32, #tpu.memory_space<vmem>>[vector<16xi32>, vector<16xi32>], vector<16xf32>,
    %get3A_164 = arith.constant 192 : index
    %get3A_165 = tpu.vector_load %arg7[%get3A_164] {strides = array<i32>} : memref<3120xf32, #tpu.memory_space<vmem>>, vector<16xf32>,
    tpu.vector_store_idx %arg8[%add3A_58, %broadcast_in_dim3A_7], %get3A_165 : memref<240x128xf32, #tpu.memory_space<vmem>>[vector<16xi32>, vector<16xi32>], vector<16xf32>,
    %get3A_166 = arith.constant 208 : index
    %get3A_167 = tpu.vector_load %arg7[%get3A_166] {strides = array<i32>} : memref<3120xf32, #tpu.memory_space<vmem>>, vector<16xf32>,
    tpu.vector_store_idx %arg8[%add3A_62, %broadcast_in_dim3A_7], %get3A_167 : memref<240x128xf32, #tpu.memory_space<vmem>>[vector<16xi32>, vector<16xi32>], vector<16xf32>,
    %get3A_168 = arith.constant 224 : index
    %get3A_169 = tpu.vector_load %arg7[%get3A_168] {strides = array<i32>} : memref<3120xf32, #tpu.memory_space<vmem>>, vector<16xf32>,
    tpu.vector_store_idx %arg8[%add3A_66, %broadcast_in_dim3A_7], %get3A_169 : memref<240x128xf32, #tpu.memory_space<vmem>>[vector<16xi32>, vector<16xi32>], vector<16xf32>,
    %add3A_170 = arith.constant 0 : i32
    %add3A_171 = arith.addi %multiple_of3A, %add3A_170 : i32
    %multiple_of3A_172 = tpu.assume_multiple %add3A_171, 8 : i32
    %dma_start3A_173 = arith.constant 0 : i32
    %dma_start3A_174 = tpu.memref_slice %arg5[%multiple_of3A_172, %dma_start3A_173] : memref<100000x128xf32, #tpu.memory_space<hbm>> -> memref<240x128xf32, #tpu.memory_space<hbm>>
    %dma_start3A_175 = arith.constant 0 : i32
    %dma_start3A_176 = tpu.memref_slice %arg5[%multiple_of3A_172, %dma_start3A_175] : memref<100000x128xf32, #tpu.memory_space<hbm>> -> memref<240x128xf32, #tpu.memory_space<hbm>>
    tpu.enqueue_dma source(%arg8 : memref<240x128xf32, #tpu.memory_space<vmem>>) target(%dma_start3A_176 : memref<240x128xf32, #tpu.memory_space<hbm>>) target_semaphore(%arg14 : memref<!tpu.dma_semaphore, #tpu.memory_space<semaphore_mem>>)
    %dma_start3A_177 = arith.constant 0 : i32
    %dma_start3A_178 = arith.constant 0 : i32
    %dma_start3A_179 = tpu.memref_slice %arg10[%dma_start3A_177, %dma_start3A_178] : memref<240x128xf32, #tpu.memory_space<vmem>> -> memref<80x128xf32, #tpu.memory_space<vmem>>
    %dma_start3A_180 = arith.constant 480 : i32
    %dma_start3A_181 = tpu.memref_slice %arg6[%dma_start3A_180] : memref<3120xi32, #tpu.memory_space<vmem>> -> memref<80xi32, #tpu.memory_space<vmem>>
    %dma_start3A_182 = arith.constant 0 : i32
    %dma_start3A_183 = arith.constant 0 : i32
    %dma_start3A_184 = tpu.memref_slice %arg2[%dma_start3A_182, %dma_start3A_183] : memref<100000x128xf32, #tpu.memory_space<hbm>> -> memref<100000x128xf32, #tpu.memory_space<hbm>>
    tpu.enqueue_indirect_dma source(%dma_start3A_184 : memref<100000x128xf32, #tpu.memory_space<hbm>>) target(%dma_start3A_179 : memref<80x128xf32, #tpu.memory_space<vmem>>) offsets(%dma_start3A_181 : memref<80xi32, #tpu.memory_space<vmem>>) semaphore(%arg13 : memref<!tpu.dma_semaphore, #tpu.memory_space<semaphore_mem>>)
    %dma_start3A_185 = arith.constant 80 : i32
    %dma_start3A_186 = arith.constant 0 : i32
    %dma_start3A_187 = tpu.memref_slice %arg10[%dma_start3A_185, %dma_start3A_186] : memref<240x128xf32, #tpu.memory_space<vmem>> -> memref<80x128xf32, #tpu.memory_space<vmem>>
    %dma_start3A_188 = arith.constant 560 : i32
    %dma_start3A_189 = tpu.memref_slice %arg6[%dma_start3A_188] : memref<3120xi32, #tpu.memory_space<vmem>> -> memref<80xi32, #tpu.memory_space<vmem>>
    %dma_start3A_190 = arith.constant 0 : i32
    %dma_start3A_191 = arith.constant 0 : i32
    %dma_start3A_192 = tpu.memref_slice %arg2[%dma_start3A_190, %dma_start3A_191] : memref<100000x128xf32, #tpu.memory_space<hbm>> -> memref<100000x128xf32, #tpu.memory_space<hbm>>
    tpu.enqueue_indirect_dma source(%dma_start3A_192 : memref<100000x128xf32, #tpu.memory_space<hbm>>) target(%dma_start3A_187 : memref<80x128xf32, #tpu.memory_space<vmem>>) offsets(%dma_start3A_189 : memref<80xi32, #tpu.memory_space<vmem>>) semaphore(%arg13 : memref<!tpu.dma_semaphore, #tpu.memory_space<semaphore_mem>>)
    %dma_start3A_193 = arith.constant 160 : i32
    %dma_start3A_194 = arith.constant 0 : i32
    %dma_start3A_195 = tpu.memref_slice %arg10[%dma_start3A_193, %dma_start3A_194] : memref<240x128xf32, #tpu.memory_space<vmem>> -> memref<80x128xf32, #tpu.memory_space<vmem>>
    %dma_start3A_196 = arith.constant 640 : i32
    %dma_start3A_197 = tpu.memref_slice %arg6[%dma_start3A_196] : memref<3120xi32, #tpu.memory_space<vmem>> -> memref<80xi32, #tpu.memory_space<vmem>>
    %dma_start3A_198 = arith.constant 0 : i32
    %dma_start3A_199 = arith.constant 0 : i32
    %dma_start3A_200 = tpu.memref_slice %arg2[%dma_start3A_198, %dma_start3A_199] : memref<100000x128xf32, #tpu.memory_space<hbm>> -> memref<100000x128xf32, #tpu.memory_space<hbm>>
    tpu.enqueue_indirect_dma source(%dma_start3A_200 : memref<100000x128xf32, #tpu.memory_space<hbm>>) target(%dma_start3A_195 : memref<80x128xf32, #tpu.memory_space<vmem>>) offsets(%dma_start3A_197 : memref<80xi32, #tpu.memory_space<vmem>>) semaphore(%arg13 : memref<!tpu.dma_semaphore, #tpu.memory_space<semaphore_mem>>)
    %dma_wait3A_201 = arith.constant 0 : i32
    %dma_wait3A_202 = arith.constant 0 : i32
    %dma_wait3A_203 = tpu.memref_slice %arg9[%dma_wait3A_201, %dma_wait3A_202] : memref<240x128xf32, #tpu.memory_space<vmem>> -> memref<80x128xf32, #tpu.memory_space<vmem>>
    %dma_wait3A_204 = arith.constant 240 : i32
    %dma_wait3A_205 = tpu.memref_slice %arg6[%dma_wait3A_204] : memref<3120xi32, #tpu.memory_space<vmem>> -> memref<80xi32, #tpu.memory_space<vmem>>
    %dma_wait3A_206 = arith.constant 0 : i32
    %dma_wait3A_207 = arith.constant 0 : i32
    %dma_wait3A_208 = tpu.memref_slice %arg2[%dma_wait3A_206, %dma_wait3A_207] : memref<100000x128xf32, #tpu.memory_space<hbm>> -> memref<100000x128xf32, #tpu.memory_space<hbm>>
    tpu.wait_indirect_dma semaphore(%arg12 : memref<!tpu.dma_semaphore, #tpu.memory_space<semaphore_mem>>) src(%dma_wait3A_208 : memref<100000x128xf32, #tpu.memory_space<hbm>>) dst(%dma_wait3A_203 : memref<80x128xf32, #tpu.memory_space<vmem>>)
    %dma_wait3A_209 = arith.constant 80 : i32
    %dma_wait3A_210 = arith.constant 0 : i32
    %dma_wait3A_211 = tpu.memref_slice %arg9[%dma_wait3A_209, %dma_wait3A_210] : memref<240x128xf32, #tpu.memory_space<vmem>> -> memref<80x128xf32, #tpu.memory_space<vmem>>
    %dma_wait3A_212 = arith.constant 320 : i32
    %dma_wait3A_213 = tpu.memref_slice %arg6[%dma_wait3A_212] : memref<3120xi32, #tpu.memory_space<vmem>> -> memref<80xi32, #tpu.memory_space<vmem>>
    %dma_wait3A_214 = arith.constant 0 : i32
    %dma_wait3A_215 = arith.constant 0 : i32
    %dma_wait3A_216 = tpu.memref_slice %arg2[%dma_wait3A_214, %dma_wait3A_215] : memref<100000x128xf32, #tpu.memory_space<hbm>> -> memref<100000x128xf32, #tpu.memory_space<hbm>>
    tpu.wait_indirect_dma semaphore(%arg12 : memref<!tpu.dma_semaphore, #tpu.memory_space<semaphore_mem>>) src(%dma_wait3A_216 : memref<100000x128xf32, #tpu.memory_space<hbm>>) dst(%dma_wait3A_211 : memref<80x128xf32, #tpu.memory_space<vmem>>)
    %dma_wait3A_217 = arith.constant 160 : i32
    %dma_wait3A_218 = arith.constant 0 : i32
    %dma_wait3A_219 = tpu.memref_slice %arg9[%dma_wait3A_217, %dma_wait3A_218] : memref<240x128xf32, #tpu.memory_space<vmem>> -> memref<80x128xf32, #tpu.memory_space<vmem>>
    %dma_wait3A_220 = arith.constant 400 : i32
    %dma_wait3A_221 = tpu.memref_slice %arg6[%dma_wait3A_220] : memref<3120xi32, #tpu.memory_space<vmem>> -> memref<80xi32, #tpu.memory_space<vmem>>
    %dma_wait3A_222 = arith.constant 0 : i32
    %dma_wait3A_223 = arith.constant 0 : i32
    %dma_wait3A_224 = tpu.memref_slice %arg2[%dma_wait3A_222, %dma_wait3A_223] : memref<100000x128xf32, #tpu.memory_space<hbm>> -> memref<100000x128xf32, #tpu.memory_space<hbm>>
    tpu.wait_indirect_dma semaphore(%arg12 : memref<!tpu.dma_semaphore, #tpu.memory_space<semaphore_mem>>) src(%dma_wait3A_224 : memref<100000x128xf32, #tpu.memory_space<hbm>>) dst(%dma_wait3A_219 : memref<80x128xf32, #tpu.memory_space<vmem>>)
    %get3A_225 = arith.constant 240 : index
    %get3A_226 = tpu.vector_load %arg7[%get3A_225] {strides = array<i32>} : memref<3120xf32, #tpu.memory_space<vmem>>, vector<16xf32>,
    tpu.vector_store_idx %arg9[%add3A_10, %broadcast_in_dim3A_7], %get3A_226 : memref<240x128xf32, #tpu.memory_space<vmem>>[vector<16xi32>, vector<16xi32>], vector<16xf32>,
    %get3A_227 = arith.constant 256 : index
    %get3A_228 = tpu.vector_load %arg7[%get3A_227] {strides = array<i32>} : memref<3120xf32, #tpu.memory_space<vmem>>, vector<16xf32>,
    tpu.vector_store_idx %arg9[%add3A_14, %broadcast_in_dim3A_7], %get3A_228 : memref<240x128xf32, #tpu.memory_space<vmem>>[vector<16xi32>, vector<16xi32>], vector<16xf32>,
    %get3A_229 = arith.constant 272 : index
    %get3A_230 = tpu.vector_load %arg7[%get3A_229] {strides = array<i32>} : memref<3120xf32, #tpu.memory_space<vmem>>, vector<16xf32>,
    tpu.vector_store_idx %arg9[%add3A_18, %broadcast_in_dim3A_7], %get3A_230 : memref<240x128xf32, #tpu.memory_space<vmem>>[vector<16xi32>, vector<16xi32>], vector<16xf32>,
    %get3A_231 = arith.constant 288 : index
    %get3A_232 = tpu.vector_load %arg7[%get3A_231] {strides = array<i32>} : memref<3120xf32, #tpu.memory_space<vmem>>, vector<16xf32>,
    tpu.vector_store_idx %arg9[%add3A_22, %broadcast_in_dim3A_7], %get3A_232 : memref<240x128xf32, #tpu.memory_space<vmem>>[vector<16xi32>, vector<16xi32>], vector<16xf32>,
    %get3A_233 = arith.constant 304 : index
    %get3A_234 = tpu.vector_load %arg7[%get3A_233] {strides = array<i32>} : memref<3120xf32, #tpu.memory_space<vmem>>, vector<16xf32>,
    tpu.vector_store_idx %arg9[%add3A_26, %broadcast_in_dim3A_7], %get3A_234 : memref<240x128xf32, #tpu.memory_space<vmem>>[vector<16xi32>, vector<16xi32>], vector<16xf32>,
    %get3A_235 = arith.constant 320 : index
    %get3A_236 = tpu.vector_load %arg7[%get3A_235] {strides = array<i32>} : memref<3120xf32, #tpu.memory_space<vmem>>, vector<16xf32>,
    tpu.vector_store_idx %arg9[%add3A_30, %broadcast_in_dim3A_7], %get3A_236 : memref<240x128xf32, #tpu.memory_space<vmem>>[vector<16xi32>, vector<16xi32>], vector<16xf32>,
    %get3A_237 = arith.constant 336 : index
    %get3A_238 = tpu.vector_load %arg7[%get3A_237] {strides = array<i32>} : memref<3120xf32, #tpu.memory_space<vmem>>, vector<16xf32>,
    tpu.vector_store_idx %arg9[%add3A_34, %broadcast_in_dim3A_7], %get3A_238 : memref<240x128xf32, #tpu.memory_space<vmem>>[vector<16xi32>, vector<16xi32>], vector<16xf32>,
    %get3A_239 = arith.constant 352 : index
    %get3A_240 = tpu.vector_load %arg7[%get3A_239] {strides = array<i32>} : memref<3120xf32, #tpu.memory_space<vmem>>, vector<16xf32>,
    tpu.vector_store_idx %arg9[%add3A_38, %broadcast_in_dim3A_7], %get3A_240 : memref<240x128xf32, #tpu.memory_space<vmem>>[vector<16xi32>, vector<16xi32>], vector<16xf32>,
    %get3A_241 = arith.constant 368 : index
    %get3A_242 = tpu.vector_load %arg7[%get3A_241] {strides = array<i32>} : memref<3120xf32, #tpu.memory_space<vmem>>, vector<16xf32>,
    tpu.vector_store_idx %arg9[%add3A_42, %broadcast_in_dim3A_7], %get3A_242 : memref<240x128xf32, #tpu.memory_space<vmem>>[vector<16xi32>, vector<16xi32>], vector<16xf32>,
    %get3A_243 = arith.constant 384 : index
    %get3A_244 = tpu.vector_load %arg7[%get3A_243] {strides = array<i32>} : memref<3120xf32, #tpu.memory_space<vmem>>, vector<16xf32>,
    tpu.vector_store_idx %arg9[%add3A_46, %broadcast_in_dim3A_7], %get3A_244 : memref<240x128xf32, #tpu.memory_space<vmem>>[vector<16xi32>, vector<16xi32>], vector<16xf32>,
    %get3A_245 = arith.constant 400 : index
    %get3A_246 = tpu.vector_load %arg7[%get3A_245] {strides = array<i32>} : memref<3120xf32, #tpu.memory_space<vmem>>, vector<16xf32>,
    tpu.vector_store_idx %arg9[%add3A_50, %broadcast_in_dim3A_7], %get3A_246 : memref<240x128xf32, #tpu.memory_space<vmem>>[vector<16xi32>, vector<16xi32>], vector<16xf32>,
    %get3A_247 = arith.constant 416 : index
    %get3A_248 = tpu.vector_load %arg7[%get3A_247] {strides = array<i32>} : memref<3120xf32, #tpu.memory_space<vmem>>, vector<16xf32>,
    tpu.vector_store_idx %arg9[%add3A_54, %broadcast_in_dim3A_7], %get3A_248 : memref<240x128xf32, #tpu.memory_space<vmem>>[vector<16xi32>, vector<16xi32>], vector<16xf32>,
    %get3A_249 = arith.constant 432 : index
    %get3A_250 = tpu.vector_load %arg7[%get3A_249] {strides = array<i32>} : memref<3120xf32, #tpu.memory_space<vmem>>, vector<16xf32>,
    tpu.vector_store_idx %arg9[%add3A_58, %broadcast_in_dim3A_7], %get3A_250 : memref<240x128xf32, #tpu.memory_space<vmem>>[vector<16xi32>, vector<16xi32>], vector<16xf32>,
    %get3A_251 = arith.constant 448 : index
    %get3A_252 = tpu.vector_load %arg7[%get3A_251] {strides = array<i32>} : memref<3120xf32, #tpu.memory_space<vmem>>, vector<16xf32>,
    tpu.vector_store_idx %arg9[%add3A_62, %broadcast_in_dim3A_7], %get3A_252 : memref<240x128xf32, #tpu.memory_space<vmem>>[vector<16xi32>, vector<16xi32>], vector<16xf32>,
    %get3A_253 = arith.constant 464 : index
    %get3A_254 = tpu.vector_load %arg7[%get3A_253] {strides = array<i32>} : memref<3120xf32, #tpu.memory_space<vmem>>, vector<16xf32>,
    tpu.vector_store_idx %arg9[%add3A_66, %broadcast_in_dim3A_7], %get3A_254 : memref<240x128xf32, #tpu.memory_space<vmem>>[vector<16xi32>, vector<16xi32>], vector<16xf32>,
    %add3A_255 = arith.constant 240 : i32
    %add3A_256 = arith.addi %multiple_of3A, %add3A_255 : i32
    %multiple_of3A_257 = tpu.assume_multiple %add3A_256, 8 : i32
    %dma_start3A_258 = arith.constant 0 : i32
    %dma_start3A_259 = tpu.memref_slice %arg5[%multiple_of3A_257, %dma_start3A_258] : memref<100000x128xf32, #tpu.memory_space<hbm>> -> memref<240x128xf32, #tpu.memory_space<hbm>>
    %dma_start3A_260 = arith.constant 0 : i32
    %dma_start3A_261 = tpu.memref_slice %arg5[%multiple_of3A_257, %dma_start3A_260] : memref<100000x128xf32, #tpu.memory_space<hbm>> -> memref<240x128xf32, #tpu.memory_space<hbm>>
    tpu.enqueue_dma source(%arg9 : memref<240x128xf32, #tpu.memory_space<vmem>>) target(%dma_start3A_261 : memref<240x128xf32, #tpu.memory_space<hbm>>) target_semaphore(%arg15 : memref<!tpu.dma_semaphore, #tpu.memory_space<semaphore_mem>>)
    %add3A_262 = arith.constant 0 : i32
    %add3A_263 = arith.addi %multiple_of3A, %add3A_262 : i32
    %multiple_of3A_264 = tpu.assume_multiple %add3A_263, 8 : i32
    %dma_wait3A_265 = arith.constant 0 : i32
    %dma_wait3A_266 = tpu.memref_slice %arg5[%multiple_of3A_264, %dma_wait3A_265] : memref<100000x128xf32, #tpu.memory_space<hbm>> -> memref<240x128xf32, #tpu.memory_space<hbm>>
    %dma_wait3A_267 = arith.constant 0 : i32
    %dma_wait3A_268 = tpu.memref_slice %arg5[%multiple_of3A_264, %dma_wait3A_267] : memref<100000x128xf32, #tpu.memory_space<hbm>> -> memref<240x128xf32, #tpu.memory_space<hbm>>
    tpu.wait_dma2 semaphore(%arg14 : memref<!tpu.dma_semaphore, #tpu.memory_space<semaphore_mem>>) src(%arg8 : memref<240x128xf32, #tpu.memory_space<vmem>>) dst(%dma_wait3A_268 : memref<240x128xf32, #tpu.memory_space<hbm>>)
    %dma_start3A_269 = arith.constant 0 : i32
    %dma_start3A_270 = arith.constant 0 : i32
    %dma_start3A_271 = tpu.memref_slice %arg8[%dma_start3A_269, %dma_start3A_270] : memref<240x128xf32, #tpu.memory_space<vmem>> -> memref<80x128xf32, #tpu.memory_space<vmem>>
    %dma_start3A_272 = arith.constant 720 : i32
    %dma_start3A_273 = tpu.memref_slice %arg6[%dma_start3A_272] : memref<3120xi32, #tpu.memory_space<vmem>> -> memref<80xi32, #tpu.memory_space<vmem>>
    %dma_start3A_274 = arith.constant 0 : i32
    %dma_start3A_275 = arith.constant 0 : i32
    %dma_start3A_276 = tpu.memref_slice %arg2[%dma_start3A_274, %dma_start3A_275] : memref<100000x128xf32, #tpu.memory_space<hbm>> -> memref<100000x128xf32, #tpu.memory_space<hbm>>
    tpu.enqueue_indirect_dma source(%dma_start3A_276 : memref<100000x128xf32, #tpu.memory_space<hbm>>) target(%dma_start3A_271 : memref<80x128xf32, #tpu.memory_space<vmem>>) offsets(%dma_start3A_273 : memref<80xi32, #tpu.memory_space<vmem>>) semaphore(%arg11 : memref<!tpu.dma_semaphore, #tpu.memory_space<semaphore_mem>>)
    %dma_start3A_277 = arith.constant 80 : i32
    %dma_start3A_278 = arith.constant 0 : i32
    %dma_start3A_279 = tpu.memref_slice %arg8[%dma_start3A_277, %dma_start3A_278] : memref<240x128xf32, #tpu.memory_space<vmem>> -> memref<80x128xf32, #tpu.memory_space<vmem>>
    %dma_start3A_280 = arith.constant 800 : i32
    %dma_start3A_281 = tpu.memref_slice %arg6[%dma_start3A_280] : memref<3120xi32, #tpu.memory_space<vmem>> -> memref<80xi32, #tpu.memory_space<vmem>>
    %dma_start3A_282 = arith.constant 0 : i32
    %dma_start3A_283 = arith.constant 0 : i32
    %dma_start3A_284 = tpu.memref_slice %arg2[%dma_start3A_282, %dma_start3A_283] : memref<100000x128xf32, #tpu.memory_space<hbm>> -> memref<100000x128xf32, #tpu.memory_space<hbm>>
    tpu.enqueue_indirect_dma source(%dma_start3A_284 : memref<100000x128xf32, #tpu.memory_space<hbm>>) target(%dma_start3A_279 : memref<80x128xf32, #tpu.memory_space<vmem>>) offsets(%dma_start3A_281 : memref<80xi32, #tpu.memory_space<vmem>>) semaphore(%arg11 : memref<!tpu.dma_semaphore, #tpu.memory_space<semaphore_mem>>)
    %dma_start3A_285 = arith.constant 160 : i32
    %dma_start3A_286 = arith.constant 0 : i32
    %dma_start3A_287 = tpu.memref_slice %arg8[%dma_start3A_285, %dma_start3A_286] : memref<240x128xf32, #tpu.memory_space<vmem>> -> memref<80x128xf32, #tpu.memory_space<vmem>>
    %dma_start3A_288 = arith.constant 880 : i32
    %dma_start3A_289 = tpu.memref_slice %arg6[%dma_start3A_288] : memref<3120xi32, #tpu.memory_space<vmem>> -> memref<80xi32, #tpu.memory_space<vmem>>
    %dma_start3A_290 = arith.constant 0 : i32
    %dma_start3A_291 = arith.constant 0 : i32
    %dma_start3A_292 = tpu.memref_slice %arg2[%dma_start3A_290, %dma_start3A_291] : memref<100000x128xf32, #tpu.memory_space<hbm>> -> memref<100000x128xf32, #tpu.memory_space<hbm>>
    tpu.enqueue_indirect_dma source(%dma_start3A_292 : memref<100000x128xf32, #tpu.memory_space<hbm>>) target(%dma_start3A_287 : memref<80x128xf32, #tpu.memory_space<vmem>>) offsets(%dma_start3A_289 : memref<80xi32, #tpu.memory_space<vmem>>) semaphore(%arg11 : memref<!tpu.dma_semaphore, #tpu.memory_space<semaphore_mem>>)
    %dma_wait3A_293 = arith.constant 0 : i32
    %dma_wait3A_294 = arith.constant 0 : i32
    %dma_wait3A_295 = tpu.memref_slice %arg10[%dma_wait3A_293, %dma_wait3A_294] : memref<240x128xf32, #tpu.memory_space<vmem>> -> memref<80x128xf32, #tpu.memory_space<vmem>>
    %dma_wait3A_296 = arith.constant 480 : i32
    %dma_wait3A_297 = tpu.memref_slice %arg6[%dma_wait3A_296] : memref<3120xi32, #tpu.memory_space<vmem>> -> memref<80xi32, #tpu.memory_space<vmem>>
    %dma_wait3A_298 = arith.constant 0 : i32
    %dma_wait3A_299 = arith.constant 0 : i32
    %dma_wait3A_300 = tpu.memref_slice %arg2[%dma_wait3A_298, %dma_wait3A_299] : memref<100000x128xf32, #tpu.memory_space<hbm>> -> memref<100000x128xf32, #tpu.memory_space<hbm>>
    tpu.wait_indirect_dma semaphore(%arg13 : memref<!tpu.dma_semaphore, #tpu.memory_space<semaphore_mem>>) src(%dma_wait3A_300 : memref<100000x128xf32, #tpu.memory_space<hbm>>) dst(%dma_wait3A_295 : memref<80x128xf32, #tpu.memory_space<vmem>>)
    %dma_wait3A_301 = arith.constant 80 : i32
    %dma_wait3A_302 = arith.constant 0 : i32
    %dma_wait3A_303 = tpu.memref_slice %arg10[%dma_wait3A_301, %dma_wait3A_302] : memref<240x128xf32, #tpu.memory_space<vmem>> -> memref<80x128xf32, #tpu.memory_space<vmem>>
    %dma_wait3A_304 = arith.constant 560 : i32
    %dma_wait3A_305 = tpu.memref_slice %arg6[%dma_wait3A_304] : memref<3120xi32, #tpu.memory_space<vmem>> -> memref<80xi32, #tpu.memory_space<vmem>>
    %dma_wait3A_306 = arith.constant 0 : i32
    %dma_wait3A_307 = arith.constant 0 : i32
    %dma_wait3A_308 = tpu.memref_slice %arg2[%dma_wait3A_306, %dma_wait3A_307] : memref<100000x128xf32, #tpu.memory_space<hbm>> -> memref<100000x128xf32, #tpu.memory_space<hbm>>
    tpu.wait_indirect_dma semaphore(%arg13 : memref<!tpu.dma_semaphore, #tpu.memory_space<semaphore_mem>>) src(%dma_wait3A_308 : memref<100000x128xf32, #tpu.memory_space<hbm>>) dst(%dma_wait3A_303 : memref<80x128xf32, #tpu.memory_space<vmem>>)
    %dma_wait3A_309 = arith.constant 160 : i32
    %dma_wait3A_310 = arith.constant 0 : i32
    %dma_wait3A_311 = tpu.memref_slice %arg10[%dma_wait3A_309, %dma_wait3A_310] : memref<240x128xf32, #tpu.memory_space<vmem>> -> memref<80x128xf32, #tpu.memory_space<vmem>>
    %dma_wait3A_312 = arith.constant 640 : i32
    %dma_wait3A_313 = tpu.memref_slice %arg6[%dma_wait3A_312] : memref<3120xi32, #tpu.memory_space<vmem>> -> memref<80xi32, #tpu.memory_space<vmem>>
    %dma_wait3A_314 = arith.constant 0 : i32
    %dma_wait3A_315 = arith.constant 0 : i32
    %dma_wait3A_316 = tpu.memref_slice %arg2[%dma_wait3A_314, %dma_wait3A_315] : memref<100000x128xf32, #tpu.memory_space<hbm>> -> memref<100000x128xf32, #tpu.memory_space<hbm>>
    tpu.wait_indirect_dma semaphore(%arg13 : memref<!tpu.dma_semaphore, #tpu.memory_space<semaphore_mem>>) src(%dma_wait3A_316 : memref<100000x128xf32, #tpu.memory_space<hbm>>) dst(%dma_wait3A_311 : memref<80x128xf32, #tpu.memory_space<vmem>>)
    %get3A_317 = arith.constant 480 : index
    %get3A_318 = tpu.vector_load %arg7[%get3A_317] {strides = array<i32>} : memref<3120xf32, #tpu.memory_space<vmem>>, vector<16xf32>,
    tpu.vector_store_idx %arg10[%add3A_10, %broadcast_in_dim3A_7], %get3A_318 : memref<240x128xf32, #tpu.memory_space<vmem>>[vector<16xi32>, vector<16xi32>], vector<16xf32>,
    %get3A_319 = arith.constant 496 : index
    %get3A_320 = tpu.vector_load %arg7[%get3A_319] {strides = array<i32>} : memref<3120xf32, #tpu.memory_space<vmem>>, vector<16xf32>,
    tpu.vector_store_idx %arg10[%add3A_14, %broadcast_in_dim3A_7], %get3A_320 : memref<240x128xf32, #tpu.memory_space<vmem>>[vector<16xi32>, vector<16xi32>], vector<16xf32>,
    %get3A_321 = arith.constant 512 : index
    %get3A_322 = tpu.vector_load %arg7[%get3A_321] {strides = array<i32>} : memref<3120xf32, #tpu.memory_space<vmem>>, vector<16xf32>,
    tpu.vector_store_idx %arg10[%add3A_18, %broadcast_in_dim3A_7], %get3A_322 : memref<240x128xf32, #tpu.memory_space<vmem>>[vector<16xi32>, vector<16xi32>], vector<16xf32>,
    %get3A_323 = arith.constant 528 : index
    %get3A_324 = tpu.vector_load %arg7[%get3A_323] {strides = array<i32>} : memref<3120xf32, #tpu.memory_space<vmem>>, vector<16xf32>,
    tpu.vector_store_idx %arg10[%add3A_22, %broadcast_in_dim3A_7], %get3A_324 : memref<240x128xf32, #tpu.memory_space<vmem>>[vector<16xi32>, vector<16xi32>], vector<16xf32>,
    %get3A_325 = arith.constant 544 : index
    %get3A_326 = tpu.vector_load %arg7[%get3A_325] {strides = array<i32>} : memref<3120xf32, #tpu.memory_space<vmem>>, vector<16xf32>,
    tpu.vector_store_idx %arg10[%add3A_26, %broadcast_in_dim3A_7], %get3A_326 : memref<240x128xf32, #tpu.memory_space<vmem>>[vector<16xi32>, vector<16xi32>], vector<16xf32>,
    %get3A_327 = arith.constant 560 : index
    %get3A_328 = tpu.vector_load %arg7[%get3A_327] {strides = array<i32>} : memref<3120xf32, #tpu.memory_space<vmem>>, vector<16xf32>,
    tpu.vector_store_idx %arg10[%add3A_30, %broadcast_in_dim3A_7], %get3A_328 : memref<240x128xf32, #tpu.memory_space<vmem>>[vector<16xi32>, vector<16xi32>], vector<16xf32>,
    %get3A_329 = arith.constant 576 : index
    %get3A_330 = tpu.vector_load %arg7[%get3A_329] {strides = array<i32>} : memref<3120xf32, #tpu.memory_space<vmem>>, vector<16xf32>,
    tpu.vector_store_idx %arg10[%add3A_34, %broadcast_in_dim3A_7], %get3A_330 : memref<240x128xf32, #tpu.memory_space<vmem>>[vector<16xi32>, vector<16xi32>], vector<16xf32>,
    %get3A_331 = arith.constant 592 : index
    %get3A_332 = tpu.vector_load %arg7[%get3A_331] {strides = array<i32>} : memref<3120xf32, #tpu.memory_space<vmem>>, vector<16xf32>,
    tpu.vector_store_idx %arg10[%add3A_38, %broadcast_in_dim3A_7], %get3A_332 : memref<240x128xf32, #tpu.memory_space<vmem>>[vector<16xi32>, vector<16xi32>], vector<16xf32>,
    %get3A_333 = arith.constant 608 : index
    %get3A_334 = tpu.vector_load %arg7[%get3A_333] {strides = array<i32>} : memref<3120xf32, #tpu.memory_space<vmem>>, vector<16xf32>,
    tpu.vector_store_idx %arg10[%add3A_42, %broadcast_in_dim3A_7], %get3A_334 : memref<240x128xf32, #tpu.memory_space<vmem>>[vector<16xi32>, vector<16xi32>], vector<16xf32>,
    %get3A_335 = arith.constant 624 : index
    %get3A_336 = tpu.vector_load %arg7[%get3A_335] {strides = array<i32>} : memref<3120xf32, #tpu.memory_space<vmem>>, vector<16xf32>,
    tpu.vector_store_idx %arg10[%add3A_46, %broadcast_in_dim3A_7], %get3A_336 : memref<240x128xf32, #tpu.memory_space<vmem>>[vector<16xi32>, vector<16xi32>], vector<16xf32>,
    %get3A_337 = arith.constant 640 : index
    %get3A_338 = tpu.vector_load %arg7[%get3A_337] {strides = array<i32>} : memref<3120xf32, #tpu.memory_space<vmem>>, vector<16xf32>,
    tpu.vector_store_idx %arg10[%add3A_50, %broadcast_in_dim3A_7], %get3A_338 : memref<240x128xf32, #tpu.memory_space<vmem>>[vector<16xi32>, vector<16xi32>], vector<16xf32>,
    %get3A_339 = arith.constant 656 : index
    %get3A_340 = tpu.vector_load %arg7[%get3A_339] {strides = array<i32>} : memref<3120xf32, #tpu.memory_space<vmem>>, vector<16xf32>,
    tpu.vector_store_idx %arg10[%add3A_54, %broadcast_in_dim3A_7], %get3A_340 : memref<240x128xf32, #tpu.memory_space<vmem>>[vector<16xi32>, vector<16xi32>], vector<16xf32>,
    %get3A_341 = arith.constant 672 : index
    %get3A_342 = tpu.vector_load %arg7[%get3A_341] {strides = array<i32>} : memref<3120xf32, #tpu.memory_space<vmem>>, vector<16xf32>,
    tpu.vector_store_idx %arg10[%add3A_58, %broadcast_in_dim3A_7], %get3A_342 : memref<240x128xf32, #tpu.memory_space<vmem>>[vector<16xi32>, vector<16xi32>], vector<16xf32>,
    %get3A_343 = arith.constant 688 : index
    %get3A_344 = tpu.vector_load %arg7[%get3A_343] {strides = array<i32>} : memref<3120xf32, #tpu.memory_space<vmem>>, vector<16xf32>,
    tpu.vector_store_idx %arg10[%add3A_62, %broadcast_in_dim3A_7], %get3A_344 : memref<240x128xf32, #tpu.memory_space<vmem>>[vector<16xi32>, vector<16xi32>], vector<16xf32>,
    %get3A_345 = arith.constant 704 : index
    %get3A_346 = tpu.vector_load %arg7[%get3A_345] {strides = array<i32>} : memref<3120xf32, #tpu.memory_space<vmem>>, vector<16xf32>,
    tpu.vector_store_idx %arg10[%add3A_66, %broadcast_in_dim3A_7], %get3A_346 : memref<240x128xf32, #tpu.memory_space<vmem>>[vector<16xi32>, vector<16xi32>], vector<16xf32>,
    %add3A_347 = arith.constant 480 : i32
    %add3A_348 = arith.addi %multiple_of3A, %add3A_347 : i32
    %multiple_of3A_349 = tpu.assume_multiple %add3A_348, 8 : i32
    %dma_start3A_350 = arith.constant 0 : i32
    %dma_start3A_351 = tpu.memref_slice %arg5[%multiple_of3A_349, %dma_start3A_350] : memref<100000x128xf32, #tpu.memory_space<hbm>> -> memref<240x128xf32, #tpu.memory_space<hbm>>
    %dma_start3A_352 = arith.constant 0 : i32
    %dma_start3A_353 = tpu.memref_slice %arg5[%multiple_of3A_349, %dma_start3A_352] : memref<100000x128xf32, #tpu.memory_space<hbm>> -> memref<240x128xf32, #tpu.memory_space<hbm>>
    tpu.enqueue_dma source(%arg10 : memref<240x128xf32, #tpu.memory_space<vmem>>) target(%dma_start3A_353 : memref<240x128xf32, #tpu.memory_space<hbm>>) target_semaphore(%arg16 : memref<!tpu.dma_semaphore, #tpu.memory_space<semaphore_mem>>)
    %add3A_354 = arith.constant 240 : i32
    %add3A_355 = arith.addi %multiple_of3A, %add3A_354 : i32
    %multiple_of3A_356 = tpu.assume_multiple %add3A_355, 8 : i32
    %dma_wait3A_357 = arith.constant 0 : i32
    %dma_wait3A_358 = tpu.memref_slice %arg5[%multiple_of3A_356, %dma_wait3A_357] : memref<100000x128xf32, #tpu.memory_space<hbm>> -> memref<240x128xf32, #tpu.memory_space<hbm>>
    %dma_wait3A_359 = arith.constant 0 : i32
    %dma_wait3A_360 = tpu.memref_slice %arg5[%multiple_of3A_356, %dma_wait3A_359] : memref<100000x128xf32, #tpu.memory_space<hbm>> -> memref<240x128xf32, #tpu.memory_space<hbm>>
    tpu.wait_dma2 semaphore(%arg15 : memref<!tpu.dma_semaphore, #tpu.memory_space<semaphore_mem>>) src(%arg9 : memref<240x128xf32, #tpu.memory_space<vmem>>) dst(%dma_wait3A_360 : memref<240x128xf32, #tpu.memory_space<hbm>>)
    %dma_start3A_361 = arith.constant 0 : i32
    %dma_start3A_362 = arith.constant 0 : i32
    %dma_start3A_363 = tpu.memref_slice %arg9[%dma_start3A_361, %dma_start3A_362] : memref<240x128xf32, #tpu.memory_space<vmem>> -> memref<80x128xf32, #tpu.memory_space<vmem>>
    %dma_start3A_364 = arith.constant 960 : i32
    %dma_start3A_365 = tpu.memref_slice %arg6[%dma_start3A_364] : memref<3120xi32, #tpu.memory_space<vmem>> -> memref<80xi32, #tpu.memory_space<vmem>>
    %dma_start3A_366 = arith.constant 0 : i32
    %dma_start3A_367 = arith.constant 0 : i32
    %dma_start3A_368 = tpu.memref_slice %arg2[%dma_start3A_366, %dma_start3A_367] : memref<100000x128xf32, #tpu.memory_space<hbm>> -> memref<100000x128xf32, #tpu.memory_space<hbm>>
    tpu.enqueue_indirect_dma source(%dma_start3A_368 : memref<100000x128xf32, #tpu.memory_space<hbm>>) target(%dma_start3A_363 : memref<80x128xf32, #tpu.memory_space<vmem>>) offsets(%dma_start3A_365 : memref<80xi32, #tpu.memory_space<vmem>>) semaphore(%arg12 : memref<!tpu.dma_semaphore, #tpu.memory_space<semaphore_mem>>)
    %dma_start3A_369 = arith.constant 80 : i32
    %dma_start3A_370 = arith.constant 0 : i32
    %dma_start3A_371 = tpu.memref_slice %arg9[%dma_start3A_369, %dma_start3A_370] : memref<240x128xf32, #tpu.memory_space<vmem>> -> memref<80x128xf32, #tpu.memory_space<vmem>>
    %dma_start3A_372 = arith.constant 1040 : i32
    %dma_start3A_373 = tpu.memref_slice %arg6[%dma_start3A_372] : memref<3120xi32, #tpu.memory_space<vmem>> -> memref<80xi32, #tpu.memory_space<vmem>>
    %dma_start3A_374 = arith.constant 0 : i32
    %dma_start3A_375 = arith.constant 0 : i32
    %dma_start3A_376 = tpu.memref_slice %arg2[%dma_start3A_374, %dma_start3A_375] : memref<100000x128xf32, #tpu.memory_space<hbm>> -> memref<100000x128xf32, #tpu.memory_space<hbm>>
    tpu.enqueue_indirect_dma source(%dma_start3A_376 : memref<100000x128xf32, #tpu.memory_space<hbm>>) target(%dma_start3A_371 : memref<80x128xf32, #tpu.memory_space<vmem>>) offsets(%dma_start3A_373 : memref<80xi32, #tpu.memory_space<vmem>>) semaphore(%arg12 : memref<!tpu.dma_semaphore, #tpu.memory_space<semaphore_mem>>)
    %dma_start3A_377 = arith.constant 160 : i32
    %dma_start3A_378 = arith.constant 0 : i32
    %dma_start3A_379 = tpu.memref_slice %arg9[%dma_start3A_377, %dma_start3A_378] : memref<240x128xf32, #tpu.memory_space<vmem>> -> memref<80x128xf32, #tpu.memory_space<vmem>>
    %dma_start3A_380 = arith.constant 1120 : i32
    %dma_start3A_381 = tpu.memref_slice %arg6[%dma_start3A_380] : memref<3120xi32, #tpu.memory_space<vmem>> -> memref<80xi32, #tpu.memory_space<vmem>>
    %dma_start3A_382 = arith.constant 0 : i32
    %dma_start3A_383 = arith.constant 0 : i32
    %dma_start3A_384 = tpu.memref_slice %arg2[%dma_start3A_382, %dma_start3A_383] : memref<100000x128xf32, #tpu.memory_space<hbm>> -> memref<100000x128xf32, #tpu.memory_space<hbm>>
    tpu.enqueue_indirect_dma source(%dma_start3A_384 : memref<100000x128xf32, #tpu.memory_space<hbm>>) target(%dma_start3A_379 : memref<80x128xf32, #tpu.memory_space<vmem>>) offsets(%dma_start3A_381 : memref<80xi32, #tpu.memory_space<vmem>>) semaphore(%arg12 : memref<!tpu.dma_semaphore, #tpu.memory_space<semaphore_mem>>)
    %dma_wait3A_385 = arith.constant 0 : i32
    %dma_wait3A_386 = arith.constant 0 : i32
    %dma_wait3A_387 = tpu.memref_slice %arg8[%dma_wait3A_385, %dma_wait3A_386] : memref<240x128xf32, #tpu.memory_space<vmem>> -> memref<80x128xf32, #tpu.memory_space<vmem>>
    %dma_wait3A_388 = arith.constant 720 : i32
    %dma_wait3A_389 = tpu.memref_slice %arg6[%dma_wait3A_388] : memref<3120xi32, #tpu.memory_space<vmem>> -> memref<80xi32, #tpu.memory_space<vmem>>
    %dma_wait3A_390 = arith.constant 0 : i32
    %dma_wait3A_391 = arith.constant 0 : i32
    %dma_wait3A_392 = tpu.memref_slice %arg2[%dma_wait3A_390, %dma_wait3A_391] : memref<100000x128xf32, #tpu.memory_space<hbm>> -> memref<100000x128xf32, #tpu.memory_space<hbm>>
    tpu.wait_indirect_dma semaphore(%arg11 : memref<!tpu.dma_semaphore, #tpu.memory_space<semaphore_mem>>) src(%dma_wait3A_392 : memref<100000x128xf32, #tpu.memory_space<hbm>>) dst(%dma_wait3A_387 : memref<80x128xf32, #tpu.memory_space<vmem>>)
    %dma_wait3A_393 = arith.constant 80 : i32
    %dma_wait3A_394 = arith.constant 0 : i32
    %dma_wait3A_395 = tpu.memref_slice %arg8[%dma_wait3A_393, %dma_wait3A_394] : memref<240x128xf32, #tpu.memory_space<vmem>> -> memref<80x128xf32, #tpu.memory_space<vmem>>
    %dma_wait3A_396 = arith.constant 800 : i32
    %dma_wait3A_397 = tpu.memref_slice %arg6[%dma_wait3A_396] : memref<3120xi32, #tpu.memory_space<vmem>> -> memref<80xi32, #tpu.memory_space<vmem>>
    %dma_wait3A_398 = arith.constant 0 : i32
    %dma_wait3A_399 = arith.constant 0 : i32
    %dma_wait3A_400 = tpu.memref_slice %arg2[%dma_wait3A_398, %dma_wait3A_399] : memref<100000x128xf32, #tpu.memory_space<hbm>> -> memref<100000x128xf32, #tpu.memory_space<hbm>>
    tpu.wait_indirect_dma semaphore(%arg11 : memref<!tpu.dma_semaphore, #tpu.memory_space<semaphore_mem>>) src(%dma_wait3A_400 : memref<100000x128xf32, #tpu.memory_space<hbm>>) dst(%dma_wait3A_395 : memref<80x128xf32, #tpu.memory_space<vmem>>)
    %dma_wait3A_401 = arith.constant 160 : i32
    %dma_wait3A_402 = arith.constant 0 : i32
    %dma_wait3A_403 = tpu.memref_slice %arg8[%dma_wait3A_401, %dma_wait3A_402] : memref<240x128xf32, #tpu.memory_space<vmem>> -> memref<80x128xf32, #tpu.memory_space<vmem>>
    %dma_wait3A_404 = arith.constant 880 : i32
    %dma_wait3A_405 = tpu.memref_slice %arg6[%dma_wait3A_404] : memref<3120xi32, #tpu.memory_space<vmem>> -> memref<80xi32, #tpu.memory_space<vmem>>
    %dma_wait3A_406 = arith.constant 0 : i32
    %dma_wait3A_407 = arith.constant 0 : i32
    %dma_wait3A_408 = tpu.memref_slice %arg2[%dma_wait3A_406, %dma_wait3A_407] : memref<100000x128xf32, #tpu.memory_space<hbm>> -> memref<100000x128xf32, #tpu.memory_space<hbm>>
    tpu.wait_indirect_dma semaphore(%arg11 : memref<!tpu.dma_semaphore, #tpu.memory_space<semaphore_mem>>) src(%dma_wait3A_408 : memref<100000x128xf32, #tpu.memory_space<hbm>>) dst(%dma_wait3A_403 : memref<80x128xf32, #tpu.memory_space<vmem>>)
    %get3A_409 = arith.constant 720 : index
    %get3A_410 = tpu.vector_load %arg7[%get3A_409] {strides = array<i32>} : memref<3120xf32, #tpu.memory_space<vmem>>, vector<16xf32>,
    tpu.vector_store_idx %arg8[%add3A_10, %broadcast_in_dim3A_7], %get3A_410 : memref<240x128xf32, #tpu.memory_space<vmem>>[vector<16xi32>, vector<16xi32>], vector<16xf32>,
    %get3A_411 = arith.constant 736 : index
    %get3A_412 = tpu.vector_load %arg7[%get3A_411] {strides = array<i32>} : memref<3120xf32, #tpu.memory_space<vmem>>, vector<16xf32>,
    tpu.vector_store_idx %arg8[%add3A_14, %broadcast_in_dim3A_7], %get3A_412 : memref<240x128xf32, #tpu.memory_space<vmem>>[vector<16xi32>, vector<16xi32>], vector<16xf32>,
    %get3A_413 = arith.constant 752 : index
    %get3A_414 = tpu.vector_load %arg7[%get3A_413] {strides = array<i32>} : memref<3120xf32, #tpu.memory_space<vmem>>, vector<16xf32>,
    tpu.vector_store_idx %arg8[%add3A_18, %broadcast_in_dim3A_7], %get3A_414 : memref<240x128xf32, #tpu.memory_space<vmem>>[vector<16xi32>, vector<16xi32>], vector<16xf32>,
    %get3A_415 = arith.constant 768 : index
    %get3A_416 = tpu.vector_load %arg7[%get3A_415] {strides = array<i32>} : memref<3120xf32, #tpu.memory_space<vmem>>, vector<16xf32>,
    tpu.vector_store_idx %arg8[%add3A_22, %broadcast_in_dim3A_7], %get3A_416 : memref<240x128xf32, #tpu.memory_space<vmem>>[vector<16xi32>, vector<16xi32>], vector<16xf32>,
    %get3A_417 = arith.constant 784 : index
    %get3A_418 = tpu.vector_load %arg7[%get3A_417] {strides = array<i32>} : memref<3120xf32, #tpu.memory_space<vmem>>, vector<16xf32>,
    tpu.vector_store_idx %arg8[%add3A_26, %broadcast_in_dim3A_7], %get3A_418 : memref<240x128xf32, #tpu.memory_space<vmem>>[vector<16xi32>, vector<16xi32>], vector<16xf32>,
    %get3A_419 = arith.constant 800 : index
    %get3A_420 = tpu.vector_load %arg7[%get3A_419] {strides = array<i32>} : memref<3120xf32, #tpu.memory_space<vmem>>, vector<16xf32>,
    tpu.vector_store_idx %arg8[%add3A_30, %broadcast_in_dim3A_7], %get3A_420 : memref<240x128xf32, #tpu.memory_space<vmem>>[vector<16xi32>, vector<16xi32>], vector<16xf32>,
    %get3A_421 = arith.constant 816 : index
    %get3A_422 = tpu.vector_load %arg7[%get3A_421] {strides = array<i32>} : memref<3120xf32, #tpu.memory_space<vmem>>, vector<16xf32>,
    tpu.vector_store_idx %arg8[%add3A_34, %broadcast_in_dim3A_7], %get3A_422 : memref<240x128xf32, #tpu.memory_space<vmem>>[vector<16xi32>, vector<16xi32>], vector<16xf32>,
    %get3A_423 = arith.constant 832 : index
    %get3A_424 = tpu.vector_load %arg7[%get3A_423] {strides = array<i32>} : memref<3120xf32, #tpu.memory_space<vmem>>, vector<16xf32>,
    tpu.vector_store_idx %arg8[%add3A_38, %broadcast_in_dim3A_7], %get3A_424 : memref<240x128xf32, #tpu.memory_space<vmem>>[vector<16xi32>, vector<16xi32>], vector<16xf32>,
    %get3A_425 = arith.constant 848 : index
    %get3A_426 = tpu.vector_load %arg7[%get3A_425] {strides = array<i32>} : memref<3120xf32, #tpu.memory_space<vmem>>, vector<16xf32>,
    tpu.vector_store_idx %arg8[%add3A_42, %broadcast_in_dim3A_7], %get3A_426 : memref<240x128xf32, #tpu.memory_space<vmem>>[vector<16xi32>, vector<16xi32>], vector<16xf32>,
    %get3A_427 = arith.constant 864 : index
    %get3A_428 = tpu.vector_load %arg7[%get3A_427] {strides = array<i32>} : memref<3120xf32, #tpu.memory_space<vmem>>, vector<16xf32>,
    tpu.vector_store_idx %arg8[%add3A_46, %broadcast_in_dim3A_7], %get3A_428 : memref<240x128xf32, #tpu.memory_space<vmem>>[vector<16xi32>, vector<16xi32>], vector<16xf32>,
    %get3A_429 = arith.constant 880 : index
    %get3A_430 = tpu.vector_load %arg7[%get3A_429] {strides = array<i32>} : memref<3120xf32, #tpu.memory_space<vmem>>, vector<16xf32>,
    tpu.vector_store_idx %arg8[%add3A_50, %broadcast_in_dim3A_7], %get3A_430 : memref<240x128xf32, #tpu.memory_space<vmem>>[vector<16xi32>, vector<16xi32>], vector<16xf32>,
    %get3A_431 = arith.constant 896 : index
    %get3A_432 = tpu.vector_load %arg7[%get3A_431] {strides = array<i32>} : memref<3120xf32, #tpu.memory_space<vmem>>, vector<16xf32>,
    tpu.vector_store_idx %arg8[%add3A_54, %broadcast_in_dim3A_7], %get3A_432 : memref<240x128xf32, #tpu.memory_space<vmem>>[vector<16xi32>, vector<16xi32>], vector<16xf32>,
    %get3A_433 = arith.constant 912 : index
    %get3A_434 = tpu.vector_load %arg7[%get3A_433] {strides = array<i32>} : memref<3120xf32, #tpu.memory_space<vmem>>, vector<16xf32>,
    tpu.vector_store_idx %arg8[%add3A_58, %broadcast_in_dim3A_7], %get3A_434 : memref<240x128xf32, #tpu.memory_space<vmem>>[vector<16xi32>, vector<16xi32>], vector<16xf32>,
    %get3A_435 = arith.constant 928 : index
    %get3A_436 = tpu.vector_load %arg7[%get3A_435] {strides = array<i32>} : memref<3120xf32, #tpu.memory_space<vmem>>, vector<16xf32>,
    tpu.vector_store_idx %arg8[%add3A_62, %broadcast_in_dim3A_7], %get3A_436 : memref<240x128xf32, #tpu.memory_space<vmem>>[vector<16xi32>, vector<16xi32>], vector<16xf32>,
    %get3A_437 = arith.constant 944 : index
    %get3A_438 = tpu.vector_load %arg7[%get3A_437] {strides = array<i32>} : memref<3120xf32, #tpu.memory_space<vmem>>, vector<16xf32>,
    tpu.vector_store_idx %arg8[%add3A_66, %broadcast_in_dim3A_7], %get3A_438 : memref<240x128xf32, #tpu.memory_space<vmem>>[vector<16xi32>, vector<16xi32>], vector<16xf32>,
    %add3A_439 = arith.constant 720 : i32
    %add3A_440 = arith.addi %multiple_of3A, %add3A_439 : i32
    %multiple_of3A_441 = tpu.assume_multiple %add3A_440, 8 : i32
    %dma_start3A_442 = arith.constant 0 : i32
    %dma_start3A_443 = tpu.memref_slice %arg5[%multiple_of3A_441, %dma_start3A_442] : memref<100000x128xf32, #tpu.memory_space<hbm>> -> memref<240x128xf32, #tpu.memory_space<hbm>>
    %dma_start3A_444 = arith.constant 0 : i32
    %dma_start3A_445 = tpu.memref_slice %arg5[%multiple_of3A_441, %dma_start3A_444] : memref<100000x128xf32, #tpu.memory_space<hbm>> -> memref<240x128xf32, #tpu.memory_space<hbm>>
    tpu.enqueue_dma source(%arg8 : memref<240x128xf32, #tpu.memory_space<vmem>>) target(%dma_start3A_445 : memref<240x128xf32, #tpu.memory_space<hbm>>) target_semaphore(%arg14 : memref<!tpu.dma_semaphore, #tpu.memory_space<semaphore_mem>>)
    %add3A_446 = arith.constant 480 : i32
    %add3A_447 = arith.addi %multiple_of3A, %add3A_446 : i32
    %multiple_of3A_448 = tpu.assume_multiple %add3A_447, 8 : i32
    %dma_wait3A_449 = arith.constant 0 : i32
    %dma_wait3A_450 = tpu.memref_slice %arg5[%multiple_of3A_448, %dma_wait3A_449] : memref<100000x128xf32, #tpu.memory_space<hbm>> -> memref<240x128xf32, #tpu.memory_space<hbm>>
    %dma_wait3A_451 = arith.constant 0 : i32
    %dma_wait3A_452 = tpu.memref_slice %arg5[%multiple_of3A_448, %dma_wait3A_451] : memref<100000x128xf32, #tpu.memory_space<hbm>> -> memref<240x128xf32, #tpu.memory_space<hbm>>
    tpu.wait_dma2 semaphore(%arg16 : memref<!tpu.dma_semaphore, #tpu.memory_space<semaphore_mem>>) src(%arg10 : memref<240x128xf32, #tpu.memory_space<vmem>>) dst(%dma_wait3A_452 : memref<240x128xf32, #tpu.memory_space<hbm>>)
    %dma_start3A_453 = arith.constant 0 : i32
    %dma_start3A_454 = arith.constant 0 : i32
    %dma_start3A_455 = tpu.memref_slice %arg10[%dma_start3A_453, %dma_start3A_454] : memref<240x128xf32, #tpu.memory_space<vmem>> -> memref<80x128xf32, #tpu.memory_space<vmem>>
    %dma_start3A_456 = arith.constant 1200 : i32
    %dma_start3A_457 = tpu.memref_slice %arg6[%dma_start3A_456] : memref<3120xi32, #tpu.memory_space<vmem>> -> memref<80xi32, #tpu.memory_space<vmem>>
    %dma_start3A_458 = arith.constant 0 : i32
    %dma_start3A_459 = arith.constant 0 : i32
    %dma_start3A_460 = tpu.memref_slice %arg2[%dma_start3A_458, %dma_start3A_459] : memref<100000x128xf32, #tpu.memory_space<hbm>> -> memref<100000x128xf32, #tpu.memory_space<hbm>>
    tpu.enqueue_indirect_dma source(%dma_start3A_460 : memref<100000x128xf32, #tpu.memory_space<hbm>>) target(%dma_start3A_455 : memref<80x128xf32, #tpu.memory_space<vmem>>) offsets(%dma_start3A_457 : memref<80xi32, #tpu.memory_space<vmem>>) semaphore(%arg13 : memref<!tpu.dma_semaphore, #tpu.memory_space<semaphore_mem>>)
    %dma_start3A_461 = arith.constant 80 : i32
    %dma_start3A_462 = arith.constant 0 : i32
    %dma_start3A_463 = tpu.memref_slice %arg10[%dma_start3A_461, %dma_start3A_462] : memref<240x128xf32, #tpu.memory_space<vmem>> -> memref<80x128xf32, #tpu.memory_space<vmem>>
    %dma_start3A_464 = arith.constant 1280 : i32
    %dma_start3A_465 = tpu.memref_slice %arg6[%dma_start3A_464] : memref<3120xi32, #tpu.memory_space<vmem>> -> memref<80xi32, #tpu.memory_space<vmem>>
    %dma_start3A_466 = arith.constant 0 : i32
    %dma_start3A_467 = arith.constant 0 : i32
    %dma_start3A_468 = tpu.memref_slice %arg2[%dma_start3A_466, %dma_start3A_467] : memref<100000x128xf32, #tpu.memory_space<hbm>> -> memref<100000x128xf32, #tpu.memory_space<hbm>>
    tpu.enqueue_indirect_dma source(%dma_start3A_468 : memref<100000x128xf32, #tpu.memory_space<hbm>>) target(%dma_start3A_463 : memref<80x128xf32, #tpu.memory_space<vmem>>) offsets(%dma_start3A_465 : memref<80xi32, #tpu.memory_space<vmem>>) semaphore(%arg13 : memref<!tpu.dma_semaphore, #tpu.memory_space<semaphore_mem>>)
    %dma_start3A_469 = arith.constant 160 : i32
    %dma_start3A_470 = arith.constant 0 : i32
    %dma_start3A_471 = tpu.memref_slice %arg10[%dma_start3A_469, %dma_start3A_470] : memref<240x128xf32, #tpu.memory_space<vmem>> -> memref<80x128xf32, #tpu.memory_space<vmem>>
    %dma_start3A_472 = arith.constant 1360 : i32
    %dma_start3A_473 = tpu.memref_slice %arg6[%dma_start3A_472] : memref<3120xi32, #tpu.memory_space<vmem>> -> memref<80xi32, #tpu.memory_space<vmem>>
    %dma_start3A_474 = arith.constant 0 : i32
    %dma_start3A_475 = arith.constant 0 : i32
    %dma_start3A_476 = tpu.memref_slice %arg2[%dma_start3A_474, %dma_start3A_475] : memref<100000x128xf32, #tpu.memory_space<hbm>> -> memref<100000x128xf32, #tpu.memory_space<hbm>>
    tpu.enqueue_indirect_dma source(%dma_start3A_476 : memref<100000x128xf32, #tpu.memory_space<hbm>>) target(%dma_start3A_471 : memref<80x128xf32, #tpu.memory_space<vmem>>) offsets(%dma_start3A_473 : memref<80xi32, #tpu.memory_space<vmem>>) semaphore(%arg13 : memref<!tpu.dma_semaphore, #tpu.memory_space<semaphore_mem>>)
    %dma_wait3A_477 = arith.constant 0 : i32
    %dma_wait3A_478 = arith.constant 0 : i32
    %dma_wait3A_479 = tpu.memref_slice %arg9[%dma_wait3A_477, %dma_wait3A_478] : memref<240x128xf32, #tpu.memory_space<vmem>> -> memref<80x128xf32, #tpu.memory_space<vmem>>
    %dma_wait3A_480 = arith.constant 960 : i32
    %dma_wait3A_481 = tpu.memref_slice %arg6[%dma_wait3A_480] : memref<3120xi32, #tpu.memory_space<vmem>> -> memref<80xi32, #tpu.memory_space<vmem>>
    %dma_wait3A_482 = arith.constant 0 : i32
    %dma_wait3A_483 = arith.constant 0 : i32
    %dma_wait3A_484 = tpu.memref_slice %arg2[%dma_wait3A_482, %dma_wait3A_483] : memref<100000x128xf32, #tpu.memory_space<hbm>> -> memref<100000x128xf32, #tpu.memory_space<hbm>>
    tpu.wait_indirect_dma semaphore(%arg12 : memref<!tpu.dma_semaphore, #tpu.memory_space<semaphore_mem>>) src(%dma_wait3A_484 : memref<100000x128xf32, #tpu.memory_space<hbm>>) dst(%dma_wait3A_479 : memref<80x128xf32, #tpu.memory_space<vmem>>)
    %dma_wait3A_485 = arith.constant 80 : i32
    %dma_wait3A_486 = arith.constant 0 : i32
    %dma_wait3A_487 = tpu.memref_slice %arg9[%dma_wait3A_485, %dma_wait3A_486] : memref<240x128xf32, #tpu.memory_space<vmem>> -> memref<80x128xf32, #tpu.memory_space<vmem>>
    %dma_wait3A_488 = arith.constant 1040 : i32
    %dma_wait3A_489 = tpu.memref_slice %arg6[%dma_wait3A_488] : memref<3120xi32, #tpu.memory_space<vmem>> -> memref<80xi32, #tpu.memory_space<vmem>>
    %dma_wait3A_490 = arith.constant 0 : i32
    %dma_wait3A_491 = arith.constant 0 : i32
    %dma_wait3A_492 = tpu.memref_slice %arg2[%dma_wait3A_490, %dma_wait3A_491] : memref<100000x128xf32, #tpu.memory_space<hbm>> -> memref<100000x128xf32, #tpu.memory_space<hbm>>
    tpu.wait_indirect_dma semaphore(%arg12 : memref<!tpu.dma_semaphore, #tpu.memory_space<semaphore_mem>>) src(%dma_wait3A_492 : memref<100000x128xf32, #tpu.memory_space<hbm>>) dst(%dma_wait3A_487 : memref<80x128xf32, #tpu.memory_space<vmem>>)
    %dma_wait3A_493 = arith.constant 160 : i32
    %dma_wait3A_494 = arith.constant 0 : i32
    %dma_wait3A_495 = tpu.memref_slice %arg9[%dma_wait3A_493, %dma_wait3A_494] : memref<240x128xf32, #tpu.memory_space<vmem>> -> memref<80x128xf32, #tpu.memory_space<vmem>>
    %dma_wait3A_496 = arith.constant 1120 : i32
    %dma_wait3A_497 = tpu.memref_slice %arg6[%dma_wait3A_496] : memref<3120xi32, #tpu.memory_space<vmem>> -> memref<80xi32, #tpu.memory_space<vmem>>
    %dma_wait3A_498 = arith.constant 0 : i32
    %dma_wait3A_499 = arith.constant 0 : i32
    %dma_wait3A_500 = tpu.memref_slice %arg2[%dma_wait3A_498, %dma_wait3A_499] : memref<100000x128xf32, #tpu.memory_space<hbm>> -> memref<100000x128xf32, #tpu.memory_space<hbm>>
    tpu.wait_indirect_dma semaphore(%arg12 : memref<!tpu.dma_semaphore, #tpu.memory_space<semaphore_mem>>) src(%dma_wait3A_500 : memref<100000x128xf32, #tpu.memory_space<hbm>>) dst(%dma_wait3A_495 : memref<80x128xf32, #tpu.memory_space<vmem>>)
    %get3A_501 = arith.constant 960 : index
    %get3A_502 = tpu.vector_load %arg7[%get3A_501] {strides = array<i32>} : memref<3120xf32, #tpu.memory_space<vmem>>, vector<16xf32>,
    tpu.vector_store_idx %arg9[%add3A_10, %broadcast_in_dim3A_7], %get3A_502 : memref<240x128xf32, #tpu.memory_space<vmem>>[vector<16xi32>, vector<16xi32>], vector<16xf32>,
    %get3A_503 = arith.constant 976 : index
    %get3A_504 = tpu.vector_load %arg7[%get3A_503] {strides = array<i32>} : memref<3120xf32, #tpu.memory_space<vmem>>, vector<16xf32>,
    tpu.vector_store_idx %arg9[%add3A_14, %broadcast_in_dim3A_7], %get3A_504 : memref<240x128xf32, #tpu.memory_space<vmem>>[vector<16xi32>, vector<16xi32>], vector<16xf32>,
    %get3A_505 = arith.constant 992 : index
    %get3A_506 = tpu.vector_load %arg7[%get3A_505] {strides = array<i32>} : memref<3120xf32, #tpu.memory_space<vmem>>, vector<16xf32>,
    tpu.vector_store_idx %arg9[%add3A_18, %broadcast_in_dim3A_7], %get3A_506 : memref<240x128xf32, #tpu.memory_space<vmem>>[vector<16xi32>, vector<16xi32>], vector<16xf32>,
    %get3A_507 = arith.constant 1008 : index
    %get3A_508 = tpu.vector_load %arg7[%get3A_507] {strides = array<i32>} : memref<3120xf32, #tpu.memory_space<vmem>>, vector<16xf32>,
    tpu.vector_store_idx %arg9[%add3A_22, %broadcast_in_dim3A_7], %get3A_508 : memref<240x128xf32, #tpu.memory_space<vmem>>[vector<16xi32>, vector<16xi32>], vector<16xf32>,
    %get3A_509 = arith.constant 1024 : index
    %get3A_510 = tpu.vector_load %arg7[%get3A_509] {strides = array<i32>} : memref<3120xf32, #tpu.memory_space<vmem>>, vector<16xf32>,
    tpu.vector_store_idx %arg9[%add3A_26, %broadcast_in_dim3A_7], %get3A_510 : memref<240x128xf32, #tpu.memory_space<vmem>>[vector<16xi32>, vector<16xi32>], vector<16xf32>,
    %get3A_511 = arith.constant 1040 : index
    %get3A_512 = tpu.vector_load %arg7[%get3A_511] {strides = array<i32>} : memref<3120xf32, #tpu.memory_space<vmem>>, vector<16xf32>,
    tpu.vector_store_idx %arg9[%add3A_30, %broadcast_in_dim3A_7], %get3A_512 : memref<240x128xf32, #tpu.memory_space<vmem>>[vector<16xi32>, vector<16xi32>], vector<16xf32>,
    %get3A_513 = arith.constant 1056 : index
    %get3A_514 = tpu.vector_load %arg7[%get3A_513] {strides = array<i32>} : memref<3120xf32, #tpu.memory_space<vmem>>, vector<16xf32>,
    tpu.vector_store_idx %arg9[%add3A_34, %broadcast_in_dim3A_7], %get3A_514 : memref<240x128xf32, #tpu.memory_space<vmem>>[vector<16xi32>, vector<16xi32>], vector<16xf32>,
    %get3A_515 = arith.constant 1072 : index
    %get3A_516 = tpu.vector_load %arg7[%get3A_515] {strides = array<i32>} : memref<3120xf32, #tpu.memory_space<vmem>>, vector<16xf32>,
    tpu.vector_store_idx %arg9[%add3A_38, %broadcast_in_dim3A_7], %get3A_516 : memref<240x128xf32, #tpu.memory_space<vmem>>[vector<16xi32>, vector<16xi32>], vector<16xf32>,
    %get3A_517 = arith.constant 1088 : index
    %get3A_518 = tpu.vector_load %arg7[%get3A_517] {strides = array<i32>} : memref<3120xf32, #tpu.memory_space<vmem>>, vector<16xf32>,
    tpu.vector_store_idx %arg9[%add3A_42, %broadcast_in_dim3A_7], %get3A_518 : memref<240x128xf32, #tpu.memory_space<vmem>>[vector<16xi32>, vector<16xi32>], vector<16xf32>,
    %get3A_519 = arith.constant 1104 : index
    %get3A_520 = tpu.vector_load %arg7[%get3A_519] {strides = array<i32>} : memref<3120xf32, #tpu.memory_space<vmem>>, vector<16xf32>,
    tpu.vector_store_idx %arg9[%add3A_46, %broadcast_in_dim3A_7], %get3A_520 : memref<240x128xf32, #tpu.memory_space<vmem>>[vector<16xi32>, vector<16xi32>], vector<16xf32>,
    %get3A_521 = arith.constant 1120 : index
    %get3A_522 = tpu.vector_load %arg7[%get3A_521] {strides = array<i32>} : memref<3120xf32, #tpu.memory_space<vmem>>, vector<16xf32>,
    tpu.vector_store_idx %arg9[%add3A_50, %broadcast_in_dim3A_7], %get3A_522 : memref<240x128xf32, #tpu.memory_space<vmem>>[vector<16xi32>, vector<16xi32>], vector<16xf32>,
    %get3A_523 = arith.constant 1136 : index
    %get3A_524 = tpu.vector_load %arg7[%get3A_523] {strides = array<i32>} : memref<3120xf32, #tpu.memory_space<vmem>>, vector<16xf32>,
    tpu.vector_store_idx %arg9[%add3A_54, %broadcast_in_dim3A_7], %get3A_524 : memref<240x128xf32, #tpu.memory_space<vmem>>[vector<16xi32>, vector<16xi32>], vector<16xf32>,
    %get3A_525 = arith.constant 1152 : index
    %get3A_526 = tpu.vector_load %arg7[%get3A_525] {strides = array<i32>} : memref<3120xf32, #tpu.memory_space<vmem>>, vector<16xf32>,
    tpu.vector_store_idx %arg9[%add3A_58, %broadcast_in_dim3A_7], %get3A_526 : memref<240x128xf32, #tpu.memory_space<vmem>>[vector<16xi32>, vector<16xi32>], vector<16xf32>,
    %get3A_527 = arith.constant 1168 : index
    %get3A_528 = tpu.vector_load %arg7[%get3A_527] {strides = array<i32>} : memref<3120xf32, #tpu.memory_space<vmem>>, vector<16xf32>,
    tpu.vector_store_idx %arg9[%add3A_62, %broadcast_in_dim3A_7], %get3A_528 : memref<240x128xf32, #tpu.memory_space<vmem>>[vector<16xi32>, vector<16xi32>], vector<16xf32>,
    %get3A_529 = arith.constant 1184 : index
    %get3A_530 = tpu.vector_load %arg7[%get3A_529] {strides = array<i32>} : memref<3120xf32, #tpu.memory_space<vmem>>, vector<16xf32>,
    tpu.vector_store_idx %arg9[%add3A_66, %broadcast_in_dim3A_7], %get3A_530 : memref<240x128xf32, #tpu.memory_space<vmem>>[vector<16xi32>, vector<16xi32>], vector<16xf32>,
    %add3A_531 = arith.constant 960 : i32
    %add3A_532 = arith.addi %multiple_of3A, %add3A_531 : i32
    %multiple_of3A_533 = tpu.assume_multiple %add3A_532, 8 : i32
    %dma_start3A_534 = arith.constant 0 : i32
    %dma_start3A_535 = tpu.memref_slice %arg5[%multiple_of3A_533, %dma_start3A_534] : memref<100000x128xf32, #tpu.memory_space<hbm>> -> memref<240x128xf32, #tpu.memory_space<hbm>>
    %dma_start3A_536 = arith.constant 0 : i32
    %dma_start3A_537 = tpu.memref_slice %arg5[%multiple_of3A_533, %dma_start3A_536] : memref<100000x128xf32, #tpu.memory_space<hbm>> -> memref<240x128xf32, #tpu.memory_space<hbm>>
    tpu.enqueue_dma source(%arg9 : memref<240x128xf32, #tpu.memory_space<vmem>>) target(%dma_start3A_537 : memref<240x128xf32, #tpu.memory_space<hbm>>) target_semaphore(%arg15 : memref<!tpu.dma_semaphore, #tpu.memory_space<semaphore_mem>>)
    %add3A_538 = arith.constant 720 : i32
    %add3A_539 = arith.addi %multiple_of3A, %add3A_538 : i32
    %multiple_of3A_540 = tpu.assume_multiple %add3A_539, 8 : i32
    %dma_wait3A_541 = arith.constant 0 : i32
    %dma_wait3A_542 = tpu.memref_slice %arg5[%multiple_of3A_540, %dma_wait3A_541] : memref<100000x128xf32, #tpu.memory_space<hbm>> -> memref<240x128xf32, #tpu.memory_space<hbm>>
    %dma_wait3A_543 = arith.constant 0 : i32
    %dma_wait3A_544 = tpu.memref_slice %arg5[%multiple_of3A_540, %dma_wait3A_543] : memref<100000x128xf32, #tpu.memory_space<hbm>> -> memref<240x128xf32, #tpu.memory_space<hbm>>
    tpu.wait_dma2 semaphore(%arg14 : memref<!tpu.dma_semaphore, #tpu.memory_space<semaphore_mem>>) src(%arg8 : memref<240x128xf32, #tpu.memory_space<vmem>>) dst(%dma_wait3A_544 : memref<240x128xf32, #tpu.memory_space<hbm>>)
    %dma_start3A_545 = arith.constant 0 : i32
    %dma_start3A_546 = arith.constant 0 : i32
    %dma_start3A_547 = tpu.memref_slice %arg8[%dma_start3A_545, %dma_start3A_546] : memref<240x128xf32, #tpu.memory_space<vmem>> -> memref<80x128xf32, #tpu.memory_space<vmem>>
    %dma_start3A_548 = arith.constant 1440 : i32
    %dma_start3A_549 = tpu.memref_slice %arg6[%dma_start3A_548] : memref<3120xi32, #tpu.memory_space<vmem>> -> memref<80xi32, #tpu.memory_space<vmem>>
    %dma_start3A_550 = arith.constant 0 : i32
    %dma_start3A_551 = arith.constant 0 : i32
    %dma_start3A_552 = tpu.memref_slice %arg2[%dma_start3A_550, %dma_start3A_551] : memref<100000x128xf32, #tpu.memory_space<hbm>> -> memref<100000x128xf32, #tpu.memory_space<hbm>>
    tpu.enqueue_indirect_dma source(%dma_start3A_552 : memref<100000x128xf32, #tpu.memory_space<hbm>>) target(%dma_start3A_547 : memref<80x128xf32, #tpu.memory_space<vmem>>) offsets(%dma_start3A_549 : memref<80xi32, #tpu.memory_space<vmem>>) semaphore(%arg11 : memref<!tpu.dma_semaphore, #tpu.memory_space<semaphore_mem>>)
    %dma_start3A_553 = arith.constant 80 : i32
    %dma_start3A_554 = arith.constant 0 : i32
    %dma_start3A_555 = tpu.memref_slice %arg8[%dma_start3A_553, %dma_start3A_554] : memref<240x128xf32, #tpu.memory_space<vmem>> -> memref<80x128xf32, #tpu.memory_space<vmem>>
    %dma_start3A_556 = arith.constant 1520 : i32
    %dma_start3A_557 = tpu.memref_slice %arg6[%dma_start3A_556] : memref<3120xi32, #tpu.memory_space<vmem>> -> memref<80xi32, #tpu.memory_space<vmem>>
    %dma_start3A_558 = arith.constant 0 : i32
    %dma_start3A_559 = arith.constant 0 : i32
    %dma_start3A_560 = tpu.memref_slice %arg2[%dma_start3A_558, %dma_start3A_559] : memref<100000x128xf32, #tpu.memory_space<hbm>> -> memref<100000x128xf32, #tpu.memory_space<hbm>>
    tpu.enqueue_indirect_dma source(%dma_start3A_560 : memref<100000x128xf32, #tpu.memory_space<hbm>>) target(%dma_start3A_555 : memref<80x128xf32, #tpu.memory_space<vmem>>) offsets(%dma_start3A_557 : memref<80xi32, #tpu.memory_space<vmem>>) semaphore(%arg11 : memref<!tpu.dma_semaphore, #tpu.memory_space<semaphore_mem>>)
    %dma_start3A_561 = arith.constant 160 : i32
    %dma_start3A_562 = arith.constant 0 : i32
    %dma_start3A_563 = tpu.memref_slice %arg8[%dma_start3A_561, %dma_start3A_562] : memref<240x128xf32, #tpu.memory_space<vmem>> -> memref<80x128xf32, #tpu.memory_space<vmem>>
    %dma_start3A_564 = arith.constant 1600 : i32
    %dma_start3A_565 = tpu.memref_slice %arg6[%dma_start3A_564] : memref<3120xi32, #tpu.memory_space<vmem>> -> memref<80xi32, #tpu.memory_space<vmem>>
    %dma_start3A_566 = arith.constant 0 : i32
    %dma_start3A_567 = arith.constant 0 : i32
    %dma_start3A_568 = tpu.memref_slice %arg2[%dma_start3A_566, %dma_start3A_567] : memref<100000x128xf32, #tpu.memory_space<hbm>> -> memref<100000x128xf32, #tpu.memory_space<hbm>>
    tpu.enqueue_indirect_dma source(%dma_start3A_568 : memref<100000x128xf32, #tpu.memory_space<hbm>>) target(%dma_start3A_563 : memref<80x128xf32, #tpu.memory_space<vmem>>) offsets(%dma_start3A_565 : memref<80xi32, #tpu.memory_space<vmem>>) semaphore(%arg11 : memref<!tpu.dma_semaphore, #tpu.memory_space<semaphore_mem>>)
    %dma_wait3A_569 = arith.constant 0 : i32
    %dma_wait3A_570 = arith.constant 0 : i32
    %dma_wait3A_571 = tpu.memref_slice %arg10[%dma_wait3A_569, %dma_wait3A_570] : memref<240x128xf32, #tpu.memory_space<vmem>> -> memref<80x128xf32, #tpu.memory_space<vmem>>
    %dma_wait3A_572 = arith.constant 1200 : i32
    %dma_wait3A_573 = tpu.memref_slice %arg6[%dma_wait3A_572] : memref<3120xi32, #tpu.memory_space<vmem>> -> memref<80xi32, #tpu.memory_space<vmem>>
    %dma_wait3A_574 = arith.constant 0 : i32
    %dma_wait3A_575 = arith.constant 0 : i32
    %dma_wait3A_576 = tpu.memref_slice %arg2[%dma_wait3A_574, %dma_wait3A_575] : memref<100000x128xf32, #tpu.memory_space<hbm>> -> memref<100000x128xf32, #tpu.memory_space<hbm>>
    tpu.wait_indirect_dma semaphore(%arg13 : memref<!tpu.dma_semaphore, #tpu.memory_space<semaphore_mem>>) src(%dma_wait3A_576 : memref<100000x128xf32, #tpu.memory_space<hbm>>) dst(%dma_wait3A_571 : memref<80x128xf32, #tpu.memory_space<vmem>>)
    %dma_wait3A_577 = arith.constant 80 : i32
    %dma_wait3A_578 = arith.constant 0 : i32
    %dma_wait3A_579 = tpu.memref_slice %arg10[%dma_wait3A_577, %dma_wait3A_578] : memref<240x128xf32, #tpu.memory_space<vmem>> -> memref<80x128xf32, #tpu.memory_space<vmem>>
    %dma_wait3A_580 = arith.constant 1280 : i32
    %dma_wait3A_581 = tpu.memref_slice %arg6[%dma_wait3A_580] : memref<3120xi32, #tpu.memory_space<vmem>> -> memref<80xi32, #tpu.memory_space<vmem>>
    %dma_wait3A_582 = arith.constant 0 : i32
    %dma_wait3A_583 = arith.constant 0 : i32
    %dma_wait3A_584 = tpu.memref_slice %arg2[%dma_wait3A_582, %dma_wait3A_583] : memref<100000x128xf32, #tpu.memory_space<hbm>> -> memref<100000x128xf32, #tpu.memory_space<hbm>>
    tpu.wait_indirect_dma semaphore(%arg13 : memref<!tpu.dma_semaphore, #tpu.memory_space<semaphore_mem>>) src(%dma_wait3A_584 : memref<100000x128xf32, #tpu.memory_space<hbm>>) dst(%dma_wait3A_579 : memref<80x128xf32, #tpu.memory_space<vmem>>)
    %dma_wait3A_585 = arith.constant 160 : i32
    %dma_wait3A_586 = arith.constant 0 : i32
    %dma_wait3A_587 = tpu.memref_slice %arg10[%dma_wait3A_585, %dma_wait3A_586] : memref<240x128xf32, #tpu.memory_space<vmem>> -> memref<80x128xf32, #tpu.memory_space<vmem>>
    %dma_wait3A_588 = arith.constant 1360 : i32
    %dma_wait3A_589 = tpu.memref_slice %arg6[%dma_wait3A_588] : memref<3120xi32, #tpu.memory_space<vmem>> -> memref<80xi32, #tpu.memory_space<vmem>>
    %dma_wait3A_590 = arith.constant 0 : i32
    %dma_wait3A_591 = arith.constant 0 : i32
    %dma_wait3A_592 = tpu.memref_slice %arg2[%dma_wait3A_590, %dma_wait3A_591] : memref<100000x128xf32, #tpu.memory_space<hbm>> -> memref<100000x128xf32, #tpu.memory_space<hbm>>
    tpu.wait_indirect_dma semaphore(%arg13 : memref<!tpu.dma_semaphore, #tpu.memory_space<semaphore_mem>>) src(%dma_wait3A_592 : memref<100000x128xf32, #tpu.memory_space<hbm>>) dst(%dma_wait3A_587 : memref<80x128xf32, #tpu.memory_space<vmem>>)
    %get3A_593 = arith.constant 1200 : index
    %get3A_594 = tpu.vector_load %arg7[%get3A_593] {strides = array<i32>} : memref<3120xf32, #tpu.memory_space<vmem>>, vector<16xf32>,
    tpu.vector_store_idx %arg10[%add3A_10, %broadcast_in_dim3A_7], %get3A_594 : memref<240x128xf32, #tpu.memory_space<vmem>>[vector<16xi32>, vector<16xi32>], vector<16xf32>,
    %get3A_595 = arith.constant 1216 : index
    %get3A_596 = tpu.vector_load %arg7[%get3A_595] {strides = array<i32>} : memref<3120xf32, #tpu.memory_space<vmem>>, vector<16xf32>,
    tpu.vector_store_idx %arg10[%add3A_14, %broadcast_in_dim3A_7], %get3A_596 : memref<240x128xf32, #tpu.memory_space<vmem>>[vector<16xi32>, vector<16xi32>], vector<16xf32>,
    %get3A_597 = arith.constant 1232 : index
    %get3A_598 = tpu.vector_load %arg7[%get3A_597] {strides = array<i32>} : memref<3120xf32, #tpu.memory_space<vmem>>, vector<16xf32>,
    tpu.vector_store_idx %arg10[%add3A_18, %broadcast_in_dim3A_7], %get3A_598 : memref<240x128xf32, #tpu.memory_space<vmem>>[vector<16xi32>, vector<16xi32>], vector<16xf32>,
    %get3A_599 = arith.constant 1248 : index
    %get3A_600 = tpu.vector_load %arg7[%get3A_599] {strides = array<i32>} : memref<3120xf32, #tpu.memory_space<vmem>>, vector<16xf32>,
    tpu.vector_store_idx %arg10[%add3A_22, %broadcast_in_dim3A_7], %get3A_600 : memref<240x128xf32, #tpu.memory_space<vmem>>[vector<16xi32>, vector<16xi32>], vector<16xf32>,
    %get3A_601 = arith.constant 1264 : index
    %get3A_602 = tpu.vector_load %arg7[%get3A_601] {strides = array<i32>} : memref<3120xf32, #tpu.memory_space<vmem>>, vector<16xf32>,
    tpu.vector_store_idx %arg10[%add3A_26, %broadcast_in_dim3A_7], %get3A_602 : memref<240x128xf32, #tpu.memory_space<vmem>>[vector<16xi32>, vector<16xi32>], vector<16xf32>,
    %get3A_603 = arith.constant 1280 : index
    %get3A_604 = tpu.vector_load %arg7[%get3A_603] {strides = array<i32>} : memref<3120xf32, #tpu.memory_space<vmem>>, vector<16xf32>,
    tpu.vector_store_idx %arg10[%add3A_30, %broadcast_in_dim3A_7], %get3A_604 : memref<240x128xf32, #tpu.memory_space<vmem>>[vector<16xi32>, vector<16xi32>], vector<16xf32>,
    %get3A_605 = arith.constant 1296 : index
    %get3A_606 = tpu.vector_load %arg7[%get3A_605] {strides = array<i32>} : memref<3120xf32, #tpu.memory_space<vmem>>, vector<16xf32>,
    tpu.vector_store_idx %arg10[%add3A_34, %broadcast_in_dim3A_7], %get3A_606 : memref<240x128xf32, #tpu.memory_space<vmem>>[vector<16xi32>, vector<16xi32>], vector<16xf32>,
    %get3A_607 = arith.constant 1312 : index
    %get3A_608 = tpu.vector_load %arg7[%get3A_607] {strides = array<i32>} : memref<3120xf32, #tpu.memory_space<vmem>>, vector<16xf32>,
    tpu.vector_store_idx %arg10[%add3A_38, %broadcast_in_dim3A_7], %get3A_608 : memref<240x128xf32, #tpu.memory_space<vmem>>[vector<16xi32>, vector<16xi32>], vector<16xf32>,
    %get3A_609 = arith.constant 1328 : index
    %get3A_610 = tpu.vector_load %arg7[%get3A_609] {strides = array<i32>} : memref<3120xf32, #tpu.memory_space<vmem>>, vector<16xf32>,
    tpu.vector_store_idx %arg10[%add3A_42, %broadcast_in_dim3A_7], %get3A_610 : memref<240x128xf32, #tpu.memory_space<vmem>>[vector<16xi32>, vector<16xi32>], vector<16xf32>,
    %get3A_611 = arith.constant 1344 : index
    %get3A_612 = tpu.vector_load %arg7[%get3A_611] {strides = array<i32>} : memref<3120xf32, #tpu.memory_space<vmem>>, vector<16xf32>,
    tpu.vector_store_idx %arg10[%add3A_46, %broadcast_in_dim3A_7], %get3A_612 : memref<240x128xf32, #tpu.memory_space<vmem>>[vector<16xi32>, vector<16xi32>], vector<16xf32>,
    %get3A_613 = arith.constant 1360 : index
    %get3A_614 = tpu.vector_load %arg7[%get3A_613] {strides = array<i32>} : memref<3120xf32, #tpu.memory_space<vmem>>, vector<16xf32>,
    tpu.vector_store_idx %arg10[%add3A_50, %broadcast_in_dim3A_7], %get3A_614 : memref<240x128xf32, #tpu.memory_space<vmem>>[vector<16xi32>, vector<16xi32>], vector<16xf32>,
    %get3A_615 = arith.constant 1376 : index
    %get3A_616 = tpu.vector_load %arg7[%get3A_615] {strides = array<i32>} : memref<3120xf32, #tpu.memory_space<vmem>>, vector<16xf32>,
    tpu.vector_store_idx %arg10[%add3A_54, %broadcast_in_dim3A_7], %get3A_616 : memref<240x128xf32, #tpu.memory_space<vmem>>[vector<16xi32>, vector<16xi32>], vector<16xf32>,
    %get3A_617 = arith.constant 1392 : index
    %get3A_618 = tpu.vector_load %arg7[%get3A_617] {strides = array<i32>} : memref<3120xf32, #tpu.memory_space<vmem>>, vector<16xf32>,
    tpu.vector_store_idx %arg10[%add3A_58, %broadcast_in_dim3A_7], %get3A_618 : memref<240x128xf32, #tpu.memory_space<vmem>>[vector<16xi32>, vector<16xi32>], vector<16xf32>,
    %get3A_619 = arith.constant 1408 : index
    %get3A_620 = tpu.vector_load %arg7[%get3A_619] {strides = array<i32>} : memref<3120xf32, #tpu.memory_space<vmem>>, vector<16xf32>,
    tpu.vector_store_idx %arg10[%add3A_62, %broadcast_in_dim3A_7], %get3A_620 : memref<240x128xf32, #tpu.memory_space<vmem>>[vector<16xi32>, vector<16xi32>], vector<16xf32>,
    %get3A_621 = arith.constant 1424 : index
    %get3A_622 = tpu.vector_load %arg7[%get3A_621] {strides = array<i32>} : memref<3120xf32, #tpu.memory_space<vmem>>, vector<16xf32>,
    tpu.vector_store_idx %arg10[%add3A_66, %broadcast_in_dim3A_7], %get3A_622 : memref<240x128xf32, #tpu.memory_space<vmem>>[vector<16xi32>, vector<16xi32>], vector<16xf32>,
    %add3A_623 = arith.constant 1200 : i32
    %add3A_624 = arith.addi %multiple_of3A, %add3A_623 : i32
    %multiple_of3A_625 = tpu.assume_multiple %add3A_624, 8 : i32
    %dma_start3A_626 = arith.constant 0 : i32
    %dma_start3A_627 = tpu.memref_slice %arg5[%multiple_of3A_625, %dma_start3A_626] : memref<100000x128xf32, #tpu.memory_space<hbm>> -> memref<240x128xf32, #tpu.memory_space<hbm>>
    %dma_start3A_628 = arith.constant 0 : i32
    %dma_start3A_629 = tpu.memref_slice %arg5[%multiple_of3A_625, %dma_start3A_628] : memref<100000x128xf32, #tpu.memory_space<hbm>> -> memref<240x128xf32, #tpu.memory_space<hbm>>
    tpu.enqueue_dma source(%arg10 : memref<240x128xf32, #tpu.memory_space<vmem>>) target(%dma_start3A_629 : memref<240x128xf32, #tpu.memory_space<hbm>>) target_semaphore(%arg16 : memref<!tpu.dma_semaphore, #tpu.memory_space<semaphore_mem>>)
    %add3A_630 = arith.constant 960 : i32
    %add3A_631 = arith.addi %multiple_of3A, %add3A_630 : i32
    %multiple_of3A_632 = tpu.assume_multiple %add3A_631, 8 : i32
    %dma_wait3A_633 = arith.constant 0 : i32
    %dma_wait3A_634 = tpu.memref_slice %arg5[%multiple_of3A_632, %dma_wait3A_633] : memref<100000x128xf32, #tpu.memory_space<hbm>> -> memref<240x128xf32, #tpu.memory_space<hbm>>
    %dma_wait3A_635 = arith.constant 0 : i32
    %dma_wait3A_636 = tpu.memref_slice %arg5[%multiple_of3A_632, %dma_wait3A_635] : memref<100000x128xf32, #tpu.memory_space<hbm>> -> memref<240x128xf32, #tpu.memory_space<hbm>>
    tpu.wait_dma2 semaphore(%arg15 : memref<!tpu.dma_semaphore, #tpu.memory_space<semaphore_mem>>) src(%arg9 : memref<240x128xf32, #tpu.memory_space<vmem>>) dst(%dma_wait3A_636 : memref<240x128xf32, #tpu.memory_space<hbm>>)
    %dma_start3A_637 = arith.constant 0 : i32
    %dma_start3A_638 = arith.constant 0 : i32
    %dma_start3A_639 = tpu.memref_slice %arg9[%dma_start3A_637, %dma_start3A_638] : memref<240x128xf32, #tpu.memory_space<vmem>> -> memref<80x128xf32, #tpu.memory_space<vmem>>
    %dma_start3A_640 = arith.constant 1680 : i32
    %dma_start3A_641 = tpu.memref_slice %arg6[%dma_start3A_640] : memref<3120xi32, #tpu.memory_space<vmem>> -> memref<80xi32, #tpu.memory_space<vmem>>
    %dma_start3A_642 = arith.constant 0 : i32
    %dma_start3A_643 = arith.constant 0 : i32
    %dma_start3A_644 = tpu.memref_slice %arg2[%dma_start3A_642, %dma_start3A_643] : memref<100000x128xf32, #tpu.memory_space<hbm>> -> memref<100000x128xf32, #tpu.memory_space<hbm>>
    tpu.enqueue_indirect_dma source(%dma_start3A_644 : memref<100000x128xf32, #tpu.memory_space<hbm>>) target(%dma_start3A_639 : memref<80x128xf32, #tpu.memory_space<vmem>>) offsets(%dma_start3A_641 : memref<80xi32, #tpu.memory_space<vmem>>) semaphore(%arg12 : memref<!tpu.dma_semaphore, #tpu.memory_space<semaphore_mem>>)
    %dma_start3A_645 = arith.constant 80 : i32
    %dma_start3A_646 = arith.constant 0 : i32
    %dma_start3A_647 = tpu.memref_slice %arg9[%dma_start3A_645, %dma_start3A_646] : memref<240x128xf32, #tpu.memory_space<vmem>> -> memref<80x128xf32, #tpu.memory_space<vmem>>
    %dma_start3A_648 = arith.constant 1760 : i32
    %dma_start3A_649 = tpu.memref_slice %arg6[%dma_start3A_648] : memref<3120xi32, #tpu.memory_space<vmem>> -> memref<80xi32, #tpu.memory_space<vmem>>
    %dma_start3A_650 = arith.constant 0 : i32
    %dma_start3A_651 = arith.constant 0 : i32
    %dma_start3A_652 = tpu.memref_slice %arg2[%dma_start3A_650, %dma_start3A_651] : memref<100000x128xf32, #tpu.memory_space<hbm>> -> memref<100000x128xf32, #tpu.memory_space<hbm>>
    tpu.enqueue_indirect_dma source(%dma_start3A_652 : memref<100000x128xf32, #tpu.memory_space<hbm>>) target(%dma_start3A_647 : memref<80x128xf32, #tpu.memory_space<vmem>>) offsets(%dma_start3A_649 : memref<80xi32, #tpu.memory_space<vmem>>) semaphore(%arg12 : memref<!tpu.dma_semaphore, #tpu.memory_space<semaphore_mem>>)
    %dma_start3A_653 = arith.constant 160 : i32
    %dma_start3A_654 = arith.constant 0 : i32
    %dma_start3A_655 = tpu.memref_slice %arg9[%dma_start3A_653, %dma_start3A_654] : memref<240x128xf32, #tpu.memory_space<vmem>> -> memref<80x128xf32, #tpu.memory_space<vmem>>
    %dma_start3A_656 = arith.constant 1840 : i32
    %dma_start3A_657 = tpu.memref_slice %arg6[%dma_start3A_656] : memref<3120xi32, #tpu.memory_space<vmem>> -> memref<80xi32, #tpu.memory_space<vmem>>
    %dma_start3A_658 = arith.constant 0 : i32
    %dma_start3A_659 = arith.constant 0 : i32
    %dma_start3A_660 = tpu.memref_slice %arg2[%dma_start3A_658, %dma_start3A_659] : memref<100000x128xf32, #tpu.memory_space<hbm>> -> memref<100000x128xf32, #tpu.memory_space<hbm>>
    tpu.enqueue_indirect_dma source(%dma_start3A_660 : memref<100000x128xf32, #tpu.memory_space<hbm>>) target(%dma_start3A_655 : memref<80x128xf32, #tpu.memory_space<vmem>>) offsets(%dma_start3A_657 : memref<80xi32, #tpu.memory_space<vmem>>) semaphore(%arg12 : memref<!tpu.dma_semaphore, #tpu.memory_space<semaphore_mem>>)
    %dma_wait3A_661 = arith.constant 0 : i32
    %dma_wait3A_662 = arith.constant 0 : i32
    %dma_wait3A_663 = tpu.memref_slice %arg8[%dma_wait3A_661, %dma_wait3A_662] : memref<240x128xf32, #tpu.memory_space<vmem>> -> memref<80x128xf32, #tpu.memory_space<vmem>>
    %dma_wait3A_664 = arith.constant 1440 : i32
    %dma_wait3A_665 = tpu.memref_slice %arg6[%dma_wait3A_664] : memref<3120xi32, #tpu.memory_space<vmem>> -> memref<80xi32, #tpu.memory_space<vmem>>
    %dma_wait3A_666 = arith.constant 0 : i32
    %dma_wait3A_667 = arith.constant 0 : i32
    %dma_wait3A_668 = tpu.memref_slice %arg2[%dma_wait3A_666, %dma_wait3A_667] : memref<100000x128xf32, #tpu.memory_space<hbm>> -> memref<100000x128xf32, #tpu.memory_space<hbm>>
    tpu.wait_indirect_dma semaphore(%arg11 : memref<!tpu.dma_semaphore, #tpu.memory_space<semaphore_mem>>) src(%dma_wait3A_668 : memref<100000x128xf32, #tpu.memory_space<hbm>>) dst(%dma_wait3A_663 : memref<80x128xf32, #tpu.memory_space<vmem>>)
    %dma_wait3A_669 = arith.constant 80 : i32
    %dma_wait3A_670 = arith.constant 0 : i32
    %dma_wait3A_671 = tpu.memref_slice %arg8[%dma_wait3A_669, %dma_wait3A_670] : memref<240x128xf32, #tpu.memory_space<vmem>> -> memref<80x128xf32, #tpu.memory_space<vmem>>
    %dma_wait3A_672 = arith.constant 1520 : i32
    %dma_wait3A_673 = tpu.memref_slice %arg6[%dma_wait3A_672] : memref<3120xi32, #tpu.memory_space<vmem>> -> memref<80xi32, #tpu.memory_space<vmem>>
    %dma_wait3A_674 = arith.constant 0 : i32
    %dma_wait3A_675 = arith.constant 0 : i32
    %dma_wait3A_676 = tpu.memref_slice %arg2[%dma_wait3A_674, %dma_wait3A_675] : memref<100000x128xf32, #tpu.memory_space<hbm>> -> memref<100000x128xf32, #tpu.memory_space<hbm>>
    tpu.wait_indirect_dma semaphore(%arg11 : memref<!tpu.dma_semaphore, #tpu.memory_space<semaphore_mem>>) src(%dma_wait3A_676 : memref<100000x128xf32, #tpu.memory_space<hbm>>) dst(%dma_wait3A_671 : memref<80x128xf32, #tpu.memory_space<vmem>>)
    %dma_wait3A_677 = arith.constant 160 : i32
    %dma_wait3A_678 = arith.constant 0 : i32
    %dma_wait3A_679 = tpu.memref_slice %arg8[%dma_wait3A_677, %dma_wait3A_678] : memref<240x128xf32, #tpu.memory_space<vmem>> -> memref<80x128xf32, #tpu.memory_space<vmem>>
    %dma_wait3A_680 = arith.constant 1600 : i32
    %dma_wait3A_681 = tpu.memref_slice %arg6[%dma_wait3A_680] : memref<3120xi32, #tpu.memory_space<vmem>> -> memref<80xi32, #tpu.memory_space<vmem>>
    %dma_wait3A_682 = arith.constant 0 : i32
    %dma_wait3A_683 = arith.constant 0 : i32
    %dma_wait3A_684 = tpu.memref_slice %arg2[%dma_wait3A_682, %dma_wait3A_683] : memref<100000x128xf32, #tpu.memory_space<hbm>> -> memref<100000x128xf32, #tpu.memory_space<hbm>>
    tpu.wait_indirect_dma semaphore(%arg11 : memref<!tpu.dma_semaphore, #tpu.memory_space<semaphore_mem>>) src(%dma_wait3A_684 : memref<100000x128xf32, #tpu.memory_space<hbm>>) dst(%dma_wait3A_679 : memref<80x128xf32, #tpu.memory_space<vmem>>)
    %get3A_685 = arith.constant 1440 : index
    %get3A_686 = tpu.vector_load %arg7[%get3A_685] {strides = array<i32>} : memref<3120xf32, #tpu.memory_space<vmem>>, vector<16xf32>,
    tpu.vector_store_idx %arg8[%add3A_10, %broadcast_in_dim3A_7], %get3A_686 : memref<240x128xf32, #tpu.memory_space<vmem>>[vector<16xi32>, vector<16xi32>], vector<16xf32>,
    %get3A_687 = arith.constant 1456 : index
    %get3A_688 = tpu.vector_load %arg7[%get3A_687] {strides = array<i32>} : memref<3120xf32, #tpu.memory_space<vmem>>, vector<16xf32>,
    tpu.vector_store_idx %arg8[%add3A_14, %broadcast_in_dim3A_7], %get3A_688 : memref<240x128xf32, #tpu.memory_space<vmem>>[vector<16xi32>, vector<16xi32>], vector<16xf32>,
    %get3A_689 = arith.constant 1472 : index
    %get3A_690 = tpu.vector_load %arg7[%get3A_689] {strides = array<i32>} : memref<3120xf32, #tpu.memory_space<vmem>>, vector<16xf32>,
    tpu.vector_store_idx %arg8[%add3A_18, %broadcast_in_dim3A_7], %get3A_690 : memref<240x128xf32, #tpu.memory_space<vmem>>[vector<16xi32>, vector<16xi32>], vector<16xf32>,
    %get3A_691 = arith.constant 1488 : index
    %get3A_692 = tpu.vector_load %arg7[%get3A_691] {strides = array<i32>} : memref<3120xf32, #tpu.memory_space<vmem>>, vector<16xf32>,
    tpu.vector_store_idx %arg8[%add3A_22, %broadcast_in_dim3A_7], %get3A_692 : memref<240x128xf32, #tpu.memory_space<vmem>>[vector<16xi32>, vector<16xi32>], vector<16xf32>,
    %get3A_693 = arith.constant 1504 : index
    %get3A_694 = tpu.vector_load %arg7[%get3A_693] {strides = array<i32>} : memref<3120xf32, #tpu.memory_space<vmem>>, vector<16xf32>,
    tpu.vector_store_idx %arg8[%add3A_26, %broadcast_in_dim3A_7], %get3A_694 : memref<240x128xf32, #tpu.memory_space<vmem>>[vector<16xi32>, vector<16xi32>], vector<16xf32>,
    %get3A_695 = arith.constant 1520 : index
    %get3A_696 = tpu.vector_load %arg7[%get3A_695] {strides = array<i32>} : memref<3120xf32, #tpu.memory_space<vmem>>, vector<16xf32>,
    tpu.vector_store_idx %arg8[%add3A_30, %broadcast_in_dim3A_7], %get3A_696 : memref<240x128xf32, #tpu.memory_space<vmem>>[vector<16xi32>, vector<16xi32>], vector<16xf32>,
    %get3A_697 = arith.constant 1536 : index
    %get3A_698 = tpu.vector_load %arg7[%get3A_697] {strides = array<i32>} : memref<3120xf32, #tpu.memory_space<vmem>>, vector<16xf32>,
    tpu.vector_store_idx %arg8[%add3A_34, %broadcast_in_dim3A_7], %get3A_698 : memref<240x128xf32, #tpu.memory_space<vmem>>[vector<16xi32>, vector<16xi32>], vector<16xf32>,
    %get3A_699 = arith.constant 1552 : index
    %get3A_700 = tpu.vector_load %arg7[%get3A_699] {strides = array<i32>} : memref<3120xf32, #tpu.memory_space<vmem>>, vector<16xf32>,
    tpu.vector_store_idx %arg8[%add3A_38, %broadcast_in_dim3A_7], %get3A_700 : memref<240x128xf32, #tpu.memory_space<vmem>>[vector<16xi32>, vector<16xi32>], vector<16xf32>,
    %get3A_701 = arith.constant 1568 : index
    %get3A_702 = tpu.vector_load %arg7[%get3A_701] {strides = array<i32>} : memref<3120xf32, #tpu.memory_space<vmem>>, vector<16xf32>,
    tpu.vector_store_idx %arg8[%add3A_42, %broadcast_in_dim3A_7], %get3A_702 : memref<240x128xf32, #tpu.memory_space<vmem>>[vector<16xi32>, vector<16xi32>], vector<16xf32>,
    %get3A_703 = arith.constant 1584 : index
    %get3A_704 = tpu.vector_load %arg7[%get3A_703] {strides = array<i32>} : memref<3120xf32, #tpu.memory_space<vmem>>, vector<16xf32>,
    tpu.vector_store_idx %arg8[%add3A_46, %broadcast_in_dim3A_7], %get3A_704 : memref<240x128xf32, #tpu.memory_space<vmem>>[vector<16xi32>, vector<16xi32>], vector<16xf32>,
    %get3A_705 = arith.constant 1600 : index
    %get3A_706 = tpu.vector_load %arg7[%get3A_705] {strides = array<i32>} : memref<3120xf32, #tpu.memory_space<vmem>>, vector<16xf32>,
    tpu.vector_store_idx %arg8[%add3A_50, %broadcast_in_dim3A_7], %get3A_706 : memref<240x128xf32, #tpu.memory_space<vmem>>[vector<16xi32>, vector<16xi32>], vector<16xf32>,
    %get3A_707 = arith.constant 1616 : index
    %get3A_708 = tpu.vector_load %arg7[%get3A_707] {strides = array<i32>} : memref<3120xf32, #tpu.memory_space<vmem>>, vector<16xf32>,
    tpu.vector_store_idx %arg8[%add3A_54, %broadcast_in_dim3A_7], %get3A_708 : memref<240x128xf32, #tpu.memory_space<vmem>>[vector<16xi32>, vector<16xi32>], vector<16xf32>,
    %get3A_709 = arith.constant 1632 : index
    %get3A_710 = tpu.vector_load %arg7[%get3A_709] {strides = array<i32>} : memref<3120xf32, #tpu.memory_space<vmem>>, vector<16xf32>,
    tpu.vector_store_idx %arg8[%add3A_58, %broadcast_in_dim3A_7], %get3A_710 : memref<240x128xf32, #tpu.memory_space<vmem>>[vector<16xi32>, vector<16xi32>], vector<16xf32>,
    %get3A_711 = arith.constant 1648 : index
    %get3A_712 = tpu.vector_load %arg7[%get3A_711] {strides = array<i32>} : memref<3120xf32, #tpu.memory_space<vmem>>, vector<16xf32>,
    tpu.vector_store_idx %arg8[%add3A_62, %broadcast_in_dim3A_7], %get3A_712 : memref<240x128xf32, #tpu.memory_space<vmem>>[vector<16xi32>, vector<16xi32>], vector<16xf32>,
    %get3A_713 = arith.constant 1664 : index
    %get3A_714 = tpu.vector_load %arg7[%get3A_713] {strides = array<i32>} : memref<3120xf32, #tpu.memory_space<vmem>>, vector<16xf32>,
    tpu.vector_store_idx %arg8[%add3A_66, %broadcast_in_dim3A_7], %get3A_714 : memref<240x128xf32, #tpu.memory_space<vmem>>[vector<16xi32>, vector<16xi32>], vector<16xf32>,
    %add3A_715 = arith.constant 1440 : i32
    %add3A_716 = arith.addi %multiple_of3A, %add3A_715 : i32
    %multiple_of3A_717 = tpu.assume_multiple %add3A_716, 8 : i32
    %dma_start3A_718 = arith.constant 0 : i32
    %dma_start3A_719 = tpu.memref_slice %arg5[%multiple_of3A_717, %dma_start3A_718] : memref<100000x128xf32, #tpu.memory_space<hbm>> -> memref<240x128xf32, #tpu.memory_space<hbm>>
    %dma_start3A_720 = arith.constant 0 : i32
    %dma_start3A_721 = tpu.memref_slice %arg5[%multiple_of3A_717, %dma_start3A_720] : memref<100000x128xf32, #tpu.memory_space<hbm>> -> memref<240x128xf32, #tpu.memory_space<hbm>>
    tpu.enqueue_dma source(%arg8 : memref<240x128xf32, #tpu.memory_space<vmem>>) target(%dma_start3A_721 : memref<240x128xf32, #tpu.memory_space<hbm>>) target_semaphore(%arg14 : memref<!tpu.dma_semaphore, #tpu.memory_space<semaphore_mem>>)
    %add3A_722 = arith.constant 1200 : i32
    %add3A_723 = arith.addi %multiple_of3A, %add3A_722 : i32
    %multiple_of3A_724 = tpu.assume_multiple %add3A_723, 8 : i32
    %dma_wait3A_725 = arith.constant 0 : i32
    %dma_wait3A_726 = tpu.memref_slice %arg5[%multiple_of3A_724, %dma_wait3A_725] : memref<100000x128xf32, #tpu.memory_space<hbm>> -> memref<240x128xf32, #tpu.memory_space<hbm>>
    %dma_wait3A_727 = arith.constant 0 : i32
    %dma_wait3A_728 = tpu.memref_slice %arg5[%multiple_of3A_724, %dma_wait3A_727] : memref<100000x128xf32, #tpu.memory_space<hbm>> -> memref<240x128xf32, #tpu.memory_space<hbm>>
    tpu.wait_dma2 semaphore(%arg16 : memref<!tpu.dma_semaphore, #tpu.memory_space<semaphore_mem>>) src(%arg10 : memref<240x128xf32, #tpu.memory_space<vmem>>) dst(%dma_wait3A_728 : memref<240x128xf32, #tpu.memory_space<hbm>>)
    %dma_start3A_729 = arith.constant 0 : i32
    %dma_start3A_730 = arith.constant 0 : i32
    %dma_start3A_731 = tpu.memref_slice %arg10[%dma_start3A_729, %dma_start3A_730] : memref<240x128xf32, #tpu.memory_space<vmem>> -> memref<80x128xf32, #tpu.memory_space<vmem>>
    %dma_start3A_732 = arith.constant 1920 : i32
    %dma_start3A_733 = tpu.memref_slice %arg6[%dma_start3A_732] : memref<3120xi32, #tpu.memory_space<vmem>> -> memref<80xi32, #tpu.memory_space<vmem>>
    %dma_start3A_734 = arith.constant 0 : i32
    %dma_start3A_735 = arith.constant 0 : i32
    %dma_start3A_736 = tpu.memref_slice %arg2[%dma_start3A_734, %dma_start3A_735] : memref<100000x128xf32, #tpu.memory_space<hbm>> -> memref<100000x128xf32, #tpu.memory_space<hbm>>
    tpu.enqueue_indirect_dma source(%dma_start3A_736 : memref<100000x128xf32, #tpu.memory_space<hbm>>) target(%dma_start3A_731 : memref<80x128xf32, #tpu.memory_space<vmem>>) offsets(%dma_start3A_733 : memref<80xi32, #tpu.memory_space<vmem>>) semaphore(%arg13 : memref<!tpu.dma_semaphore, #tpu.memory_space<semaphore_mem>>)
    %dma_start3A_737 = arith.constant 80 : i32
    %dma_start3A_738 = arith.constant 0 : i32
    %dma_start3A_739 = tpu.memref_slice %arg10[%dma_start3A_737, %dma_start3A_738] : memref<240x128xf32, #tpu.memory_space<vmem>> -> memref<80x128xf32, #tpu.memory_space<vmem>>
    %dma_start3A_740 = arith.constant 2000 : i32
    %dma_start3A_741 = tpu.memref_slice %arg6[%dma_start3A_740] : memref<3120xi32, #tpu.memory_space<vmem>> -> memref<80xi32, #tpu.memory_space<vmem>>
    %dma_start3A_742 = arith.constant 0 : i32
    %dma_start3A_743 = arith.constant 0 : i32
    %dma_start3A_744 = tpu.memref_slice %arg2[%dma_start3A_742, %dma_start3A_743] : memref<100000x128xf32, #tpu.memory_space<hbm>> -> memref<100000x128xf32, #tpu.memory_space<hbm>>
    tpu.enqueue_indirect_dma source(%dma_start3A_744 : memref<100000x128xf32, #tpu.memory_space<hbm>>) target(%dma_start3A_739 : memref<80x128xf32, #tpu.memory_space<vmem>>) offsets(%dma_start3A_741 : memref<80xi32, #tpu.memory_space<vmem>>) semaphore(%arg13 : memref<!tpu.dma_semaphore, #tpu.memory_space<semaphore_mem>>)
    %dma_start3A_745 = arith.constant 160 : i32
    %dma_start3A_746 = arith.constant 0 : i32
    %dma_start3A_747 = tpu.memref_slice %arg10[%dma_start3A_745, %dma_start3A_746] : memref<240x128xf32, #tpu.memory_space<vmem>> -> memref<80x128xf32, #tpu.memory_space<vmem>>
    %dma_start3A_748 = arith.constant 2080 : i32
    %dma_start3A_749 = tpu.memref_slice %arg6[%dma_start3A_748] : memref<3120xi32, #tpu.memory_space<vmem>> -> memref<80xi32, #tpu.memory_space<vmem>>
    %dma_start3A_750 = arith.constant 0 : i32
    %dma_start3A_751 = arith.constant 0 : i32
    %dma_start3A_752 = tpu.memref_slice %arg2[%dma_start3A_750, %dma_start3A_751] : memref<100000x128xf32, #tpu.memory_space<hbm>> -> memref<100000x128xf32, #tpu.memory_space<hbm>>
    tpu.enqueue_indirect_dma source(%dma_start3A_752 : memref<100000x128xf32, #tpu.memory_space<hbm>>) target(%dma_start3A_747 : memref<80x128xf32, #tpu.memory_space<vmem>>) offsets(%dma_start3A_749 : memref<80xi32, #tpu.memory_space<vmem>>) semaphore(%arg13 : memref<!tpu.dma_semaphore, #tpu.memory_space<semaphore_mem>>)
    %dma_wait3A_753 = arith.constant 0 : i32
    %dma_wait3A_754 = arith.constant 0 : i32
    %dma_wait3A_755 = tpu.memref_slice %arg9[%dma_wait3A_753, %dma_wait3A_754] : memref<240x128xf32, #tpu.memory_space<vmem>> -> memref<80x128xf32, #tpu.memory_space<vmem>>
    %dma_wait3A_756 = arith.constant 1680 : i32
    %dma_wait3A_757 = tpu.memref_slice %arg6[%dma_wait3A_756] : memref<3120xi32, #tpu.memory_space<vmem>> -> memref<80xi32, #tpu.memory_space<vmem>>
    %dma_wait3A_758 = arith.constant 0 : i32
    %dma_wait3A_759 = arith.constant 0 : i32
    %dma_wait3A_760 = tpu.memref_slice %arg2[%dma_wait3A_758, %dma_wait3A_759] : memref<100000x128xf32, #tpu.memory_space<hbm>> -> memref<100000x128xf32, #tpu.memory_space<hbm>>
    tpu.wait_indirect_dma semaphore(%arg12 : memref<!tpu.dma_semaphore, #tpu.memory_space<semaphore_mem>>) src(%dma_wait3A_760 : memref<100000x128xf32, #tpu.memory_space<hbm>>) dst(%dma_wait3A_755 : memref<80x128xf32, #tpu.memory_space<vmem>>)
    %dma_wait3A_761 = arith.constant 80 : i32
    %dma_wait3A_762 = arith.constant 0 : i32
    %dma_wait3A_763 = tpu.memref_slice %arg9[%dma_wait3A_761, %dma_wait3A_762] : memref<240x128xf32, #tpu.memory_space<vmem>> -> memref<80x128xf32, #tpu.memory_space<vmem>>
    %dma_wait3A_764 = arith.constant 1760 : i32
    %dma_wait3A_765 = tpu.memref_slice %arg6[%dma_wait3A_764] : memref<3120xi32, #tpu.memory_space<vmem>> -> memref<80xi32, #tpu.memory_space<vmem>>
    %dma_wait3A_766 = arith.constant 0 : i32
    %dma_wait3A_767 = arith.constant 0 : i32
    %dma_wait3A_768 = tpu.memref_slice %arg2[%dma_wait3A_766, %dma_wait3A_767] : memref<100000x128xf32, #tpu.memory_space<hbm>> -> memref<100000x128xf32, #tpu.memory_space<hbm>>
    tpu.wait_indirect_dma semaphore(%arg12 : memref<!tpu.dma_semaphore, #tpu.memory_space<semaphore_mem>>) src(%dma_wait3A_768 : memref<100000x128xf32, #tpu.memory_space<hbm>>) dst(%dma_wait3A_763 : memref<80x128xf32, #tpu.memory_space<vmem>>)
    %dma_wait3A_769 = arith.constant 160 : i32
    %dma_wait3A_770 = arith.constant 0 : i32
    %dma_wait3A_771 = tpu.memref_slice %arg9[%dma_wait3A_769, %dma_wait3A_770] : memref<240x128xf32, #tpu.memory_space<vmem>> -> memref<80x128xf32, #tpu.memory_space<vmem>>
    %dma_wait3A_772 = arith.constant 1840 : i32
    %dma_wait3A_773 = tpu.memref_slice %arg6[%dma_wait3A_772] : memref<3120xi32, #tpu.memory_space<vmem>> -> memref<80xi32, #tpu.memory_space<vmem>>
    %dma_wait3A_774 = arith.constant 0 : i32
    %dma_wait3A_775 = arith.constant 0 : i32
    %dma_wait3A_776 = tpu.memref_slice %arg2[%dma_wait3A_774, %dma_wait3A_775] : memref<100000x128xf32, #tpu.memory_space<hbm>> -> memref<100000x128xf32, #tpu.memory_space<hbm>>
    tpu.wait_indirect_dma semaphore(%arg12 : memref<!tpu.dma_semaphore, #tpu.memory_space<semaphore_mem>>) src(%dma_wait3A_776 : memref<100000x128xf32, #tpu.memory_space<hbm>>) dst(%dma_wait3A_771 : memref<80x128xf32, #tpu.memory_space<vmem>>)
    %get3A_777 = arith.constant 1680 : index
    %get3A_778 = tpu.vector_load %arg7[%get3A_777] {strides = array<i32>} : memref<3120xf32, #tpu.memory_space<vmem>>, vector<16xf32>,
    tpu.vector_store_idx %arg9[%add3A_10, %broadcast_in_dim3A_7], %get3A_778 : memref<240x128xf32, #tpu.memory_space<vmem>>[vector<16xi32>, vector<16xi32>], vector<16xf32>,
    %get3A_779 = arith.constant 1696 : index
    %get3A_780 = tpu.vector_load %arg7[%get3A_779] {strides = array<i32>} : memref<3120xf32, #tpu.memory_space<vmem>>, vector<16xf32>,
    tpu.vector_store_idx %arg9[%add3A_14, %broadcast_in_dim3A_7], %get3A_780 : memref<240x128xf32, #tpu.memory_space<vmem>>[vector<16xi32>, vector<16xi32>], vector<16xf32>,
    %get3A_781 = arith.constant 1712 : index
    %get3A_782 = tpu.vector_load %arg7[%get3A_781] {strides = array<i32>} : memref<3120xf32, #tpu.memory_space<vmem>>, vector<16xf32>,
    tpu.vector_store_idx %arg9[%add3A_18, %broadcast_in_dim3A_7], %get3A_782 : memref<240x128xf32, #tpu.memory_space<vmem>>[vector<16xi32>, vector<16xi32>], vector<16xf32>,
    %get3A_783 = arith.constant 1728 : index
    %get3A_784 = tpu.vector_load %arg7[%get3A_783] {strides = array<i32>} : memref<3120xf32, #tpu.memory_space<vmem>>, vector<16xf32>,
    tpu.vector_store_idx %arg9[%add3A_22, %broadcast_in_dim3A_7], %get3A_784 : memref<240x128xf32, #tpu.memory_space<vmem>>[vector<16xi32>, vector<16xi32>], vector<16xf32>,
    %get3A_785 = arith.constant 1744 : index
    %get3A_786 = tpu.vector_load %arg7[%get3A_785] {strides = array<i32>} : memref<3120xf32, #tpu.memory_space<vmem>>, vector<16xf32>,
    tpu.vector_store_idx %arg9[%add3A_26, %broadcast_in_dim3A_7], %get3A_786 : memref<240x128xf32, #tpu.memory_space<vmem>>[vector<16xi32>, vector<16xi32>], vector<16xf32>,
    %get3A_787 = arith.constant 1760 : index
    %get3A_788 = tpu.vector_load %arg7[%get3A_787] {strides = array<i32>} : memref<3120xf32, #tpu.memory_space<vmem>>, vector<16xf32>,
    tpu.vector_store_idx %arg9[%add3A_30, %broadcast_in_dim3A_7], %get3A_788 : memref<240x128xf32, #tpu.memory_space<vmem>>[vector<16xi32>, vector<16xi32>], vector<16xf32>,
    %get3A_789 = arith.constant 1776 : index
    %get3A_790 = tpu.vector_load %arg7[%get3A_789] {strides = array<i32>} : memref<3120xf32, #tpu.memory_space<vmem>>, vector<16xf32>,
    tpu.vector_store_idx %arg9[%add3A_34, %broadcast_in_dim3A_7], %get3A_790 : memref<240x128xf32, #tpu.memory_space<vmem>>[vector<16xi32>, vector<16xi32>], vector<16xf32>,
    %get3A_791 = arith.constant 1792 : index
    %get3A_792 = tpu.vector_load %arg7[%get3A_791] {strides = array<i32>} : memref<3120xf32, #tpu.memory_space<vmem>>, vector<16xf32>,
    tpu.vector_store_idx %arg9[%add3A_38, %broadcast_in_dim3A_7], %get3A_792 : memref<240x128xf32, #tpu.memory_space<vmem>>[vector<16xi32>, vector<16xi32>], vector<16xf32>,
    %get3A_793 = arith.constant 1808 : index
    %get3A_794 = tpu.vector_load %arg7[%get3A_793] {strides = array<i32>} : memref<3120xf32, #tpu.memory_space<vmem>>, vector<16xf32>,
    tpu.vector_store_idx %arg9[%add3A_42, %broadcast_in_dim3A_7], %get3A_794 : memref<240x128xf32, #tpu.memory_space<vmem>>[vector<16xi32>, vector<16xi32>], vector<16xf32>,
    %get3A_795 = arith.constant 1824 : index
    %get3A_796 = tpu.vector_load %arg7[%get3A_795] {strides = array<i32>} : memref<3120xf32, #tpu.memory_space<vmem>>, vector<16xf32>,
    tpu.vector_store_idx %arg9[%add3A_46, %broadcast_in_dim3A_7], %get3A_796 : memref<240x128xf32, #tpu.memory_space<vmem>>[vector<16xi32>, vector<16xi32>], vector<16xf32>,
    %get3A_797 = arith.constant 1840 : index
    %get3A_798 = tpu.vector_load %arg7[%get3A_797] {strides = array<i32>} : memref<3120xf32, #tpu.memory_space<vmem>>, vector<16xf32>,
    tpu.vector_store_idx %arg9[%add3A_50, %broadcast_in_dim3A_7], %get3A_798 : memref<240x128xf32, #tpu.memory_space<vmem>>[vector<16xi32>, vector<16xi32>], vector<16xf32>,
    %get3A_799 = arith.constant 1856 : index
    %get3A_800 = tpu.vector_load %arg7[%get3A_799] {strides = array<i32>} : memref<3120xf32, #tpu.memory_space<vmem>>, vector<16xf32>,
    tpu.vector_store_idx %arg9[%add3A_54, %broadcast_in_dim3A_7], %get3A_800 : memref<240x128xf32, #tpu.memory_space<vmem>>[vector<16xi32>, vector<16xi32>], vector<16xf32>,
    %get3A_801 = arith.constant 1872 : index
    %get3A_802 = tpu.vector_load %arg7[%get3A_801] {strides = array<i32>} : memref<3120xf32, #tpu.memory_space<vmem>>, vector<16xf32>,
    tpu.vector_store_idx %arg9[%add3A_58, %broadcast_in_dim3A_7], %get3A_802 : memref<240x128xf32, #tpu.memory_space<vmem>>[vector<16xi32>, vector<16xi32>], vector<16xf32>,
    %get3A_803 = arith.constant 1888 : index
    %get3A_804 = tpu.vector_load %arg7[%get3A_803] {strides = array<i32>} : memref<3120xf32, #tpu.memory_space<vmem>>, vector<16xf32>,
    tpu.vector_store_idx %arg9[%add3A_62, %broadcast_in_dim3A_7], %get3A_804 : memref<240x128xf32, #tpu.memory_space<vmem>>[vector<16xi32>, vector<16xi32>], vector<16xf32>,
    %get3A_805 = arith.constant 1904 : index
    %get3A_806 = tpu.vector_load %arg7[%get3A_805] {strides = array<i32>} : memref<3120xf32, #tpu.memory_space<vmem>>, vector<16xf32>,
    tpu.vector_store_idx %arg9[%add3A_66, %broadcast_in_dim3A_7], %get3A_806 : memref<240x128xf32, #tpu.memory_space<vmem>>[vector<16xi32>, vector<16xi32>], vector<16xf32>,
    %add3A_807 = arith.constant 1680 : i32
    %add3A_808 = arith.addi %multiple_of3A, %add3A_807 : i32
    %multiple_of3A_809 = tpu.assume_multiple %add3A_808, 8 : i32
    %dma_start3A_810 = arith.constant 0 : i32
    %dma_start3A_811 = tpu.memref_slice %arg5[%multiple_of3A_809, %dma_start3A_810] : memref<100000x128xf32, #tpu.memory_space<hbm>> -> memref<240x128xf32, #tpu.memory_space<hbm>>
    %dma_start3A_812 = arith.constant 0 : i32
    %dma_start3A_813 = tpu.memref_slice %arg5[%multiple_of3A_809, %dma_start3A_812] : memref<100000x128xf32, #tpu.memory_space<hbm>> -> memref<240x128xf32, #tpu.memory_space<hbm>>
    tpu.enqueue_dma source(%arg9 : memref<240x128xf32, #tpu.memory_space<vmem>>) target(%dma_start3A_813 : memref<240x128xf32, #tpu.memory_space<hbm>>) target_semaphore(%arg15 : memref<!tpu.dma_semaphore, #tpu.memory_space<semaphore_mem>>)
    %add3A_814 = arith.constant 1440 : i32
    %add3A_815 = arith.addi %multiple_of3A, %add3A_814 : i32
    %multiple_of3A_816 = tpu.assume_multiple %add3A_815, 8 : i32
    %dma_wait3A_817 = arith.constant 0 : i32
    %dma_wait3A_818 = tpu.memref_slice %arg5[%multiple_of3A_816, %dma_wait3A_817] : memref<100000x128xf32, #tpu.memory_space<hbm>> -> memref<240x128xf32, #tpu.memory_space<hbm>>
    %dma_wait3A_819 = arith.constant 0 : i32
    %dma_wait3A_820 = tpu.memref_slice %arg5[%multiple_of3A_816, %dma_wait3A_819] : memref<100000x128xf32, #tpu.memory_space<hbm>> -> memref<240x128xf32, #tpu.memory_space<hbm>>
    tpu.wait_dma2 semaphore(%arg14 : memref<!tpu.dma_semaphore, #tpu.memory_space<semaphore_mem>>) src(%arg8 : memref<240x128xf32, #tpu.memory_space<vmem>>) dst(%dma_wait3A_820 : memref<240x128xf32, #tpu.memory_space<hbm>>)
    %dma_start3A_821 = arith.constant 0 : i32
    %dma_start3A_822 = arith.constant 0 : i32
    %dma_start3A_823 = tpu.memref_slice %arg8[%dma_start3A_821, %dma_start3A_822] : memref<240x128xf32, #tpu.memory_space<vmem>> -> memref<80x128xf32, #tpu.memory_space<vmem>>
    %dma_start3A_824 = arith.constant 2160 : i32
    %dma_start3A_825 = tpu.memref_slice %arg6[%dma_start3A_824] : memref<3120xi32, #tpu.memory_space<vmem>> -> memref<80xi32, #tpu.memory_space<vmem>>
    %dma_start3A_826 = arith.constant 0 : i32
    %dma_start3A_827 = arith.constant 0 : i32
    %dma_start3A_828 = tpu.memref_slice %arg2[%dma_start3A_826, %dma_start3A_827] : memref<100000x128xf32, #tpu.memory_space<hbm>> -> memref<100000x128xf32, #tpu.memory_space<hbm>>
    tpu.enqueue_indirect_dma source(%dma_start3A_828 : memref<100000x128xf32, #tpu.memory_space<hbm>>) target(%dma_start3A_823 : memref<80x128xf32, #tpu.memory_space<vmem>>) offsets(%dma_start3A_825 : memref<80xi32, #tpu.memory_space<vmem>>) semaphore(%arg11 : memref<!tpu.dma_semaphore, #tpu.memory_space<semaphore_mem>>)
    %dma_start3A_829 = arith.constant 80 : i32
    %dma_start3A_830 = arith.constant 0 : i32
    %dma_start3A_831 = tpu.memref_slice %arg8[%dma_start3A_829, %dma_start3A_830] : memref<240x128xf32, #tpu.memory_space<vmem>> -> memref<80x128xf32, #tpu.memory_space<vmem>>
    %dma_start3A_832 = arith.constant 2240 : i32
    %dma_start3A_833 = tpu.memref_slice %arg6[%dma_start3A_832] : memref<3120xi32, #tpu.memory_space<vmem>> -> memref<80xi32, #tpu.memory_space<vmem>>
    %dma_start3A_834 = arith.constant 0 : i32
    %dma_start3A_835 = arith.constant 0 : i32
    %dma_start3A_836 = tpu.memref_slice %arg2[%dma_start3A_834, %dma_start3A_835] : memref<100000x128xf32, #tpu.memory_space<hbm>> -> memref<100000x128xf32, #tpu.memory_space<hbm>>
    tpu.enqueue_indirect_dma source(%dma_start3A_836 : memref<100000x128xf32, #tpu.memory_space<hbm>>) target(%dma_start3A_831 : memref<80x128xf32, #tpu.memory_space<vmem>>) offsets(%dma_start3A_833 : memref<80xi32, #tpu.memory_space<vmem>>) semaphore(%arg11 : memref<!tpu.dma_semaphore, #tpu.memory_space<semaphore_mem>>)
    %dma_start3A_837 = arith.constant 160 : i32
    %dma_start3A_838 = arith.constant 0 : i32
    %dma_start3A_839 = tpu.memref_slice %arg8[%dma_start3A_837, %dma_start3A_838] : memref<240x128xf32, #tpu.memory_space<vmem>> -> memref<80x128xf32, #tpu.memory_space<vmem>>
    %dma_start3A_840 = arith.constant 2320 : i32
    %dma_start3A_841 = tpu.memref_slice %arg6[%dma_start3A_840] : memref<3120xi32, #tpu.memory_space<vmem>> -> memref<80xi32, #tpu.memory_space<vmem>>
    %dma_start3A_842 = arith.constant 0 : i32
    %dma_start3A_843 = arith.constant 0 : i32
    %dma_start3A_844 = tpu.memref_slice %arg2[%dma_start3A_842, %dma_start3A_843] : memref<100000x128xf32, #tpu.memory_space<hbm>> -> memref<100000x128xf32, #tpu.memory_space<hbm>>
    tpu.enqueue_indirect_dma source(%dma_start3A_844 : memref<100000x128xf32, #tpu.memory_space<hbm>>) target(%dma_start3A_839 : memref<80x128xf32, #tpu.memory_space<vmem>>) offsets(%dma_start3A_841 : memref<80xi32, #tpu.memory_space<vmem>>) semaphore(%arg11 : memref<!tpu.dma_semaphore, #tpu.memory_space<semaphore_mem>>)
    %dma_wait3A_845 = arith.constant 0 : i32
    %dma_wait3A_846 = arith.constant 0 : i32
    %dma_wait3A_847 = tpu.memref_slice %arg10[%dma_wait3A_845, %dma_wait3A_846] : memref<240x128xf32, #tpu.memory_space<vmem>> -> memref<80x128xf32, #tpu.memory_space<vmem>>
    %dma_wait3A_848 = arith.constant 1920 : i32
    %dma_wait3A_849 = tpu.memref_slice %arg6[%dma_wait3A_848] : memref<3120xi32, #tpu.memory_space<vmem>> -> memref<80xi32, #tpu.memory_space<vmem>>
    %dma_wait3A_850 = arith.constant 0 : i32
    %dma_wait3A_851 = arith.constant 0 : i32
    %dma_wait3A_852 = tpu.memref_slice %arg2[%dma_wait3A_850, %dma_wait3A_851] : memref<100000x128xf32, #tpu.memory_space<hbm>> -> memref<100000x128xf32, #tpu.memory_space<hbm>>
    tpu.wait_indirect_dma semaphore(%arg13 : memref<!tpu.dma_semaphore, #tpu.memory_space<semaphore_mem>>) src(%dma_wait3A_852 : memref<100000x128xf32, #tpu.memory_space<hbm>>) dst(%dma_wait3A_847 : memref<80x128xf32, #tpu.memory_space<vmem>>)
    %dma_wait3A_853 = arith.constant 80 : i32
    %dma_wait3A_854 = arith.constant 0 : i32
    %dma_wait3A_855 = tpu.memref_slice %arg10[%dma_wait3A_853, %dma_wait3A_854] : memref<240x128xf32, #tpu.memory_space<vmem>> -> memref<80x128xf32, #tpu.memory_space<vmem>>
    %dma_wait3A_856 = arith.constant 2000 : i32
    %dma_wait3A_857 = tpu.memref_slice %arg6[%dma_wait3A_856] : memref<3120xi32, #tpu.memory_space<vmem>> -> memref<80xi32, #tpu.memory_space<vmem>>
    %dma_wait3A_858 = arith.constant 0 : i32
    %dma_wait3A_859 = arith.constant 0 : i32
    %dma_wait3A_860 = tpu.memref_slice %arg2[%dma_wait3A_858, %dma_wait3A_859] : memref<100000x128xf32, #tpu.memory_space<hbm>> -> memref<100000x128xf32, #tpu.memory_space<hbm>>
    tpu.wait_indirect_dma semaphore(%arg13 : memref<!tpu.dma_semaphore, #tpu.memory_space<semaphore_mem>>) src(%dma_wait3A_860 : memref<100000x128xf32, #tpu.memory_space<hbm>>) dst(%dma_wait3A_855 : memref<80x128xf32, #tpu.memory_space<vmem>>)
    %dma_wait3A_861 = arith.constant 160 : i32
    %dma_wait3A_862 = arith.constant 0 : i32
    %dma_wait3A_863 = tpu.memref_slice %arg10[%dma_wait3A_861, %dma_wait3A_862] : memref<240x128xf32, #tpu.memory_space<vmem>> -> memref<80x128xf32, #tpu.memory_space<vmem>>
    %dma_wait3A_864 = arith.constant 2080 : i32
    %dma_wait3A_865 = tpu.memref_slice %arg6[%dma_wait3A_864] : memref<3120xi32, #tpu.memory_space<vmem>> -> memref<80xi32, #tpu.memory_space<vmem>>
    %dma_wait3A_866 = arith.constant 0 : i32
    %dma_wait3A_867 = arith.constant 0 : i32
    %dma_wait3A_868 = tpu.memref_slice %arg2[%dma_wait3A_866, %dma_wait3A_867] : memref<100000x128xf32, #tpu.memory_space<hbm>> -> memref<100000x128xf32, #tpu.memory_space<hbm>>
    tpu.wait_indirect_dma semaphore(%arg13 : memref<!tpu.dma_semaphore, #tpu.memory_space<semaphore_mem>>) src(%dma_wait3A_868 : memref<100000x128xf32, #tpu.memory_space<hbm>>) dst(%dma_wait3A_863 : memref<80x128xf32, #tpu.memory_space<vmem>>)
    %get3A_869 = arith.constant 1920 : index
    %get3A_870 = tpu.vector_load %arg7[%get3A_869] {strides = array<i32>} : memref<3120xf32, #tpu.memory_space<vmem>>, vector<16xf32>,
    tpu.vector_store_idx %arg10[%add3A_10, %broadcast_in_dim3A_7], %get3A_870 : memref<240x128xf32, #tpu.memory_space<vmem>>[vector<16xi32>, vector<16xi32>], vector<16xf32>,
    %get3A_871 = arith.constant 1936 : index
    %get3A_872 = tpu.vector_load %arg7[%get3A_871] {strides = array<i32>} : memref<3120xf32, #tpu.memory_space<vmem>>, vector<16xf32>,
    tpu.vector_store_idx %arg10[%add3A_14, %broadcast_in_dim3A_7], %get3A_872 : memref<240x128xf32, #tpu.memory_space<vmem>>[vector<16xi32>, vector<16xi32>], vector<16xf32>,
    %get3A_873 = arith.constant 1952 : index
    %get3A_874 = tpu.vector_load %arg7[%get3A_873] {strides = array<i32>} : memref<3120xf32, #tpu.memory_space<vmem>>, vector<16xf32>,
    tpu.vector_store_idx %arg10[%add3A_18, %broadcast_in_dim3A_7], %get3A_874 : memref<240x128xf32, #tpu.memory_space<vmem>>[vector<16xi32>, vector<16xi32>], vector<16xf32>,
    %get3A_875 = arith.constant 1968 : index
    %get3A_876 = tpu.vector_load %arg7[%get3A_875] {strides = array<i32>} : memref<3120xf32, #tpu.memory_space<vmem>>, vector<16xf32>,
    tpu.vector_store_idx %arg10[%add3A_22, %broadcast_in_dim3A_7], %get3A_876 : memref<240x128xf32, #tpu.memory_space<vmem>>[vector<16xi32>, vector<16xi32>], vector<16xf32>,
    %get3A_877 = arith.constant 1984 : index
    %get3A_878 = tpu.vector_load %arg7[%get3A_877] {strides = array<i32>} : memref<3120xf32, #tpu.memory_space<vmem>>, vector<16xf32>,
    tpu.vector_store_idx %arg10[%add3A_26, %broadcast_in_dim3A_7], %get3A_878 : memref<240x128xf32, #tpu.memory_space<vmem>>[vector<16xi32>, vector<16xi32>], vector<16xf32>,
    %get3A_879 = arith.constant 2000 : index
    %get3A_880 = tpu.vector_load %arg7[%get3A_879] {strides = array<i32>} : memref<3120xf32, #tpu.memory_space<vmem>>, vector<16xf32>,
    tpu.vector_store_idx %arg10[%add3A_30, %broadcast_in_dim3A_7], %get3A_880 : memref<240x128xf32, #tpu.memory_space<vmem>>[vector<16xi32>, vector<16xi32>], vector<16xf32>,
    %get3A_881 = arith.constant 2016 : index
    %get3A_882 = tpu.vector_load %arg7[%get3A_881] {strides = array<i32>} : memref<3120xf32, #tpu.memory_space<vmem>>, vector<16xf32>,
    tpu.vector_store_idx %arg10[%add3A_34, %broadcast_in_dim3A_7], %get3A_882 : memref<240x128xf32, #tpu.memory_space<vmem>>[vector<16xi32>, vector<16xi32>], vector<16xf32>,
    %get3A_883 = arith.constant 2032 : index
    %get3A_884 = tpu.vector_load %arg7[%get3A_883] {strides = array<i32>} : memref<3120xf32, #tpu.memory_space<vmem>>, vector<16xf32>,
    tpu.vector_store_idx %arg10[%add3A_38, %broadcast_in_dim3A_7], %get3A_884 : memref<240x128xf32, #tpu.memory_space<vmem>>[vector<16xi32>, vector<16xi32>], vector<16xf32>,
    %get3A_885 = arith.constant 2048 : index
    %get3A_886 = tpu.vector_load %arg7[%get3A_885] {strides = array<i32>} : memref<3120xf32, #tpu.memory_space<vmem>>, vector<16xf32>,
    tpu.vector_store_idx %arg10[%add3A_42, %broadcast_in_dim3A_7], %get3A_886 : memref<240x128xf32, #tpu.memory_space<vmem>>[vector<16xi32>, vector<16xi32>], vector<16xf32>,
    %get3A_887 = arith.constant 2064 : index
    %get3A_888 = tpu.vector_load %arg7[%get3A_887] {strides = array<i32>} : memref<3120xf32, #tpu.memory_space<vmem>>, vector<16xf32>,
    tpu.vector_store_idx %arg10[%add3A_46, %broadcast_in_dim3A_7], %get3A_888 : memref<240x128xf32, #tpu.memory_space<vmem>>[vector<16xi32>, vector<16xi32>], vector<16xf32>,
    %get3A_889 = arith.constant 2080 : index
    %get3A_890 = tpu.vector_load %arg7[%get3A_889] {strides = array<i32>} : memref<3120xf32, #tpu.memory_space<vmem>>, vector<16xf32>,
    tpu.vector_store_idx %arg10[%add3A_50, %broadcast_in_dim3A_7], %get3A_890 : memref<240x128xf32, #tpu.memory_space<vmem>>[vector<16xi32>, vector<16xi32>], vector<16xf32>,
    %get3A_891 = arith.constant 2096 : index
    %get3A_892 = tpu.vector_load %arg7[%get3A_891] {strides = array<i32>} : memref<3120xf32, #tpu.memory_space<vmem>>, vector<16xf32>,
    tpu.vector_store_idx %arg10[%add3A_54, %broadcast_in_dim3A_7], %get3A_892 : memref<240x128xf32, #tpu.memory_space<vmem>>[vector<16xi32>, vector<16xi32>], vector<16xf32>,
    %get3A_893 = arith.constant 2112 : index
    %get3A_894 = tpu.vector_load %arg7[%get3A_893] {strides = array<i32>} : memref<3120xf32, #tpu.memory_space<vmem>>, vector<16xf32>,
    tpu.vector_store_idx %arg10[%add3A_58, %broadcast_in_dim3A_7], %get3A_894 : memref<240x128xf32, #tpu.memory_space<vmem>>[vector<16xi32>, vector<16xi32>], vector<16xf32>,
    %get3A_895 = arith.constant 2128 : index
    %get3A_896 = tpu.vector_load %arg7[%get3A_895] {strides = array<i32>} : memref<3120xf32, #tpu.memory_space<vmem>>, vector<16xf32>,
    tpu.vector_store_idx %arg10[%add3A_62, %broadcast_in_dim3A_7], %get3A_896 : memref<240x128xf32, #tpu.memory_space<vmem>>[vector<16xi32>, vector<16xi32>], vector<16xf32>,
    %get3A_897 = arith.constant 2144 : index
    %get3A_898 = tpu.vector_load %arg7[%get3A_897] {strides = array<i32>} : memref<3120xf32, #tpu.memory_space<vmem>>, vector<16xf32>,
    tpu.vector_store_idx %arg10[%add3A_66, %broadcast_in_dim3A_7], %get3A_898 : memref<240x128xf32, #tpu.memory_space<vmem>>[vector<16xi32>, vector<16xi32>], vector<16xf32>,
    %add3A_899 = arith.constant 1920 : i32
    %add3A_900 = arith.addi %multiple_of3A, %add3A_899 : i32
    %multiple_of3A_901 = tpu.assume_multiple %add3A_900, 8 : i32
    %dma_start3A_902 = arith.constant 0 : i32
    %dma_start3A_903 = tpu.memref_slice %arg5[%multiple_of3A_901, %dma_start3A_902] : memref<100000x128xf32, #tpu.memory_space<hbm>> -> memref<240x128xf32, #tpu.memory_space<hbm>>
    %dma_start3A_904 = arith.constant 0 : i32
    %dma_start3A_905 = tpu.memref_slice %arg5[%multiple_of3A_901, %dma_start3A_904] : memref<100000x128xf32, #tpu.memory_space<hbm>> -> memref<240x128xf32, #tpu.memory_space<hbm>>
    tpu.enqueue_dma source(%arg10 : memref<240x128xf32, #tpu.memory_space<vmem>>) target(%dma_start3A_905 : memref<240x128xf32, #tpu.memory_space<hbm>>) target_semaphore(%arg16 : memref<!tpu.dma_semaphore, #tpu.memory_space<semaphore_mem>>)
    %add3A_906 = arith.constant 1680 : i32
    %add3A_907 = arith.addi %multiple_of3A, %add3A_906 : i32
    %multiple_of3A_908 = tpu.assume_multiple %add3A_907, 8 : i32
    %dma_wait3A_909 = arith.constant 0 : i32
    %dma_wait3A_910 = tpu.memref_slice %arg5[%multiple_of3A_908, %dma_wait3A_909] : memref<100000x128xf32, #tpu.memory_space<hbm>> -> memref<240x128xf32, #tpu.memory_space<hbm>>
    %dma_wait3A_911 = arith.constant 0 : i32
    %dma_wait3A_912 = tpu.memref_slice %arg5[%multiple_of3A_908, %dma_wait3A_911] : memref<100000x128xf32, #tpu.memory_space<hbm>> -> memref<240x128xf32, #tpu.memory_space<hbm>>
    tpu.wait_dma2 semaphore(%arg15 : memref<!tpu.dma_semaphore, #tpu.memory_space<semaphore_mem>>) src(%arg9 : memref<240x128xf32, #tpu.memory_space<vmem>>) dst(%dma_wait3A_912 : memref<240x128xf32, #tpu.memory_space<hbm>>)
    %dma_start3A_913 = arith.constant 0 : i32
    %dma_start3A_914 = arith.constant 0 : i32
    %dma_start3A_915 = tpu.memref_slice %arg9[%dma_start3A_913, %dma_start3A_914] : memref<240x128xf32, #tpu.memory_space<vmem>> -> memref<80x128xf32, #tpu.memory_space<vmem>>
    %dma_start3A_916 = arith.constant 2400 : i32
    %dma_start3A_917 = tpu.memref_slice %arg6[%dma_start3A_916] : memref<3120xi32, #tpu.memory_space<vmem>> -> memref<80xi32, #tpu.memory_space<vmem>>
    %dma_start3A_918 = arith.constant 0 : i32
    %dma_start3A_919 = arith.constant 0 : i32
    %dma_start3A_920 = tpu.memref_slice %arg2[%dma_start3A_918, %dma_start3A_919] : memref<100000x128xf32, #tpu.memory_space<hbm>> -> memref<100000x128xf32, #tpu.memory_space<hbm>>
    tpu.enqueue_indirect_dma source(%dma_start3A_920 : memref<100000x128xf32, #tpu.memory_space<hbm>>) target(%dma_start3A_915 : memref<80x128xf32, #tpu.memory_space<vmem>>) offsets(%dma_start3A_917 : memref<80xi32, #tpu.memory_space<vmem>>) semaphore(%arg12 : memref<!tpu.dma_semaphore, #tpu.memory_space<semaphore_mem>>)
    %dma_start3A_921 = arith.constant 80 : i32
    %dma_start3A_922 = arith.constant 0 : i32
    %dma_start3A_923 = tpu.memref_slice %arg9[%dma_start3A_921, %dma_start3A_922] : memref<240x128xf32, #tpu.memory_space<vmem>> -> memref<80x128xf32, #tpu.memory_space<vmem>>
    %dma_start3A_924 = arith.constant 2480 : i32
    %dma_start3A_925 = tpu.memref_slice %arg6[%dma_start3A_924] : memref<3120xi32, #tpu.memory_space<vmem>> -> memref<80xi32, #tpu.memory_space<vmem>>
    %dma_start3A_926 = arith.constant 0 : i32
    %dma_start3A_927 = arith.constant 0 : i32
    %dma_start3A_928 = tpu.memref_slice %arg2[%dma_start3A_926, %dma_start3A_927] : memref<100000x128xf32, #tpu.memory_space<hbm>> -> memref<100000x128xf32, #tpu.memory_space<hbm>>
    tpu.enqueue_indirect_dma source(%dma_start3A_928 : memref<100000x128xf32, #tpu.memory_space<hbm>>) target(%dma_start3A_923 : memref<80x128xf32, #tpu.memory_space<vmem>>) offsets(%dma_start3A_925 : memref<80xi32, #tpu.memory_space<vmem>>) semaphore(%arg12 : memref<!tpu.dma_semaphore, #tpu.memory_space<semaphore_mem>>)
    %dma_start3A_929 = arith.constant 160 : i32
    %dma_start3A_930 = arith.constant 0 : i32
    %dma_start3A_931 = tpu.memref_slice %arg9[%dma_start3A_929, %dma_start3A_930] : memref<240x128xf32, #tpu.memory_space<vmem>> -> memref<80x128xf32, #tpu.memory_space<vmem>>
    %dma_start3A_932 = arith.constant 2560 : i32
    %dma_start3A_933 = tpu.memref_slice %arg6[%dma_start3A_932] : memref<3120xi32, #tpu.memory_space<vmem>> -> memref<80xi32, #tpu.memory_space<vmem>>
    %dma_start3A_934 = arith.constant 0 : i32
    %dma_start3A_935 = arith.constant 0 : i32
    %dma_start3A_936 = tpu.memref_slice %arg2[%dma_start3A_934, %dma_start3A_935] : memref<100000x128xf32, #tpu.memory_space<hbm>> -> memref<100000x128xf32, #tpu.memory_space<hbm>>
    tpu.enqueue_indirect_dma source(%dma_start3A_936 : memref<100000x128xf32, #tpu.memory_space<hbm>>) target(%dma_start3A_931 : memref<80x128xf32, #tpu.memory_space<vmem>>) offsets(%dma_start3A_933 : memref<80xi32, #tpu.memory_space<vmem>>) semaphore(%arg12 : memref<!tpu.dma_semaphore, #tpu.memory_space<semaphore_mem>>)
    %dma_wait3A_937 = arith.constant 0 : i32
    %dma_wait3A_938 = arith.constant 0 : i32
    %dma_wait3A_939 = tpu.memref_slice %arg8[%dma_wait3A_937, %dma_wait3A_938] : memref<240x128xf32, #tpu.memory_space<vmem>> -> memref<80x128xf32, #tpu.memory_space<vmem>>
    %dma_wait3A_940 = arith.constant 2160 : i32
    %dma_wait3A_941 = tpu.memref_slice %arg6[%dma_wait3A_940] : memref<3120xi32, #tpu.memory_space<vmem>> -> memref<80xi32, #tpu.memory_space<vmem>>
    %dma_wait3A_942 = arith.constant 0 : i32
    %dma_wait3A_943 = arith.constant 0 : i32
    %dma_wait3A_944 = tpu.memref_slice %arg2[%dma_wait3A_942, %dma_wait3A_943] : memref<100000x128xf32, #tpu.memory_space<hbm>> -> memref<100000x128xf32, #tpu.memory_space<hbm>>
    tpu.wait_indirect_dma semaphore(%arg11 : memref<!tpu.dma_semaphore, #tpu.memory_space<semaphore_mem>>) src(%dma_wait3A_944 : memref<100000x128xf32, #tpu.memory_space<hbm>>) dst(%dma_wait3A_939 : memref<80x128xf32, #tpu.memory_space<vmem>>)
    %dma_wait3A_945 = arith.constant 80 : i32
    %dma_wait3A_946 = arith.constant 0 : i32
    %dma_wait3A_947 = tpu.memref_slice %arg8[%dma_wait3A_945, %dma_wait3A_946] : memref<240x128xf32, #tpu.memory_space<vmem>> -> memref<80x128xf32, #tpu.memory_space<vmem>>
    %dma_wait3A_948 = arith.constant 2240 : i32
    %dma_wait3A_949 = tpu.memref_slice %arg6[%dma_wait3A_948] : memref<3120xi32, #tpu.memory_space<vmem>> -> memref<80xi32, #tpu.memory_space<vmem>>
    %dma_wait3A_950 = arith.constant 0 : i32
    %dma_wait3A_951 = arith.constant 0 : i32
    %dma_wait3A_952 = tpu.memref_slice %arg2[%dma_wait3A_950, %dma_wait3A_951] : memref<100000x128xf32, #tpu.memory_space<hbm>> -> memref<100000x128xf32, #tpu.memory_space<hbm>>
    tpu.wait_indirect_dma semaphore(%arg11 : memref<!tpu.dma_semaphore, #tpu.memory_space<semaphore_mem>>) src(%dma_wait3A_952 : memref<100000x128xf32, #tpu.memory_space<hbm>>) dst(%dma_wait3A_947 : memref<80x128xf32, #tpu.memory_space<vmem>>)
    %dma_wait3A_953 = arith.constant 160 : i32
    %dma_wait3A_954 = arith.constant 0 : i32
    %dma_wait3A_955 = tpu.memref_slice %arg8[%dma_wait3A_953, %dma_wait3A_954] : memref<240x128xf32, #tpu.memory_space<vmem>> -> memref<80x128xf32, #tpu.memory_space<vmem>>
    %dma_wait3A_956 = arith.constant 2320 : i32
    %dma_wait3A_957 = tpu.memref_slice %arg6[%dma_wait3A_956] : memref<3120xi32, #tpu.memory_space<vmem>> -> memref<80xi32, #tpu.memory_space<vmem>>
    %dma_wait3A_958 = arith.constant 0 : i32
    %dma_wait3A_959 = arith.constant 0 : i32
    %dma_wait3A_960 = tpu.memref_slice %arg2[%dma_wait3A_958, %dma_wait3A_959] : memref<100000x128xf32, #tpu.memory_space<hbm>> -> memref<100000x128xf32, #tpu.memory_space<hbm>>
    tpu.wait_indirect_dma semaphore(%arg11 : memref<!tpu.dma_semaphore, #tpu.memory_space<semaphore_mem>>) src(%dma_wait3A_960 : memref<100000x128xf32, #tpu.memory_space<hbm>>) dst(%dma_wait3A_955 : memref<80x128xf32, #tpu.memory_space<vmem>>)
    %get3A_961 = arith.constant 2160 : index
    %get3A_962 = tpu.vector_load %arg7[%get3A_961] {strides = array<i32>} : memref<3120xf32, #tpu.memory_space<vmem>>, vector<16xf32>,
    tpu.vector_store_idx %arg8[%add3A_10, %broadcast_in_dim3A_7], %get3A_962 : memref<240x128xf32, #tpu.memory_space<vmem>>[vector<16xi32>, vector<16xi32>], vector<16xf32>,
    %get3A_963 = arith.constant 2176 : index
    %get3A_964 = tpu.vector_load %arg7[%get3A_963] {strides = array<i32>} : memref<3120xf32, #tpu.memory_space<vmem>>, vector<16xf32>,
    tpu.vector_store_idx %arg8[%add3A_14, %broadcast_in_dim3A_7], %get3A_964 : memref<240x128xf32, #tpu.memory_space<vmem>>[vector<16xi32>, vector<16xi32>], vector<16xf32>,
    %get3A_965 = arith.constant 2192 : index
    %get3A_966 = tpu.vector_load %arg7[%get3A_965] {strides = array<i32>} : memref<3120xf32, #tpu.memory_space<vmem>>, vector<16xf32>,
    tpu.vector_store_idx %arg8[%add3A_18, %broadcast_in_dim3A_7], %get3A_966 : memref<240x128xf32, #tpu.memory_space<vmem>>[vector<16xi32>, vector<16xi32>], vector<16xf32>,
    %get3A_967 = arith.constant 2208 : index
    %get3A_968 = tpu.vector_load %arg7[%get3A_967] {strides = array<i32>} : memref<3120xf32, #tpu.memory_space<vmem>>, vector<16xf32>,
    tpu.vector_store_idx %arg8[%add3A_22, %broadcast_in_dim3A_7], %get3A_968 : memref<240x128xf32, #tpu.memory_space<vmem>>[vector<16xi32>, vector<16xi32>], vector<16xf32>,
    %get3A_969 = arith.constant 2224 : index
    %get3A_970 = tpu.vector_load %arg7[%get3A_969] {strides = array<i32>} : memref<3120xf32, #tpu.memory_space<vmem>>, vector<16xf32>,
    tpu.vector_store_idx %arg8[%add3A_26, %broadcast_in_dim3A_7], %get3A_970 : memref<240x128xf32, #tpu.memory_space<vmem>>[vector<16xi32>, vector<16xi32>], vector<16xf32>,
    %get3A_971 = arith.constant 2240 : index
    %get3A_972 = tpu.vector_load %arg7[%get3A_971] {strides = array<i32>} : memref<3120xf32, #tpu.memory_space<vmem>>, vector<16xf32>,
    tpu.vector_store_idx %arg8[%add3A_30, %broadcast_in_dim3A_7], %get3A_972 : memref<240x128xf32, #tpu.memory_space<vmem>>[vector<16xi32>, vector<16xi32>], vector<16xf32>,
    %get3A_973 = arith.constant 2256 : index
    %get3A_974 = tpu.vector_load %arg7[%get3A_973] {strides = array<i32>} : memref<3120xf32, #tpu.memory_space<vmem>>, vector<16xf32>,
    tpu.vector_store_idx %arg8[%add3A_34, %broadcast_in_dim3A_7], %get3A_974 : memref<240x128xf32, #tpu.memory_space<vmem>>[vector<16xi32>, vector<16xi32>], vector<16xf32>,
    %get3A_975 = arith.constant 2272 : index
    %get3A_976 = tpu.vector_load %arg7[%get3A_975] {strides = array<i32>} : memref<3120xf32, #tpu.memory_space<vmem>>, vector<16xf32>,
    tpu.vector_store_idx %arg8[%add3A_38, %broadcast_in_dim3A_7], %get3A_976 : memref<240x128xf32, #tpu.memory_space<vmem>>[vector<16xi32>, vector<16xi32>], vector<16xf32>,
    %get3A_977 = arith.constant 2288 : index
    %get3A_978 = tpu.vector_load %arg7[%get3A_977] {strides = array<i32>} : memref<3120xf32, #tpu.memory_space<vmem>>, vector<16xf32>,
    tpu.vector_store_idx %arg8[%add3A_42, %broadcast_in_dim3A_7], %get3A_978 : memref<240x128xf32, #tpu.memory_space<vmem>>[vector<16xi32>, vector<16xi32>], vector<16xf32>,
    %get3A_979 = arith.constant 2304 : index
    %get3A_980 = tpu.vector_load %arg7[%get3A_979] {strides = array<i32>} : memref<3120xf32, #tpu.memory_space<vmem>>, vector<16xf32>,
    tpu.vector_store_idx %arg8[%add3A_46, %broadcast_in_dim3A_7], %get3A_980 : memref<240x128xf32, #tpu.memory_space<vmem>>[vector<16xi32>, vector<16xi32>], vector<16xf32>,
    %get3A_981 = arith.constant 2320 : index
    %get3A_982 = tpu.vector_load %arg7[%get3A_981] {strides = array<i32>} : memref<3120xf32, #tpu.memory_space<vmem>>, vector<16xf32>,
    tpu.vector_store_idx %arg8[%add3A_50, %broadcast_in_dim3A_7], %get3A_982 : memref<240x128xf32, #tpu.memory_space<vmem>>[vector<16xi32>, vector<16xi32>], vector<16xf32>,
    %get3A_983 = arith.constant 2336 : index
    %get3A_984 = tpu.vector_load %arg7[%get3A_983] {strides = array<i32>} : memref<3120xf32, #tpu.memory_space<vmem>>, vector<16xf32>,
    tpu.vector_store_idx %arg8[%add3A_54, %broadcast_in_dim3A_7], %get3A_984 : memref<240x128xf32, #tpu.memory_space<vmem>>[vector<16xi32>, vector<16xi32>], vector<16xf32>,
    %get3A_985 = arith.constant 2352 : index
    %get3A_986 = tpu.vector_load %arg7[%get3A_985] {strides = array<i32>} : memref<3120xf32, #tpu.memory_space<vmem>>, vector<16xf32>,
    tpu.vector_store_idx %arg8[%add3A_58, %broadcast_in_dim3A_7], %get3A_986 : memref<240x128xf32, #tpu.memory_space<vmem>>[vector<16xi32>, vector<16xi32>], vector<16xf32>,
    %get3A_987 = arith.constant 2368 : index
    %get3A_988 = tpu.vector_load %arg7[%get3A_987] {strides = array<i32>} : memref<3120xf32, #tpu.memory_space<vmem>>, vector<16xf32>,
    tpu.vector_store_idx %arg8[%add3A_62, %broadcast_in_dim3A_7], %get3A_988 : memref<240x128xf32, #tpu.memory_space<vmem>>[vector<16xi32>, vector<16xi32>], vector<16xf32>,
    %get3A_989 = arith.constant 2384 : index
    %get3A_990 = tpu.vector_load %arg7[%get3A_989] {strides = array<i32>} : memref<3120xf32, #tpu.memory_space<vmem>>, vector<16xf32>,
    tpu.vector_store_idx %arg8[%add3A_66, %broadcast_in_dim3A_7], %get3A_990 : memref<240x128xf32, #tpu.memory_space<vmem>>[vector<16xi32>, vector<16xi32>], vector<16xf32>,
    %add3A_991 = arith.constant 2160 : i32
    %add3A_992 = arith.addi %multiple_of3A, %add3A_991 : i32
    %multiple_of3A_993 = tpu.assume_multiple %add3A_992, 8 : i32
    %dma_start3A_994 = arith.constant 0 : i32
    %dma_start3A_995 = tpu.memref_slice %arg5[%multiple_of3A_993, %dma_start3A_994] : memref<100000x128xf32, #tpu.memory_space<hbm>> -> memref<240x128xf32, #tpu.memory_space<hbm>>
    %dma_start3A_996 = arith.constant 0 : i32
    %dma_start3A_997 = tpu.memref_slice %arg5[%multiple_of3A_993, %dma_start3A_996] : memref<100000x128xf32, #tpu.memory_space<hbm>> -> memref<240x128xf32, #tpu.memory_space<hbm>>
    tpu.enqueue_dma source(%arg8 : memref<240x128xf32, #tpu.memory_space<vmem>>) target(%dma_start3A_997 : memref<240x128xf32, #tpu.memory_space<hbm>>) target_semaphore(%arg14 : memref<!tpu.dma_semaphore, #tpu.memory_space<semaphore_mem>>)
    %add3A_998 = arith.constant 1920 : i32
    %add3A_999 = arith.addi %multiple_of3A, %add3A_998 : i32
    %multiple_of3A_1000 = tpu.assume_multiple %add3A_999, 8 : i32
    %dma_wait3A_1001 = arith.constant 0 : i32
    %dma_wait3A_1002 = tpu.memref_slice %arg5[%multiple_of3A_1000, %dma_wait3A_1001] : memref<100000x128xf32, #tpu.memory_space<hbm>> -> memref<240x128xf32, #tpu.memory_space<hbm>>
    %dma_wait3A_1003 = arith.constant 0 : i32
    %dma_wait3A_1004 = tpu.memref_slice %arg5[%multiple_of3A_1000, %dma_wait3A_1003] : memref<100000x128xf32, #tpu.memory_space<hbm>> -> memref<240x128xf32, #tpu.memory_space<hbm>>
    tpu.wait_dma2 semaphore(%arg16 : memref<!tpu.dma_semaphore, #tpu.memory_space<semaphore_mem>>) src(%arg10 : memref<240x128xf32, #tpu.memory_space<vmem>>) dst(%dma_wait3A_1004 : memref<240x128xf32, #tpu.memory_space<hbm>>)
    %dma_start3A_1005 = arith.constant 0 : i32
    %dma_start3A_1006 = arith.constant 0 : i32
    %dma_start3A_1007 = tpu.memref_slice %arg10[%dma_start3A_1005, %dma_start3A_1006] : memref<240x128xf32, #tpu.memory_space<vmem>> -> memref<80x128xf32, #tpu.memory_space<vmem>>
    %dma_start3A_1008 = arith.constant 2640 : i32
    %dma_start3A_1009 = tpu.memref_slice %arg6[%dma_start3A_1008] : memref<3120xi32, #tpu.memory_space<vmem>> -> memref<80xi32, #tpu.memory_space<vmem>>
    %dma_start3A_1010 = arith.constant 0 : i32
    %dma_start3A_1011 = arith.constant 0 : i32
    %dma_start3A_1012 = tpu.memref_slice %arg2[%dma_start3A_1010, %dma_start3A_1011] : memref<100000x128xf32, #tpu.memory_space<hbm>> -> memref<100000x128xf32, #tpu.memory_space<hbm>>
    tpu.enqueue_indirect_dma source(%dma_start3A_1012 : memref<100000x128xf32, #tpu.memory_space<hbm>>) target(%dma_start3A_1007 : memref<80x128xf32, #tpu.memory_space<vmem>>) offsets(%dma_start3A_1009 : memref<80xi32, #tpu.memory_space<vmem>>) semaphore(%arg13 : memref<!tpu.dma_semaphore, #tpu.memory_space<semaphore_mem>>)
    %dma_start3A_1013 = arith.constant 80 : i32
    %dma_start3A_1014 = arith.constant 0 : i32
    %dma_start3A_1015 = tpu.memref_slice %arg10[%dma_start3A_1013, %dma_start3A_1014] : memref<240x128xf32, #tpu.memory_space<vmem>> -> memref<80x128xf32, #tpu.memory_space<vmem>>
    %dma_start3A_1016 = arith.constant 2720 : i32
    %dma_start3A_1017 = tpu.memref_slice %arg6[%dma_start3A_1016] : memref<3120xi32, #tpu.memory_space<vmem>> -> memref<80xi32, #tpu.memory_space<vmem>>
    %dma_start3A_1018 = arith.constant 0 : i32
    %dma_start3A_1019 = arith.constant 0 : i32
    %dma_start3A_1020 = tpu.memref_slice %arg2[%dma_start3A_1018, %dma_start3A_1019] : memref<100000x128xf32, #tpu.memory_space<hbm>> -> memref<100000x128xf32, #tpu.memory_space<hbm>>
    tpu.enqueue_indirect_dma source(%dma_start3A_1020 : memref<100000x128xf32, #tpu.memory_space<hbm>>) target(%dma_start3A_1015 : memref<80x128xf32, #tpu.memory_space<vmem>>) offsets(%dma_start3A_1017 : memref<80xi32, #tpu.memory_space<vmem>>) semaphore(%arg13 : memref<!tpu.dma_semaphore, #tpu.memory_space<semaphore_mem>>)
    %dma_start3A_1021 = arith.constant 160 : i32
    %dma_start3A_1022 = arith.constant 0 : i32
    %dma_start3A_1023 = tpu.memref_slice %arg10[%dma_start3A_1021, %dma_start3A_1022] : memref<240x128xf32, #tpu.memory_space<vmem>> -> memref<80x128xf32, #tpu.memory_space<vmem>>
    %dma_start3A_1024 = arith.constant 2800 : i32
    %dma_start3A_1025 = tpu.memref_slice %arg6[%dma_start3A_1024] : memref<3120xi32, #tpu.memory_space<vmem>> -> memref<80xi32, #tpu.memory_space<vmem>>
    %dma_start3A_1026 = arith.constant 0 : i32
    %dma_start3A_1027 = arith.constant 0 : i32
    %dma_start3A_1028 = tpu.memref_slice %arg2[%dma_start3A_1026, %dma_start3A_1027] : memref<100000x128xf32, #tpu.memory_space<hbm>> -> memref<100000x128xf32, #tpu.memory_space<hbm>>
    tpu.enqueue_indirect_dma source(%dma_start3A_1028 : memref<100000x128xf32, #tpu.memory_space<hbm>>) target(%dma_start3A_1023 : memref<80x128xf32, #tpu.memory_space<vmem>>) offsets(%dma_start3A_1025 : memref<80xi32, #tpu.memory_space<vmem>>) semaphore(%arg13 : memref<!tpu.dma_semaphore, #tpu.memory_space<semaphore_mem>>)
    %dma_wait3A_1029 = arith.constant 0 : i32
    %dma_wait3A_1030 = arith.constant 0 : i32
    %dma_wait3A_1031 = tpu.memref_slice %arg9[%dma_wait3A_1029, %dma_wait3A_1030] : memref<240x128xf32, #tpu.memory_space<vmem>> -> memref<80x128xf32, #tpu.memory_space<vmem>>
    %dma_wait3A_1032 = arith.constant 2400 : i32
    %dma_wait3A_1033 = tpu.memref_slice %arg6[%dma_wait3A_1032] : memref<3120xi32, #tpu.memory_space<vmem>> -> memref<80xi32, #tpu.memory_space<vmem>>
    %dma_wait3A_1034 = arith.constant 0 : i32
    %dma_wait3A_1035 = arith.constant 0 : i32
    %dma_wait3A_1036 = tpu.memref_slice %arg2[%dma_wait3A_1034, %dma_wait3A_1035] : memref<100000x128xf32, #tpu.memory_space<hbm>> -> memref<100000x128xf32, #tpu.memory_space<hbm>>
    tpu.wait_indirect_dma semaphore(%arg12 : memref<!tpu.dma_semaphore, #tpu.memory_space<semaphore_mem>>) src(%dma_wait3A_1036 : memref<100000x128xf32, #tpu.memory_space<hbm>>) dst(%dma_wait3A_1031 : memref<80x128xf32, #tpu.memory_space<vmem>>)
    %dma_wait3A_1037 = arith.constant 80 : i32
    %dma_wait3A_1038 = arith.constant 0 : i32
    %dma_wait3A_1039 = tpu.memref_slice %arg9[%dma_wait3A_1037, %dma_wait3A_1038] : memref<240x128xf32, #tpu.memory_space<vmem>> -> memref<80x128xf32, #tpu.memory_space<vmem>>
    %dma_wait3A_1040 = arith.constant 2480 : i32
    %dma_wait3A_1041 = tpu.memref_slice %arg6[%dma_wait3A_1040] : memref<3120xi32, #tpu.memory_space<vmem>> -> memref<80xi32, #tpu.memory_space<vmem>>
    %dma_wait3A_1042 = arith.constant 0 : i32
    %dma_wait3A_1043 = arith.constant 0 : i32
    %dma_wait3A_1044 = tpu.memref_slice %arg2[%dma_wait3A_1042, %dma_wait3A_1043] : memref<100000x128xf32, #tpu.memory_space<hbm>> -> memref<100000x128xf32, #tpu.memory_space<hbm>>
    tpu.wait_indirect_dma semaphore(%arg12 : memref<!tpu.dma_semaphore, #tpu.memory_space<semaphore_mem>>) src(%dma_wait3A_1044 : memref<100000x128xf32, #tpu.memory_space<hbm>>) dst(%dma_wait3A_1039 : memref<80x128xf32, #tpu.memory_space<vmem>>)
    %dma_wait3A_1045 = arith.constant 160 : i32
    %dma_wait3A_1046 = arith.constant 0 : i32
    %dma_wait3A_1047 = tpu.memref_slice %arg9[%dma_wait3A_1045, %dma_wait3A_1046] : memref<240x128xf32, #tpu.memory_space<vmem>> -> memref<80x128xf32, #tpu.memory_space<vmem>>
    %dma_wait3A_1048 = arith.constant 2560 : i32
    %dma_wait3A_1049 = tpu.memref_slice %arg6[%dma_wait3A_1048] : memref<3120xi32, #tpu.memory_space<vmem>> -> memref<80xi32, #tpu.memory_space<vmem>>
    %dma_wait3A_1050 = arith.constant 0 : i32
    %dma_wait3A_1051 = arith.constant 0 : i32
    %dma_wait3A_1052 = tpu.memref_slice %arg2[%dma_wait3A_1050, %dma_wait3A_1051] : memref<100000x128xf32, #tpu.memory_space<hbm>> -> memref<100000x128xf32, #tpu.memory_space<hbm>>
    tpu.wait_indirect_dma semaphore(%arg12 : memref<!tpu.dma_semaphore, #tpu.memory_space<semaphore_mem>>) src(%dma_wait3A_1052 : memref<100000x128xf32, #tpu.memory_space<hbm>>) dst(%dma_wait3A_1047 : memref<80x128xf32, #tpu.memory_space<vmem>>)
    %get3A_1053 = arith.constant 2400 : index
    %get3A_1054 = tpu.vector_load %arg7[%get3A_1053] {strides = array<i32>} : memref<3120xf32, #tpu.memory_space<vmem>>, vector<16xf32>,
    tpu.vector_store_idx %arg9[%add3A_10, %broadcast_in_dim3A_7], %get3A_1054 : memref<240x128xf32, #tpu.memory_space<vmem>>[vector<16xi32>, vector<16xi32>], vector<16xf32>,
    %get3A_1055 = arith.constant 2416 : index
    %get3A_1056 = tpu.vector_load %arg7[%get3A_1055] {strides = array<i32>} : memref<3120xf32, #tpu.memory_space<vmem>>, vector<16xf32>,
    tpu.vector_store_idx %arg9[%add3A_14, %broadcast_in_dim3A_7], %get3A_1056 : memref<240x128xf32, #tpu.memory_space<vmem>>[vector<16xi32>, vector<16xi32>], vector<16xf32>,
    %get3A_1057 = arith.constant 2432 : index
    %get3A_1058 = tpu.vector_load %arg7[%get3A_1057] {strides = array<i32>} : memref<3120xf32, #tpu.memory_space<vmem>>, vector<16xf32>,
    tpu.vector_store_idx %arg9[%add3A_18, %broadcast_in_dim3A_7], %get3A_1058 : memref<240x128xf32, #tpu.memory_space<vmem>>[vector<16xi32>, vector<16xi32>], vector<16xf32>,
    %get3A_1059 = arith.constant 2448 : index
    %get3A_1060 = tpu.vector_load %arg7[%get3A_1059] {strides = array<i32>} : memref<3120xf32, #tpu.memory_space<vmem>>, vector<16xf32>,
    tpu.vector_store_idx %arg9[%add3A_22, %broadcast_in_dim3A_7], %get3A_1060 : memref<240x128xf32, #tpu.memory_space<vmem>>[vector<16xi32>, vector<16xi32>], vector<16xf32>,
    %get3A_1061 = arith.constant 2464 : index
    %get3A_1062 = tpu.vector_load %arg7[%get3A_1061] {strides = array<i32>} : memref<3120xf32, #tpu.memory_space<vmem>>, vector<16xf32>,
    tpu.vector_store_idx %arg9[%add3A_26, %broadcast_in_dim3A_7], %get3A_1062 : memref<240x128xf32, #tpu.memory_space<vmem>>[vector<16xi32>, vector<16xi32>], vector<16xf32>,
    %get3A_1063 = arith.constant 2480 : index
    %get3A_1064 = tpu.vector_load %arg7[%get3A_1063] {strides = array<i32>} : memref<3120xf32, #tpu.memory_space<vmem>>, vector<16xf32>,
    tpu.vector_store_idx %arg9[%add3A_30, %broadcast_in_dim3A_7], %get3A_1064 : memref<240x128xf32, #tpu.memory_space<vmem>>[vector<16xi32>, vector<16xi32>], vector<16xf32>,
    %get3A_1065 = arith.constant 2496 : index
    %get3A_1066 = tpu.vector_load %arg7[%get3A_1065] {strides = array<i32>} : memref<3120xf32, #tpu.memory_space<vmem>>, vector<16xf32>,
    tpu.vector_store_idx %arg9[%add3A_34, %broadcast_in_dim3A_7], %get3A_1066 : memref<240x128xf32, #tpu.memory_space<vmem>>[vector<16xi32>, vector<16xi32>], vector<16xf32>,
    %get3A_1067 = arith.constant 2512 : index
    %get3A_1068 = tpu.vector_load %arg7[%get3A_1067] {strides = array<i32>} : memref<3120xf32, #tpu.memory_space<vmem>>, vector<16xf32>,
    tpu.vector_store_idx %arg9[%add3A_38, %broadcast_in_dim3A_7], %get3A_1068 : memref<240x128xf32, #tpu.memory_space<vmem>>[vector<16xi32>, vector<16xi32>], vector<16xf32>,
    %get3A_1069 = arith.constant 2528 : index
    %get3A_1070 = tpu.vector_load %arg7[%get3A_1069] {strides = array<i32>} : memref<3120xf32, #tpu.memory_space<vmem>>, vector<16xf32>,
    tpu.vector_store_idx %arg9[%add3A_42, %broadcast_in_dim3A_7], %get3A_1070 : memref<240x128xf32, #tpu.memory_space<vmem>>[vector<16xi32>, vector<16xi32>], vector<16xf32>,
    %get3A_1071 = arith.constant 2544 : index
    %get3A_1072 = tpu.vector_load %arg7[%get3A_1071] {strides = array<i32>} : memref<3120xf32, #tpu.memory_space<vmem>>, vector<16xf32>,
    tpu.vector_store_idx %arg9[%add3A_46, %broadcast_in_dim3A_7], %get3A_1072 : memref<240x128xf32, #tpu.memory_space<vmem>>[vector<16xi32>, vector<16xi32>], vector<16xf32>,
    %get3A_1073 = arith.constant 2560 : index
    %get3A_1074 = tpu.vector_load %arg7[%get3A_1073] {strides = array<i32>} : memref<3120xf32, #tpu.memory_space<vmem>>, vector<16xf32>,
    tpu.vector_store_idx %arg9[%add3A_50, %broadcast_in_dim3A_7], %get3A_1074 : memref<240x128xf32, #tpu.memory_space<vmem>>[vector<16xi32>, vector<16xi32>], vector<16xf32>,
    %get3A_1075 = arith.constant 2576 : index
    %get3A_1076 = tpu.vector_load %arg7[%get3A_1075] {strides = array<i32>} : memref<3120xf32, #tpu.memory_space<vmem>>, vector<16xf32>,
    tpu.vector_store_idx %arg9[%add3A_54, %broadcast_in_dim3A_7], %get3A_1076 : memref<240x128xf32, #tpu.memory_space<vmem>>[vector<16xi32>, vector<16xi32>], vector<16xf32>,
    %get3A_1077 = arith.constant 2592 : index
    %get3A_1078 = tpu.vector_load %arg7[%get3A_1077] {strides = array<i32>} : memref<3120xf32, #tpu.memory_space<vmem>>, vector<16xf32>,
    tpu.vector_store_idx %arg9[%add3A_58, %broadcast_in_dim3A_7], %get3A_1078 : memref<240x128xf32, #tpu.memory_space<vmem>>[vector<16xi32>, vector<16xi32>], vector<16xf32>,
    %get3A_1079 = arith.constant 2608 : index
    %get3A_1080 = tpu.vector_load %arg7[%get3A_1079] {strides = array<i32>} : memref<3120xf32, #tpu.memory_space<vmem>>, vector<16xf32>,
    tpu.vector_store_idx %arg9[%add3A_62, %broadcast_in_dim3A_7], %get3A_1080 : memref<240x128xf32, #tpu.memory_space<vmem>>[vector<16xi32>, vector<16xi32>], vector<16xf32>,
    %get3A_1081 = arith.constant 2624 : index
    %get3A_1082 = tpu.vector_load %arg7[%get3A_1081] {strides = array<i32>} : memref<3120xf32, #tpu.memory_space<vmem>>, vector<16xf32>,
    tpu.vector_store_idx %arg9[%add3A_66, %broadcast_in_dim3A_7], %get3A_1082 : memref<240x128xf32, #tpu.memory_space<vmem>>[vector<16xi32>, vector<16xi32>], vector<16xf32>,
    %add3A_1083 = arith.constant 2400 : i32
    %add3A_1084 = arith.addi %multiple_of3A, %add3A_1083 : i32
    %multiple_of3A_1085 = tpu.assume_multiple %add3A_1084, 8 : i32
    %dma_start3A_1086 = arith.constant 0 : i32
    %dma_start3A_1087 = tpu.memref_slice %arg5[%multiple_of3A_1085, %dma_start3A_1086] : memref<100000x128xf32, #tpu.memory_space<hbm>> -> memref<240x128xf32, #tpu.memory_space<hbm>>
    %dma_start3A_1088 = arith.constant 0 : i32
    %dma_start3A_1089 = tpu.memref_slice %arg5[%multiple_of3A_1085, %dma_start3A_1088] : memref<100000x128xf32, #tpu.memory_space<hbm>> -> memref<240x128xf32, #tpu.memory_space<hbm>>
    tpu.enqueue_dma source(%arg9 : memref<240x128xf32, #tpu.memory_space<vmem>>) target(%dma_start3A_1089 : memref<240x128xf32, #tpu.memory_space<hbm>>) target_semaphore(%arg15 : memref<!tpu.dma_semaphore, #tpu.memory_space<semaphore_mem>>)
    %add3A_1090 = arith.constant 2160 : i32
    %add3A_1091 = arith.addi %multiple_of3A, %add3A_1090 : i32
    %multiple_of3A_1092 = tpu.assume_multiple %add3A_1091, 8 : i32
    %dma_wait3A_1093 = arith.constant 0 : i32
    %dma_wait3A_1094 = tpu.memref_slice %arg5[%multiple_of3A_1092, %dma_wait3A_1093] : memref<100000x128xf32, #tpu.memory_space<hbm>> -> memref<240x128xf32, #tpu.memory_space<hbm>>
    %dma_wait3A_1095 = arith.constant 0 : i32
    %dma_wait3A_1096 = tpu.memref_slice %arg5[%multiple_of3A_1092, %dma_wait3A_1095] : memref<100000x128xf32, #tpu.memory_space<hbm>> -> memref<240x128xf32, #tpu.memory_space<hbm>>
    tpu.wait_dma2 semaphore(%arg14 : memref<!tpu.dma_semaphore, #tpu.memory_space<semaphore_mem>>) src(%arg8 : memref<240x128xf32, #tpu.memory_space<vmem>>) dst(%dma_wait3A_1096 : memref<240x128xf32, #tpu.memory_space<hbm>>)
    %dma_start3A_1097 = arith.constant 0 : i32
    %dma_start3A_1098 = arith.constant 0 : i32
    %dma_start3A_1099 = tpu.memref_slice %arg8[%dma_start3A_1097, %dma_start3A_1098] : memref<240x128xf32, #tpu.memory_space<vmem>> -> memref<80x128xf32, #tpu.memory_space<vmem>>
    %dma_start3A_1100 = arith.constant 2880 : i32
    %dma_start3A_1101 = tpu.memref_slice %arg6[%dma_start3A_1100] : memref<3120xi32, #tpu.memory_space<vmem>> -> memref<80xi32, #tpu.memory_space<vmem>>
    %dma_start3A_1102 = arith.constant 0 : i32
    %dma_start3A_1103 = arith.constant 0 : i32
    %dma_start3A_1104 = tpu.memref_slice %arg2[%dma_start3A_1102, %dma_start3A_1103] : memref<100000x128xf32, #tpu.memory_space<hbm>> -> memref<100000x128xf32, #tpu.memory_space<hbm>>
    tpu.enqueue_indirect_dma source(%dma_start3A_1104 : memref<100000x128xf32, #tpu.memory_space<hbm>>) target(%dma_start3A_1099 : memref<80x128xf32, #tpu.memory_space<vmem>>) offsets(%dma_start3A_1101 : memref<80xi32, #tpu.memory_space<vmem>>) semaphore(%arg11 : memref<!tpu.dma_semaphore, #tpu.memory_space<semaphore_mem>>)
    %dma_start3A_1105 = arith.constant 80 : i32
    %dma_start3A_1106 = arith.constant 0 : i32
    %dma_start3A_1107 = tpu.memref_slice %arg8[%dma_start3A_1105, %dma_start3A_1106] : memref<240x128xf32, #tpu.memory_space<vmem>> -> memref<80x128xf32, #tpu.memory_space<vmem>>
    %dma_start3A_1108 = arith.constant 2960 : i32
    %dma_start3A_1109 = tpu.memref_slice %arg6[%dma_start3A_1108] : memref<3120xi32, #tpu.memory_space<vmem>> -> memref<80xi32, #tpu.memory_space<vmem>>
    %dma_start3A_1110 = arith.constant 0 : i32
    %dma_start3A_1111 = arith.constant 0 : i32
    %dma_start3A_1112 = tpu.memref_slice %arg2[%dma_start3A_1110, %dma_start3A_1111] : memref<100000x128xf32, #tpu.memory_space<hbm>> -> memref<100000x128xf32, #tpu.memory_space<hbm>>
    tpu.enqueue_indirect_dma source(%dma_start3A_1112 : memref<100000x128xf32, #tpu.memory_space<hbm>>) target(%dma_start3A_1107 : memref<80x128xf32, #tpu.memory_space<vmem>>) offsets(%dma_start3A_1109 : memref<80xi32, #tpu.memory_space<vmem>>) semaphore(%arg11 : memref<!tpu.dma_semaphore, #tpu.memory_space<semaphore_mem>>)
    %dma_start3A_1113 = arith.constant 160 : i32
    %dma_start3A_1114 = arith.constant 0 : i32
    %dma_start3A_1115 = tpu.memref_slice %arg8[%dma_start3A_1113, %dma_start3A_1114] : memref<240x128xf32, #tpu.memory_space<vmem>> -> memref<80x128xf32, #tpu.memory_space<vmem>>
    %dma_start3A_1116 = arith.constant 3040 : i32
    %dma_start3A_1117 = tpu.memref_slice %arg6[%dma_start3A_1116] : memref<3120xi32, #tpu.memory_space<vmem>> -> memref<80xi32, #tpu.memory_space<vmem>>
    %dma_start3A_1118 = arith.constant 0 : i32
    %dma_start3A_1119 = arith.constant 0 : i32
    %dma_start3A_1120 = tpu.memref_slice %arg2[%dma_start3A_1118, %dma_start3A_1119] : memref<100000x128xf32, #tpu.memory_space<hbm>> -> memref<100000x128xf32, #tpu.memory_space<hbm>>
    tpu.enqueue_indirect_dma source(%dma_start3A_1120 : memref<100000x128xf32, #tpu.memory_space<hbm>>) target(%dma_start3A_1115 : memref<80x128xf32, #tpu.memory_space<vmem>>) offsets(%dma_start3A_1117 : memref<80xi32, #tpu.memory_space<vmem>>) semaphore(%arg11 : memref<!tpu.dma_semaphore, #tpu.memory_space<semaphore_mem>>)
    %dma_wait3A_1121 = arith.constant 0 : i32
    %dma_wait3A_1122 = arith.constant 0 : i32
    %dma_wait3A_1123 = tpu.memref_slice %arg10[%dma_wait3A_1121, %dma_wait3A_1122] : memref<240x128xf32, #tpu.memory_space<vmem>> -> memref<80x128xf32, #tpu.memory_space<vmem>>
    %dma_wait3A_1124 = arith.constant 2640 : i32
    %dma_wait3A_1125 = tpu.memref_slice %arg6[%dma_wait3A_1124] : memref<3120xi32, #tpu.memory_space<vmem>> -> memref<80xi32, #tpu.memory_space<vmem>>
    %dma_wait3A_1126 = arith.constant 0 : i32
    %dma_wait3A_1127 = arith.constant 0 : i32
    %dma_wait3A_1128 = tpu.memref_slice %arg2[%dma_wait3A_1126, %dma_wait3A_1127] : memref<100000x128xf32, #tpu.memory_space<hbm>> -> memref<100000x128xf32, #tpu.memory_space<hbm>>
    tpu.wait_indirect_dma semaphore(%arg13 : memref<!tpu.dma_semaphore, #tpu.memory_space<semaphore_mem>>) src(%dma_wait3A_1128 : memref<100000x128xf32, #tpu.memory_space<hbm>>) dst(%dma_wait3A_1123 : memref<80x128xf32, #tpu.memory_space<vmem>>)
    %dma_wait3A_1129 = arith.constant 80 : i32
    %dma_wait3A_1130 = arith.constant 0 : i32
    %dma_wait3A_1131 = tpu.memref_slice %arg10[%dma_wait3A_1129, %dma_wait3A_1130] : memref<240x128xf32, #tpu.memory_space<vmem>> -> memref<80x128xf32, #tpu.memory_space<vmem>>
    %dma_wait3A_1132 = arith.constant 2720 : i32
    %dma_wait3A_1133 = tpu.memref_slice %arg6[%dma_wait3A_1132] : memref<3120xi32, #tpu.memory_space<vmem>> -> memref<80xi32, #tpu.memory_space<vmem>>
    %dma_wait3A_1134 = arith.constant 0 : i32
    %dma_wait3A_1135 = arith.constant 0 : i32
    %dma_wait3A_1136 = tpu.memref_slice %arg2[%dma_wait3A_1134, %dma_wait3A_1135] : memref<100000x128xf32, #tpu.memory_space<hbm>> -> memref<100000x128xf32, #tpu.memory_space<hbm>>
    tpu.wait_indirect_dma semaphore(%arg13 : memref<!tpu.dma_semaphore, #tpu.memory_space<semaphore_mem>>) src(%dma_wait3A_1136 : memref<100000x128xf32, #tpu.memory_space<hbm>>) dst(%dma_wait3A_1131 : memref<80x128xf32, #tpu.memory_space<vmem>>)
    %dma_wait3A_1137 = arith.constant 160 : i32
    %dma_wait3A_1138 = arith.constant 0 : i32
    %dma_wait3A_1139 = tpu.memref_slice %arg10[%dma_wait3A_1137, %dma_wait3A_1138] : memref<240x128xf32, #tpu.memory_space<vmem>> -> memref<80x128xf32, #tpu.memory_space<vmem>>
    %dma_wait3A_1140 = arith.constant 2800 : i32
    %dma_wait3A_1141 = tpu.memref_slice %arg6[%dma_wait3A_1140] : memref<3120xi32, #tpu.memory_space<vmem>> -> memref<80xi32, #tpu.memory_space<vmem>>
    %dma_wait3A_1142 = arith.constant 0 : i32
    %dma_wait3A_1143 = arith.constant 0 : i32
    %dma_wait3A_1144 = tpu.memref_slice %arg2[%dma_wait3A_1142, %dma_wait3A_1143] : memref<100000x128xf32, #tpu.memory_space<hbm>> -> memref<100000x128xf32, #tpu.memory_space<hbm>>
    tpu.wait_indirect_dma semaphore(%arg13 : memref<!tpu.dma_semaphore, #tpu.memory_space<semaphore_mem>>) src(%dma_wait3A_1144 : memref<100000x128xf32, #tpu.memory_space<hbm>>) dst(%dma_wait3A_1139 : memref<80x128xf32, #tpu.memory_space<vmem>>)
    %get3A_1145 = arith.constant 2640 : index
    %get3A_1146 = tpu.vector_load %arg7[%get3A_1145] {strides = array<i32>} : memref<3120xf32, #tpu.memory_space<vmem>>, vector<16xf32>,
    tpu.vector_store_idx %arg10[%add3A_10, %broadcast_in_dim3A_7], %get3A_1146 : memref<240x128xf32, #tpu.memory_space<vmem>>[vector<16xi32>, vector<16xi32>], vector<16xf32>,
    %get3A_1147 = arith.constant 2656 : index
    %get3A_1148 = tpu.vector_load %arg7[%get3A_1147] {strides = array<i32>} : memref<3120xf32, #tpu.memory_space<vmem>>, vector<16xf32>,
    tpu.vector_store_idx %arg10[%add3A_14, %broadcast_in_dim3A_7], %get3A_1148 : memref<240x128xf32, #tpu.memory_space<vmem>>[vector<16xi32>, vector<16xi32>], vector<16xf32>,
    %get3A_1149 = arith.constant 2672 : index
    %get3A_1150 = tpu.vector_load %arg7[%get3A_1149] {strides = array<i32>} : memref<3120xf32, #tpu.memory_space<vmem>>, vector<16xf32>,
    tpu.vector_store_idx %arg10[%add3A_18, %broadcast_in_dim3A_7], %get3A_1150 : memref<240x128xf32, #tpu.memory_space<vmem>>[vector<16xi32>, vector<16xi32>], vector<16xf32>,
    %get3A_1151 = arith.constant 2688 : index
    %get3A_1152 = tpu.vector_load %arg7[%get3A_1151] {strides = array<i32>} : memref<3120xf32, #tpu.memory_space<vmem>>, vector<16xf32>,
    tpu.vector_store_idx %arg10[%add3A_22, %broadcast_in_dim3A_7], %get3A_1152 : memref<240x128xf32, #tpu.memory_space<vmem>>[vector<16xi32>, vector<16xi32>], vector<16xf32>,
    %get3A_1153 = arith.constant 2704 : index
    %get3A_1154 = tpu.vector_load %arg7[%get3A_1153] {strides = array<i32>} : memref<3120xf32, #tpu.memory_space<vmem>>, vector<16xf32>,
    tpu.vector_store_idx %arg10[%add3A_26, %broadcast_in_dim3A_7], %get3A_1154 : memref<240x128xf32, #tpu.memory_space<vmem>>[vector<16xi32>, vector<16xi32>], vector<16xf32>,
    %get3A_1155 = arith.constant 2720 : index
    %get3A_1156 = tpu.vector_load %arg7[%get3A_1155] {strides = array<i32>} : memref<3120xf32, #tpu.memory_space<vmem>>, vector<16xf32>,
    tpu.vector_store_idx %arg10[%add3A_30, %broadcast_in_dim3A_7], %get3A_1156 : memref<240x128xf32, #tpu.memory_space<vmem>>[vector<16xi32>, vector<16xi32>], vector<16xf32>,
    %get3A_1157 = arith.constant 2736 : index
    %get3A_1158 = tpu.vector_load %arg7[%get3A_1157] {strides = array<i32>} : memref<3120xf32, #tpu.memory_space<vmem>>, vector<16xf32>,
    tpu.vector_store_idx %arg10[%add3A_34, %broadcast_in_dim3A_7], %get3A_1158 : memref<240x128xf32, #tpu.memory_space<vmem>>[vector<16xi32>, vector<16xi32>], vector<16xf32>,
    %get3A_1159 = arith.constant 2752 : index
    %get3A_1160 = tpu.vector_load %arg7[%get3A_1159] {strides = array<i32>} : memref<3120xf32, #tpu.memory_space<vmem>>, vector<16xf32>,
    tpu.vector_store_idx %arg10[%add3A_38, %broadcast_in_dim3A_7], %get3A_1160 : memref<240x128xf32, #tpu.memory_space<vmem>>[vector<16xi32>, vector<16xi32>], vector<16xf32>,
    %get3A_1161 = arith.constant 2768 : index
    %get3A_1162 = tpu.vector_load %arg7[%get3A_1161] {strides = array<i32>} : memref<3120xf32, #tpu.memory_space<vmem>>, vector<16xf32>,
    tpu.vector_store_idx %arg10[%add3A_42, %broadcast_in_dim3A_7], %get3A_1162 : memref<240x128xf32, #tpu.memory_space<vmem>>[vector<16xi32>, vector<16xi32>], vector<16xf32>,
    %get3A_1163 = arith.constant 2784 : index
    %get3A_1164 = tpu.vector_load %arg7[%get3A_1163] {strides = array<i32>} : memref<3120xf32, #tpu.memory_space<vmem>>, vector<16xf32>,
    tpu.vector_store_idx %arg10[%add3A_46, %broadcast_in_dim3A_7], %get3A_1164 : memref<240x128xf32, #tpu.memory_space<vmem>>[vector<16xi32>, vector<16xi32>], vector<16xf32>,
    %get3A_1165 = arith.constant 2800 : index
    %get3A_1166 = tpu.vector_load %arg7[%get3A_1165] {strides = array<i32>} : memref<3120xf32, #tpu.memory_space<vmem>>, vector<16xf32>,
    tpu.vector_store_idx %arg10[%add3A_50, %broadcast_in_dim3A_7], %get3A_1166 : memref<240x128xf32, #tpu.memory_space<vmem>>[vector<16xi32>, vector<16xi32>], vector<16xf32>,
    %get3A_1167 = arith.constant 2816 : index
    %get3A_1168 = tpu.vector_load %arg7[%get3A_1167] {strides = array<i32>} : memref<3120xf32, #tpu.memory_space<vmem>>, vector<16xf32>,
    tpu.vector_store_idx %arg10[%add3A_54, %broadcast_in_dim3A_7], %get3A_1168 : memref<240x128xf32, #tpu.memory_space<vmem>>[vector<16xi32>, vector<16xi32>], vector<16xf32>,
    %get3A_1169 = arith.constant 2832 : index
    %get3A_1170 = tpu.vector_load %arg7[%get3A_1169] {strides = array<i32>} : memref<3120xf32, #tpu.memory_space<vmem>>, vector<16xf32>,
    tpu.vector_store_idx %arg10[%add3A_58, %broadcast_in_dim3A_7], %get3A_1170 : memref<240x128xf32, #tpu.memory_space<vmem>>[vector<16xi32>, vector<16xi32>], vector<16xf32>,
    %get3A_1171 = arith.constant 2848 : index
    %get3A_1172 = tpu.vector_load %arg7[%get3A_1171] {strides = array<i32>} : memref<3120xf32, #tpu.memory_space<vmem>>, vector<16xf32>,
    tpu.vector_store_idx %arg10[%add3A_62, %broadcast_in_dim3A_7], %get3A_1172 : memref<240x128xf32, #tpu.memory_space<vmem>>[vector<16xi32>, vector<16xi32>], vector<16xf32>,
    %get3A_1173 = arith.constant 2864 : index
    %get3A_1174 = tpu.vector_load %arg7[%get3A_1173] {strides = array<i32>} : memref<3120xf32, #tpu.memory_space<vmem>>, vector<16xf32>,
    tpu.vector_store_idx %arg10[%add3A_66, %broadcast_in_dim3A_7], %get3A_1174 : memref<240x128xf32, #tpu.memory_space<vmem>>[vector<16xi32>, vector<16xi32>], vector<16xf32>,
    %add3A_1175 = arith.constant 2640 : i32
    %add3A_1176 = arith.addi %multiple_of3A, %add3A_1175 : i32
    %multiple_of3A_1177 = tpu.assume_multiple %add3A_1176, 8 : i32
    %dma_start3A_1178 = arith.constant 0 : i32
    %dma_start3A_1179 = tpu.memref_slice %arg5[%multiple_of3A_1177, %dma_start3A_1178] : memref<100000x128xf32, #tpu.memory_space<hbm>> -> memref<240x128xf32, #tpu.memory_space<hbm>>
    %dma_start3A_1180 = arith.constant 0 : i32
    %dma_start3A_1181 = tpu.memref_slice %arg5[%multiple_of3A_1177, %dma_start3A_1180] : memref<100000x128xf32, #tpu.memory_space<hbm>> -> memref<240x128xf32, #tpu.memory_space<hbm>>
    tpu.enqueue_dma source(%arg10 : memref<240x128xf32, #tpu.memory_space<vmem>>) target(%dma_start3A_1181 : memref<240x128xf32, #tpu.memory_space<hbm>>) target_semaphore(%arg16 : memref<!tpu.dma_semaphore, #tpu.memory_space<semaphore_mem>>)
    %dma_wait3A_1182 = arith.constant 0 : i32
    %dma_wait3A_1183 = arith.constant 0 : i32
    %dma_wait3A_1184 = tpu.memref_slice %arg8[%dma_wait3A_1182, %dma_wait3A_1183] : memref<240x128xf32, #tpu.memory_space<vmem>> -> memref<80x128xf32, #tpu.memory_space<vmem>>
    %dma_wait3A_1185 = arith.constant 2880 : i32
    %dma_wait3A_1186 = tpu.memref_slice %arg6[%dma_wait3A_1185] : memref<3120xi32, #tpu.memory_space<vmem>> -> memref<80xi32, #tpu.memory_space<vmem>>
    %dma_wait3A_1187 = arith.constant 0 : i32
    %dma_wait3A_1188 = arith.constant 0 : i32
    %dma_wait3A_1189 = tpu.memref_slice %arg2[%dma_wait3A_1187, %dma_wait3A_1188] : memref<100000x128xf32, #tpu.memory_space<hbm>> -> memref<100000x128xf32, #tpu.memory_space<hbm>>
    tpu.wait_indirect_dma semaphore(%arg11 : memref<!tpu.dma_semaphore, #tpu.memory_space<semaphore_mem>>) src(%dma_wait3A_1189 : memref<100000x128xf32, #tpu.memory_space<hbm>>) dst(%dma_wait3A_1184 : memref<80x128xf32, #tpu.memory_space<vmem>>)
    %dma_wait3A_1190 = arith.constant 80 : i32
    %dma_wait3A_1191 = arith.constant 0 : i32
    %dma_wait3A_1192 = tpu.memref_slice %arg8[%dma_wait3A_1190, %dma_wait3A_1191] : memref<240x128xf32, #tpu.memory_space<vmem>> -> memref<80x128xf32, #tpu.memory_space<vmem>>
    %dma_wait3A_1193 = arith.constant 2960 : i32
    %dma_wait3A_1194 = tpu.memref_slice %arg6[%dma_wait3A_1193] : memref<3120xi32, #tpu.memory_space<vmem>> -> memref<80xi32, #tpu.memory_space<vmem>>
    %dma_wait3A_1195 = arith.constant 0 : i32
    %dma_wait3A_1196 = arith.constant 0 : i32
    %dma_wait3A_1197 = tpu.memref_slice %arg2[%dma_wait3A_1195, %dma_wait3A_1196] : memref<100000x128xf32, #tpu.memory_space<hbm>> -> memref<100000x128xf32, #tpu.memory_space<hbm>>
    tpu.wait_indirect_dma semaphore(%arg11 : memref<!tpu.dma_semaphore, #tpu.memory_space<semaphore_mem>>) src(%dma_wait3A_1197 : memref<100000x128xf32, #tpu.memory_space<hbm>>) dst(%dma_wait3A_1192 : memref<80x128xf32, #tpu.memory_space<vmem>>)
    %dma_wait3A_1198 = arith.constant 160 : i32
    %dma_wait3A_1199 = arith.constant 0 : i32
    %dma_wait3A_1200 = tpu.memref_slice %arg8[%dma_wait3A_1198, %dma_wait3A_1199] : memref<240x128xf32, #tpu.memory_space<vmem>> -> memref<80x128xf32, #tpu.memory_space<vmem>>
    %dma_wait3A_1201 = arith.constant 3040 : i32
    %dma_wait3A_1202 = tpu.memref_slice %arg6[%dma_wait3A_1201] : memref<3120xi32, #tpu.memory_space<vmem>> -> memref<80xi32, #tpu.memory_space<vmem>>
    %dma_wait3A_1203 = arith.constant 0 : i32
    %dma_wait3A_1204 = arith.constant 0 : i32
    %dma_wait3A_1205 = tpu.memref_slice %arg2[%dma_wait3A_1203, %dma_wait3A_1204] : memref<100000x128xf32, #tpu.memory_space<hbm>> -> memref<100000x128xf32, #tpu.memory_space<hbm>>
    tpu.wait_indirect_dma semaphore(%arg11 : memref<!tpu.dma_semaphore, #tpu.memory_space<semaphore_mem>>) src(%dma_wait3A_1205 : memref<100000x128xf32, #tpu.memory_space<hbm>>) dst(%dma_wait3A_1200 : memref<80x128xf32, #tpu.memory_space<vmem>>)
    %get3A_1206 = arith.constant 2880 : index
    %get3A_1207 = tpu.vector_load %arg7[%get3A_1206] {strides = array<i32>} : memref<3120xf32, #tpu.memory_space<vmem>>, vector<16xf32>,
    tpu.vector_store_idx %arg8[%add3A_10, %broadcast_in_dim3A_7], %get3A_1207 : memref<240x128xf32, #tpu.memory_space<vmem>>[vector<16xi32>, vector<16xi32>], vector<16xf32>,
    %get3A_1208 = arith.constant 2896 : index
    %get3A_1209 = tpu.vector_load %arg7[%get3A_1208] {strides = array<i32>} : memref<3120xf32, #tpu.memory_space<vmem>>, vector<16xf32>,
    tpu.vector_store_idx %arg8[%add3A_14, %broadcast_in_dim3A_7], %get3A_1209 : memref<240x128xf32, #tpu.memory_space<vmem>>[vector<16xi32>, vector<16xi32>], vector<16xf32>,
    %get3A_1210 = arith.constant 2912 : index
    %get3A_1211 = tpu.vector_load %arg7[%get3A_1210] {strides = array<i32>} : memref<3120xf32, #tpu.memory_space<vmem>>, vector<16xf32>,
    tpu.vector_store_idx %arg8[%add3A_18, %broadcast_in_dim3A_7], %get3A_1211 : memref<240x128xf32, #tpu.memory_space<vmem>>[vector<16xi32>, vector<16xi32>], vector<16xf32>,
    %get3A_1212 = arith.constant 2928 : index
    %get3A_1213 = tpu.vector_load %arg7[%get3A_1212] {strides = array<i32>} : memref<3120xf32, #tpu.memory_space<vmem>>, vector<16xf32>,
    tpu.vector_store_idx %arg8[%add3A_22, %broadcast_in_dim3A_7], %get3A_1213 : memref<240x128xf32, #tpu.memory_space<vmem>>[vector<16xi32>, vector<16xi32>], vector<16xf32>,
    %get3A_1214 = arith.constant 2944 : index
    %get3A_1215 = tpu.vector_load %arg7[%get3A_1214] {strides = array<i32>} : memref<3120xf32, #tpu.memory_space<vmem>>, vector<16xf32>,
    tpu.vector_store_idx %arg8[%add3A_26, %broadcast_in_dim3A_7], %get3A_1215 : memref<240x128xf32, #tpu.memory_space<vmem>>[vector<16xi32>, vector<16xi32>], vector<16xf32>,
    %get3A_1216 = arith.constant 2960 : index
    %get3A_1217 = tpu.vector_load %arg7[%get3A_1216] {strides = array<i32>} : memref<3120xf32, #tpu.memory_space<vmem>>, vector<16xf32>,
    tpu.vector_store_idx %arg8[%add3A_30, %broadcast_in_dim3A_7], %get3A_1217 : memref<240x128xf32, #tpu.memory_space<vmem>>[vector<16xi32>, vector<16xi32>], vector<16xf32>,
    %get3A_1218 = arith.constant 2976 : index
    %get3A_1219 = tpu.vector_load %arg7[%get3A_1218] {strides = array<i32>} : memref<3120xf32, #tpu.memory_space<vmem>>, vector<16xf32>,
    tpu.vector_store_idx %arg8[%add3A_34, %broadcast_in_dim3A_7], %get3A_1219 : memref<240x128xf32, #tpu.memory_space<vmem>>[vector<16xi32>, vector<16xi32>], vector<16xf32>,
    %get3A_1220 = arith.constant 2992 : index
    %get3A_1221 = tpu.vector_load %arg7[%get3A_1220] {strides = array<i32>} : memref<3120xf32, #tpu.memory_space<vmem>>, vector<16xf32>,
    tpu.vector_store_idx %arg8[%add3A_38, %broadcast_in_dim3A_7], %get3A_1221 : memref<240x128xf32, #tpu.memory_space<vmem>>[vector<16xi32>, vector<16xi32>], vector<16xf32>,
    %get3A_1222 = arith.constant 3008 : index
    %get3A_1223 = tpu.vector_load %arg7[%get3A_1222] {strides = array<i32>} : memref<3120xf32, #tpu.memory_space<vmem>>, vector<16xf32>,
    tpu.vector_store_idx %arg8[%add3A_42, %broadcast_in_dim3A_7], %get3A_1223 : memref<240x128xf32, #tpu.memory_space<vmem>>[vector<16xi32>, vector<16xi32>], vector<16xf32>,
    %get3A_1224 = arith.constant 3024 : index
    %get3A_1225 = tpu.vector_load %arg7[%get3A_1224] {strides = array<i32>} : memref<3120xf32, #tpu.memory_space<vmem>>, vector<16xf32>,
    tpu.vector_store_idx %arg8[%add3A_46, %broadcast_in_dim3A_7], %get3A_1225 : memref<240x128xf32, #tpu.memory_space<vmem>>[vector<16xi32>, vector<16xi32>], vector<16xf32>,
    %get3A_1226 = arith.constant 3040 : index
    %get3A_1227 = tpu.vector_load %arg7[%get3A_1226] {strides = array<i32>} : memref<3120xf32, #tpu.memory_space<vmem>>, vector<16xf32>,
    tpu.vector_store_idx %arg8[%add3A_50, %broadcast_in_dim3A_7], %get3A_1227 : memref<240x128xf32, #tpu.memory_space<vmem>>[vector<16xi32>, vector<16xi32>], vector<16xf32>,
    %get3A_1228 = arith.constant 3056 : index
    %get3A_1229 = tpu.vector_load %arg7[%get3A_1228] {strides = array<i32>} : memref<3120xf32, #tpu.memory_space<vmem>>, vector<16xf32>,
    tpu.vector_store_idx %arg8[%add3A_54, %broadcast_in_dim3A_7], %get3A_1229 : memref<240x128xf32, #tpu.memory_space<vmem>>[vector<16xi32>, vector<16xi32>], vector<16xf32>,
    %get3A_1230 = arith.constant 3072 : index
    %get3A_1231 = tpu.vector_load %arg7[%get3A_1230] {strides = array<i32>} : memref<3120xf32, #tpu.memory_space<vmem>>, vector<16xf32>,
    tpu.vector_store_idx %arg8[%add3A_58, %broadcast_in_dim3A_7], %get3A_1231 : memref<240x128xf32, #tpu.memory_space<vmem>>[vector<16xi32>, vector<16xi32>], vector<16xf32>,
    %get3A_1232 = arith.constant 3088 : index
    %get3A_1233 = tpu.vector_load %arg7[%get3A_1232] {strides = array<i32>} : memref<3120xf32, #tpu.memory_space<vmem>>, vector<16xf32>,
    tpu.vector_store_idx %arg8[%add3A_62, %broadcast_in_dim3A_7], %get3A_1233 : memref<240x128xf32, #tpu.memory_space<vmem>>[vector<16xi32>, vector<16xi32>], vector<16xf32>,
    %get3A_1234 = arith.constant 3104 : index
    %get3A_1235 = tpu.vector_load %arg7[%get3A_1234] {strides = array<i32>} : memref<3120xf32, #tpu.memory_space<vmem>>, vector<16xf32>,
    tpu.vector_store_idx %arg8[%add3A_66, %broadcast_in_dim3A_7], %get3A_1235 : memref<240x128xf32, #tpu.memory_space<vmem>>[vector<16xi32>, vector<16xi32>], vector<16xf32>,
    %add3A_1236 = arith.constant 2880 : i32
    %add3A_1237 = arith.addi %multiple_of3A, %add3A_1236 : i32
    %multiple_of3A_1238 = tpu.assume_multiple %add3A_1237, 8 : i32
    %dma_start3A_1239 = arith.constant 0 : i32
    %dma_start3A_1240 = tpu.memref_slice %arg5[%multiple_of3A_1238, %dma_start3A_1239] : memref<100000x128xf32, #tpu.memory_space<hbm>> -> memref<240x128xf32, #tpu.memory_space<hbm>>
    %dma_start3A_1241 = arith.constant 0 : i32
    %dma_start3A_1242 = tpu.memref_slice %arg5[%multiple_of3A_1238, %dma_start3A_1241] : memref<100000x128xf32, #tpu.memory_space<hbm>> -> memref<240x128xf32, #tpu.memory_space<hbm>>
    tpu.enqueue_dma source(%arg8 : memref<240x128xf32, #tpu.memory_space<vmem>>) target(%dma_start3A_1242 : memref<240x128xf32, #tpu.memory_space<hbm>>) target_semaphore(%arg14 : memref<!tpu.dma_semaphore, #tpu.memory_space<semaphore_mem>>)
    %add3A_1243 = arith.constant 2400 : i32
    %add3A_1244 = arith.addi %multiple_of3A, %add3A_1243 : i32
    %multiple_of3A_1245 = tpu.assume_multiple %add3A_1244, 8 : i32
    %dma_wait3A_1246 = arith.constant 0 : i32
    %dma_wait3A_1247 = tpu.memref_slice %arg5[%multiple_of3A_1245, %dma_wait3A_1246] : memref<100000x128xf32, #tpu.memory_space<hbm>> -> memref<240x128xf32, #tpu.memory_space<hbm>>
    %dma_wait3A_1248 = arith.constant 0 : i32
    %dma_wait3A_1249 = tpu.memref_slice %arg5[%multiple_of3A_1245, %dma_wait3A_1248] : memref<100000x128xf32, #tpu.memory_space<hbm>> -> memref<240x128xf32, #tpu.memory_space<hbm>>
    tpu.wait_dma2 semaphore(%arg15 : memref<!tpu.dma_semaphore, #tpu.memory_space<semaphore_mem>>) src(%arg9 : memref<240x128xf32, #tpu.memory_space<vmem>>) dst(%dma_wait3A_1249 : memref<240x128xf32, #tpu.memory_space<hbm>>)
    %add3A_1250 = arith.constant 2640 : i32
    %add3A_1251 = arith.addi %multiple_of3A, %add3A_1250 : i32
    %multiple_of3A_1252 = tpu.assume_multiple %add3A_1251, 8 : i32
    %dma_wait3A_1253 = arith.constant 0 : i32
    %dma_wait3A_1254 = tpu.memref_slice %arg5[%multiple_of3A_1252, %dma_wait3A_1253] : memref<100000x128xf32, #tpu.memory_space<hbm>> -> memref<240x128xf32, #tpu.memory_space<hbm>>
    %dma_wait3A_1255 = arith.constant 0 : i32
    %dma_wait3A_1256 = tpu.memref_slice %arg5[%multiple_of3A_1252, %dma_wait3A_1255] : memref<100000x128xf32, #tpu.memory_space<hbm>> -> memref<240x128xf32, #tpu.memory_space<hbm>>
    tpu.wait_dma2 semaphore(%arg16 : memref<!tpu.dma_semaphore, #tpu.memory_space<semaphore_mem>>) src(%arg10 : memref<240x128xf32, #tpu.memory_space<vmem>>) dst(%dma_wait3A_1256 : memref<240x128xf32, #tpu.memory_space<hbm>>)
    %add3A_1257 = arith.constant 2880 : i32
    %add3A_1258 = arith.addi %multiple_of3A, %add3A_1257 : i32
    %multiple_of3A_1259 = tpu.assume_multiple %add3A_1258, 8 : i32
    %dma_wait3A_1260 = arith.constant 0 : i32
    %dma_wait3A_1261 = tpu.memref_slice %arg5[%multiple_of3A_1259, %dma_wait3A_1260] : memref<100000x128xf32, #tpu.memory_space<hbm>> -> memref<240x128xf32, #tpu.memory_space<hbm>>
    %dma_wait3A_1262 = arith.constant 0 : i32
    %dma_wait3A_1263 = tpu.memref_slice %arg5[%multiple_of3A_1259, %dma_wait3A_1262] : memref<100000x128xf32, #tpu.memory_space<hbm>> -> memref<240x128xf32, #tpu.memory_space<hbm>>
    tpu.wait_dma2 semaphore(%arg14 : memref<!tpu.dma_semaphore, #tpu.memory_space<semaphore_mem>>) src(%arg8 : memref<240x128xf32, #tpu.memory_space<vmem>>) dst(%dma_wait3A_1263 : memref<240x128xf32, #tpu.memory_space<hbm>>)
    %lt3A = arith.constant 2 : i32
    %lt3A_1264 = arith.cmpi slt, %add3A, %lt3A : i32
    %convert_element_type3A = arith.extui %lt3A_1264 : i1 to i32
    %cond3A = arith.constant 0 : i32
    %cond3A_1265 = arith.cmpi ne, %convert_element_type3A, %cond3A : i32
    scf.if %cond3A_1265 {
      %mul3A_1266 = arith.constant 80 : i32
      %mul3A_1267 = arith.muli %add3A, %mul3A_1266 : i32
      %add3A_1268 = arith.constant 99840 : i32
      %add3A_1269 = arith.addi %add3A_1268, %mul3A_1267 : i32
      %multiple_of3A_1270 = tpu.assume_multiple %add3A_1269, 8 : i32
      %dma_start3A_1271 = arith.constant 0 : i32
      %dma_start3A_1272 = tpu.memref_slice %arg6[%dma_start3A_1271] : memref<3120xi32, #tpu.memory_space<vmem>> -> memref<80xi32, #tpu.memory_space<vmem>>
      %dma_start3A_1273 = tpu.memref_slice %arg3[%multiple_of3A_1270] : memref<100000xi32, #tpu.memory_space<hbm>> -> memref<80xi32, #tpu.memory_space<hbm>>
      %dma_start3A_1274 = arith.constant 0 : i32
      %dma_start3A_1275 = tpu.memref_slice %arg6[%dma_start3A_1274] : memref<3120xi32, #tpu.memory_space<vmem>> -> memref<80xi32, #tpu.memory_space<vmem>>
      %dma_start3A_1276 = tpu.memref_slice %arg3[%multiple_of3A_1270] : memref<100000xi32, #tpu.memory_space<hbm>> -> memref<80xi32, #tpu.memory_space<hbm>>
      tpu.enqueue_dma source(%dma_start3A_1276 : memref<80xi32, #tpu.memory_space<hbm>>) target(%dma_start3A_1275 : memref<80xi32, #tpu.memory_space<vmem>>) target_semaphore(%arg11 : memref<!tpu.dma_semaphore, #tpu.memory_space<semaphore_mem>>)
      %dma_start3A_1277 = arith.constant 0 : i32
      %dma_start3A_1278 = tpu.memref_slice %arg7[%dma_start3A_1277] : memref<3120xf32, #tpu.memory_space<vmem>> -> memref<80xf32, #tpu.memory_space<vmem>>
      %dma_start3A_1279 = tpu.memref_slice %arg4[%multiple_of3A_1270] : memref<100000xf32, #tpu.memory_space<hbm>> -> memref<80xf32, #tpu.memory_space<hbm>>
      %dma_start3A_1280 = arith.constant 0 : i32
      %dma_start3A_1281 = tpu.memref_slice %arg7[%dma_start3A_1280] : memref<3120xf32, #tpu.memory_space<vmem>> -> memref<80xf32, #tpu.memory_space<vmem>>
      %dma_start3A_1282 = tpu.memref_slice %arg4[%multiple_of3A_1270] : memref<100000xf32, #tpu.memory_space<hbm>> -> memref<80xf32, #tpu.memory_space<hbm>>
      tpu.enqueue_dma source(%dma_start3A_1282 : memref<80xf32, #tpu.memory_space<hbm>>) target(%dma_start3A_1281 : memref<80xf32, #tpu.memory_space<vmem>>) target_semaphore(%arg12 : memref<!tpu.dma_semaphore, #tpu.memory_space<semaphore_mem>>)
      %dma_wait3A_1283 = arith.constant 0 : i32
      %dma_wait3A_1284 = tpu.memref_slice %arg6[%dma_wait3A_1283] : memref<3120xi32, #tpu.memory_space<vmem>> -> memref<80xi32, #tpu.memory_space<vmem>>
      %dma_wait3A_1285 = tpu.memref_slice %arg3[%multiple_of3A_1270] : memref<100000xi32, #tpu.memory_space<hbm>> -> memref<80xi32, #tpu.memory_space<hbm>>
      %dma_wait3A_1286 = arith.constant 0 : i32
      %dma_wait3A_1287 = tpu.memref_slice %arg6[%dma_wait3A_1286] : memref<3120xi32, #tpu.memory_space<vmem>> -> memref<80xi32, #tpu.memory_space<vmem>>
      %dma_wait3A_1288 = tpu.memref_slice %arg3[%multiple_of3A_1270] : memref<100000xi32, #tpu.memory_space<hbm>> -> memref<80xi32, #tpu.memory_space<hbm>>
      tpu.wait_dma2 semaphore(%arg11 : memref<!tpu.dma_semaphore, #tpu.memory_space<semaphore_mem>>) src(%dma_wait3A_1288 : memref<80xi32, #tpu.memory_space<hbm>>) dst(%dma_wait3A_1287 : memref<80xi32, #tpu.memory_space<vmem>>)
      %dma_wait3A_1289 = arith.constant 0 : i32
      %dma_wait3A_1290 = tpu.memref_slice %arg7[%dma_wait3A_1289] : memref<3120xf32, #tpu.memory_space<vmem>> -> memref<80xf32, #tpu.memory_space<vmem>>
      %dma_wait3A_1291 = tpu.memref_slice %arg4[%multiple_of3A_1270] : memref<100000xf32, #tpu.memory_space<hbm>> -> memref<80xf32, #tpu.memory_space<hbm>>
      %dma_wait3A_1292 = arith.constant 0 : i32
      %dma_wait3A_1293 = tpu.memref_slice %arg7[%dma_wait3A_1292] : memref<3120xf32, #tpu.memory_space<vmem>> -> memref<80xf32, #tpu.memory_space<vmem>>
      %dma_wait3A_1294 = tpu.memref_slice %arg4[%multiple_of3A_1270] : memref<100000xf32, #tpu.memory_space<hbm>> -> memref<80xf32, #tpu.memory_space<hbm>>
      tpu.wait_dma2 semaphore(%arg12 : memref<!tpu.dma_semaphore, #tpu.memory_space<semaphore_mem>>) src(%dma_wait3A_1294 : memref<80xf32, #tpu.memory_space<hbm>>) dst(%dma_wait3A_1293 : memref<80xf32, #tpu.memory_space<vmem>>)
      %dma_start3A_1295 = arith.constant 0 : i32
      %dma_start3A_1296 = arith.constant 0 : i32
      %dma_start3A_1297 = tpu.memref_slice %arg8[%dma_start3A_1295, %dma_start3A_1296] : memref<240x128xf32, #tpu.memory_space<vmem>> -> memref<80x128xf32, #tpu.memory_space<vmem>>
      %dma_start3A_1298 = arith.constant 0 : i32
      %dma_start3A_1299 = tpu.memref_slice %arg6[%dma_start3A_1298] : memref<3120xi32, #tpu.memory_space<vmem>> -> memref<80xi32, #tpu.memory_space<vmem>>
      %dma_start3A_1300 = arith.constant 0 : i32
      %dma_start3A_1301 = arith.constant 0 : i32
      %dma_start3A_1302 = tpu.memref_slice %arg2[%dma_start3A_1300, %dma_start3A_1301] : memref<100000x128xf32, #tpu.memory_space<hbm>> -> memref<100000x128xf32, #tpu.memory_space<hbm>>
      tpu.enqueue_indirect_dma source(%dma_start3A_1302 : memref<100000x128xf32, #tpu.memory_space<hbm>>) target(%dma_start3A_1297 : memref<80x128xf32, #tpu.memory_space<vmem>>) offsets(%dma_start3A_1299 : memref<80xi32, #tpu.memory_space<vmem>>) semaphore(%arg11 : memref<!tpu.dma_semaphore, #tpu.memory_space<semaphore_mem>>)
      %dma_wait3A_1303 = arith.constant 0 : i32
      %dma_wait3A_1304 = arith.constant 0 : i32
      %dma_wait3A_1305 = tpu.memref_slice %arg8[%dma_wait3A_1303, %dma_wait3A_1304] : memref<240x128xf32, #tpu.memory_space<vmem>> -> memref<80x128xf32, #tpu.memory_space<vmem>>
      %dma_wait3A_1306 = arith.constant 0 : i32
      %dma_wait3A_1307 = tpu.memref_slice %arg6[%dma_wait3A_1306] : memref<3120xi32, #tpu.memory_space<vmem>> -> memref<80xi32, #tpu.memory_space<vmem>>
      %dma_wait3A_1308 = arith.constant 0 : i32
      %dma_wait3A_1309 = arith.constant 0 : i32
      %dma_wait3A_1310 = tpu.memref_slice %arg2[%dma_wait3A_1308, %dma_wait3A_1309] : memref<100000x128xf32, #tpu.memory_space<hbm>> -> memref<100000x128xf32, #tpu.memory_space<hbm>>
      tpu.wait_indirect_dma semaphore(%arg11 : memref<!tpu.dma_semaphore, #tpu.memory_space<semaphore_mem>>) src(%dma_wait3A_1310 : memref<100000x128xf32, #tpu.memory_space<hbm>>) dst(%dma_wait3A_1305 : memref<80x128xf32, #tpu.memory_space<vmem>>)
      %get3A_1311 = arith.constant 0 : index
      %get3A_1312 = tpu.vector_load %arg7[%get3A_1311] {strides = array<i32>} : memref<3120xf32, #tpu.memory_space<vmem>>, vector<16xf32>,
      tpu.vector_store_idx %arg8[%add3A_10, %broadcast_in_dim3A_7], %get3A_1312 : memref<240x128xf32, #tpu.memory_space<vmem>>[vector<16xi32>, vector<16xi32>], vector<16xf32>,
      %get3A_1313 = arith.constant 16 : index
      %get3A_1314 = tpu.vector_load %arg7[%get3A_1313] {strides = array<i32>} : memref<3120xf32, #tpu.memory_space<vmem>>, vector<16xf32>,
      tpu.vector_store_idx %arg8[%add3A_14, %broadcast_in_dim3A_7], %get3A_1314 : memref<240x128xf32, #tpu.memory_space<vmem>>[vector<16xi32>, vector<16xi32>], vector<16xf32>,
      %get3A_1315 = arith.constant 32 : index
      %get3A_1316 = tpu.vector_load %arg7[%get3A_1315] {strides = array<i32>} : memref<3120xf32, #tpu.memory_space<vmem>>, vector<16xf32>,
      tpu.vector_store_idx %arg8[%add3A_18, %broadcast_in_dim3A_7], %get3A_1316 : memref<240x128xf32, #tpu.memory_space<vmem>>[vector<16xi32>, vector<16xi32>], vector<16xf32>,
      %get3A_1317 = arith.constant 48 : index
      %get3A_1318 = tpu.vector_load %arg7[%get3A_1317] {strides = array<i32>} : memref<3120xf32, #tpu.memory_space<vmem>>, vector<16xf32>,
      tpu.vector_store_idx %arg8[%add3A_22, %broadcast_in_dim3A_7], %get3A_1318 : memref<240x128xf32, #tpu.memory_space<vmem>>[vector<16xi32>, vector<16xi32>], vector<16xf32>,
      %get3A_1319 = arith.constant 64 : index
      %get3A_1320 = tpu.vector_load %arg7[%get3A_1319] {strides = array<i32>} : memref<3120xf32, #tpu.memory_space<vmem>>, vector<16xf32>,
      tpu.vector_store_idx %arg8[%add3A_26, %broadcast_in_dim3A_7], %get3A_1320 : memref<240x128xf32, #tpu.memory_space<vmem>>[vector<16xi32>, vector<16xi32>], vector<16xf32>,
      %dma_start3A_1321 = arith.constant 0 : i32
      %dma_start3A_1322 = arith.constant 0 : i32
      %dma_start3A_1323 = tpu.memref_slice %arg8[%dma_start3A_1321, %dma_start3A_1322] : memref<240x128xf32, #tpu.memory_space<vmem>> -> memref<80x128xf32, #tpu.memory_space<vmem>>
      %dma_start3A_1324 = arith.constant 0 : i32
      %dma_start3A_1325 = tpu.memref_slice %arg5[%multiple_of3A_1270, %dma_start3A_1324] : memref<100000x128xf32, #tpu.memory_space<hbm>> -> memref<80x128xf32, #tpu.memory_space<hbm>>
      %dma_start3A_1326 = arith.constant 0 : i32
      %dma_start3A_1327 = tpu.memref_slice %arg5[%multiple_of3A_1270, %dma_start3A_1326] : memref<100000x128xf32, #tpu.memory_space<hbm>> -> memref<80x128xf32, #tpu.memory_space<hbm>>
      %dma_start3A_1328 = arith.constant 0 : i32
      %dma_start3A_1329 = arith.constant 0 : i32
      %dma_start3A_1330 = tpu.memref_slice %arg8[%dma_start3A_1328, %dma_start3A_1329] : memref<240x128xf32, #tpu.memory_space<vmem>> -> memref<80x128xf32, #tpu.memory_space<vmem>>
      tpu.enqueue_dma source(%dma_start3A_1330 : memref<80x128xf32, #tpu.memory_space<vmem>>) target(%dma_start3A_1327 : memref<80x128xf32, #tpu.memory_space<hbm>>) target_semaphore(%arg14 : memref<!tpu.dma_semaphore, #tpu.memory_space<semaphore_mem>>)
      %dma_wait3A_1331 = arith.constant 0 : i32
      %dma_wait3A_1332 = arith.constant 0 : i32
      %dma_wait3A_1333 = tpu.memref_slice %arg8[%dma_wait3A_1331, %dma_wait3A_1332] : memref<240x128xf32, #tpu.memory_space<vmem>> -> memref<80x128xf32, #tpu.memory_space<vmem>>
      %dma_wait3A_1334 = arith.constant 0 : i32
      %dma_wait3A_1335 = tpu.memref_slice %arg5[%multiple_of3A_1270, %dma_wait3A_1334] : memref<100000x128xf32, #tpu.memory_space<hbm>> -> memref<80x128xf32, #tpu.memory_space<hbm>>
      %dma_wait3A_1336 = arith.constant 0 : i32
      %dma_wait3A_1337 = tpu.memref_slice %arg5[%multiple_of3A_1270, %dma_wait3A_1336] : memref<100000x128xf32, #tpu.memory_space<hbm>> -> memref<80x128xf32, #tpu.memory_space<hbm>>
      %dma_wait3A_1338 = arith.constant 0 : i32
      %dma_wait3A_1339 = arith.constant 0 : i32
      %dma_wait3A_1340 = tpu.memref_slice %arg8[%dma_wait3A_1338, %dma_wait3A_1339] : memref<240x128xf32, #tpu.memory_space<vmem>> -> memref<80x128xf32, #tpu.memory_space<vmem>>
      tpu.wait_dma2 semaphore(%arg14 : memref<!tpu.dma_semaphore, #tpu.memory_space<semaphore_mem>>) src(%dma_wait3A_1340 : memref<80x128xf32, #tpu.memory_space<vmem>>) dst(%dma_wait3A_1337 : memref<80x128xf32, #tpu.memory_space<hbm>>)
    } else {
    }
    return
  }
}

</mosaic_0001>

<sc_bundles>
// kernel: kernel.3.cloned.1.call-start
scs
__scs_entry_jumppad:
0x0: {  	(pc) =	sbr.rel $0x88, $3  }
0x1: {  	(tag) =	ssettag $0x0;
	lr =	simm.s32 $0x1  }
0x2: {  	[smem:$0x3F9E] =	sst lr;
	_ =	strace $0xD0000000  }
0x3: {  	_ = 	snop  }
0x4: {  	_ = 	snop  }
0x5: {  	_ = 	snop  }
0x6: {  	_ = 	snop  }
0x7: {  	_ = 	snop  }
__scs_overlays_trampoline_lowered:
0x8: {  	[smem:$0x3FAD] =	sst s0  }
0x9: {  	[smem:$0x3FAE] =	sst s1  }
0xa: {  	[smem:$0x3FAF] =	sst s2  }
0xb: {  	[smem:$0x3FB0] =	sst s3  }
0xc: {  	[smem:$0x3FB1] =	sst s4  }
0xd: {  	[smem:$0x3FB2] =	sst s5  }
0xe: {  	[smem:$0x3FB3] =	sst s6  }
0xf: {  	[smem:$0x3FB4] =	sst s7  }
0x10: {  	[smem:$0x3FB5] =	sst s8  }
0x11: {  	[smem:$0x3FB6] =	sst s9;
	s0 =	simm.s32 @!p0 $0x0  }
0x12: {  	s1 =	sld [smem:$0x3F9C];
	s0 =	simm.s32 @p0 $0x1  }
0x13: {  	[smem:$0x3FB7] =	sst s0;
	s0 =	simm.s32 @!p1 $0x0  }
0x14: {  	s2 =	sld [smem:$0x3F9B];
	s0 =	simm.s32 @p1 $0x1  }
0x15: {  	[smem:$0x3FB8] =	sst s0;
	s0 =	simm.s32 @!p2 $0x0  }
0x16: {  	s3 =	sld [smem:$0x3FDB];
	s0 =	simm.s32 @p2 $0x1  }
0x17: {  	s4 =	simm.s32 $0x1BF5;
	[smem:$0x3FBA] =	sst s0  }
0x18: {  	s0 =	sld [smem:$0x3F9D];
	_ =	swait.ge [sflag:s4], $0x0  }
0x19: {  	s7 =	sld [smem:$0x3F9E]  }
0x1a: {  	s8 =	sadd.s32 $0xFFFFE003, lr  }
0x1b: {  	s9 =	sadd.s32 $0xFFFFFEF7, lr;
	s5 =	simm.s32 $0xFFFFFFFF;
	p2 =	slt.u32 s8, $0xFFFFF086  }
0x1c: {  	p1 =	slt.u32 s9, $0xF7A;
	s5 =	simm.s32 @!p2 $0x0  }
0x1d: {  	s5 =	simm.s32 @p1 $0x1;
	p0 =	seq.s32 s7, s2  }
0x1e: {  	s7 =	smul.u32 @!p0 $0xF7A, s2;
	p2 =	seq.s32 @!p0 s5, $0x0  }
0x1f: {  	s9 =	smul.u32 $0xF7A, s1;
	s8 =	simm.s32 @!p0 $0x1BF5;
	p2 =	por !p2, p0  }
0x20: {  	[sflag:s8] =	ssyncset.s32 @!p0 $0xFFFFF086;
	s6 =	sadd.s32 @!p0 s3, s7;
	s7 =	simm.s32 @!p0 $0x108  }
0x21: {  	s3 =	sadd.s32 s3, s9;
	s6 =	sadd.s32 @!p0 $0x88, s6;
	s7 =	simm.s32 @p2 $0x1082  }
0x22: {  	[simem:s7], [sflag:s8] =	dma.local @!p0 [hbm:s6], $0xF7A  }
0x23: {  	s9 =	sor.u32 $0xD0000000, s2;
	s6 =	simm.s32 $0x108;
	_ =	swait.ge @!p0 [sflag:s8], $0x0  }
0x24: {  	s3 =	sadd.s32 $0x88, s3;
	s6 =	simm.s32 @!p1 $0x1082;
	[sflag:s4] =	ssyncset.s32 $0xFFFFF086  }
0x25: {  	[simem:s6], [sflag:s4] =	dma.local [hbm:s3], $0xF7A  }
0x26: {  	[smem:$0x3F9E] =	sst s1;
	(tag) =	ssettag s2;
	_ =	strace s9  }
0x27: {  	s1 =	sld [smem:$0x3FAE]  }
0x28: {  	s2 =	sld [smem:$0x3FAF]  }
0x29: {  	s4 =	sld [smem:$0x3FB1]  }
0x2a: {  	p0 =	seq.s32 s5, $0x0;
	s5 =	sld [smem:$0x3FB2]  }
0x2b: {  	s6 =	sld [smem:$0x3FB3]  }
0x2c: {  	s7 =	sld [smem:$0x3FB4]  }
0x2d: {  	s3 =	simm.s32 $0x108;
	s8 =	sld [smem:$0x3FB5]  }
0x2e: {  	s3 =	simm.s32 @!p0 $0x1082;
	s9 =	sld [smem:$0x3FB6]  }
0x2f: {  	lr =	sadd.s32 s0, s3;
	s0 =	sld [smem:$0x3FAD]  }
0x30: {  	s3 =	sld [smem:$0x3FB0]  }
0x31: {  	[smem:$0x3FB9] =	sst s10  }
0x32: {  	s10 =	sld [smem:$0x3FB7];
	_ =	sdelay $0x3  }
0x33: {  	p0 =	seq.s32 s10, $0x1;
	s10 =	sld [smem:$0x3FB9];
	_ =	sdelay $0x3  }
0x34: {  	[smem:$0x3FB9] =	sst s10  }
0x35: {  	s10 =	sld [smem:$0x3FB8];
	_ =	sdelay $0x3  }
0x36: {  	p1 =	seq.s32 s10, $0x1;
	s10 =	sld [smem:$0x3FB9];
	_ =	sdelay $0x3  }
0x37: {  	[smem:$0x3FB9] =	sst s10  }
0x38: {  	s10 =	sld [smem:$0x3FBA]  }
0x39: {  	_ = 	snop;
	(pc) =	sbr.ind lr, $3  }
0x3a: {  	_ = 	snop  }
0x3b: {  	_ = 	snop  }
0x3c: {  	p2 =	seq.s32 s10, $0x1;
	s10 =	sld [smem:$0x3FB9]  }
0x3d: {  	_ =	shalt  }
0x3e: {  	_ =	shalt  }
0x3f: {  	_ =	shalt  }
0x40: {  	_ =	shalt  }
0x41: {  	_ =	shalt  }
0x42: {  	_ =	shalt  }
0x43: {  	_ =	shalt  }
0x44: {  	_ =	shalt  }
0x45: {  	_ =	shalt  }
0x46: {  	_ =	shalt  }
0x47: {  	_ =	shalt  }
0x48: {  	_ =	shalt  }
0x49: {  	_ =	shalt  }
0x4a: {  	_ =	shalt  }
0x4b: {  	_ =	shalt  }
0x4c: {  	_ =	shalt  }
0x4d: {  	_ =	shalt  }
0x4e: {  	_ =	shalt  }
0x4f: {  	_ =	shalt  }
0x50: {  	_ =	shalt  }
0x51: {  	_ =	shalt  }
0x52: {  	_ =	shalt  }
0x53: {  	_ =	shalt  }
0x54: {  	_ =	shalt  }
0x55: {  	_ =	shalt  }
0x56: {  	_ =	shalt  }
0x57: {  	_ =	shalt  }
0x58: {  	_ =	shalt  }
0x59: {  	_ =	shalt  }
0x5a: {  	_ =	shalt  }
0x5b: {  	_ =	shalt  }
0x5c: {  	_ =	shalt  }
0x5d: {  	_ =	shalt  }
0x5e: {  	_ =	shalt  }
0x5f: {  	_ =	shalt  }
0x60: {  	_ =	shalt  }
0x61: {  	_ =	shalt  }
0x62: {  	_ =	shalt  }
0x63: {  	_ =	shalt  }
0x64: {  	_ =	shalt  }
0x65: {  	_ =	shalt  }
0x66: {  	_ =	shalt  }
0x67: {  	_ =	shalt  }
0x68: {  	_ =	shalt  }
0x69: {  	_ =	shalt  }
0x6a: {  	_ =	shalt  }
0x6b: {  	_ =	shalt  }
0x6c: {  	_ =	shalt  }
0x6d: {  	_ =	shalt  }
0x6e: {  	_ =	shalt  }
0x6f: {  	_ =	shalt  }
0x70: {  	_ =	shalt  }
0x71: {  	_ =	shalt  }
0x72: {  	_ =	shalt  }
0x73: {  	_ =	shalt  }
0x74: {  	_ =	shalt  }
0x75: {  	_ =	shalt  }
0x76: {  	_ =	shalt  }
0x77: {  	_ =	shalt  }
0x78: {  	_ =	shalt  }
0x79: {  	_ =	shalt  }
0x7a: {  	_ =	shalt  }
0x7b: {  	_ =	shalt  }
0x7c: {  	_ =	shalt  }
0x7d: {  	_ =	shalt  }
0x7e: {  	_ =	shalt  }
0x7f: {  	_ =	shalt  }
0x80: {  	_ =	shalt  }
0x81: {  	_ =	shalt  }
0x82: {  	_ =	shalt  }
0x83: {  	_ =	shalt  }
0x84: {  	_ =	shalt  }
0x85: {  	_ =	shalt  }
0x86: {  	_ =	shalt  }
0x87: {  	_ =	shalt  }
.Lfunc_end0:
.L_simem_size_0:
called_computation_lowered:
.L_overlay_start_0:
0x88: {  	s2 =	sld [smem:$0x3FD9]  }
0x89: {  	s3 =	sld [smem:$0x3FFE];
	_ =	sdelay $0x1  }
0x8a: {  	s1 =	srdreg.scid  }
0x8b: {  	s0 =	sand.u32 $0x1, s1  }
0x8c: {  	s17 =	sshll.u32 s0, $0xA;
	s2 =	sadd.s32 s3, s2  }
0x8d: {  	s2 =	sadd.s32 s2, s17  }
0x8e: {  	[smem:$0x3FC5] =	sst s2  }
0x8f: {  	_ = 	snop  }
0x90: {  	s2 =	sld [smem:$0x3FC9]  }
0x91: {  	s18 =	sld [smem:$0x3FC8]  }
0x92: {  	s4 =	sld [smem:$0x3FD0];
	(tm) =	ssettm $0x1  }
0x93: {  	s5 =	sld [smem:$0x3FFB];
	_ =	sdelay $0x3  }
0x94: {  	_ =	strace s5  }
0x95: {  	s5 =	sld [smem:$0x3FFC];
	_ =	sdelay $0x3  }
0x96: {  	_ =	strace s5  }
0x97: {  	s5 =	sld [smem:$0x3FFD];
	_ =	sdelay $0x3  }
0x98: {  	_ =	strace s5  }
0x99: {  	_ =	strace $0x8FFFFFFF  }
0x9a: {  	s19 =	sld [smem:$0x3FDB];
	_ =	sdelay $0x1  }
0x9b: {  	s6 =	simm.s32 $_scs_section_size  }
0x9c: {  	s7 =	simm.s32 $_size__tile_overlayer_lowered;
	s8 =	simm.s32 $_tile_overlayer_lowered  }
0x9d: {  	s22 =	simm.s32 $0x1BFF;
	s21 =	sshll.u32 s8, $0x1;
	s5 =	sadd.s32 s6, s19  }
0x9e: {  	s9 =	simm.s32 $0x0;
	s20 =	sshll.u32 s7, $0x1;
	s7 =	sadd.s32 s21, s5  }
0x9f: {  	[timem:s9], [sflag:s22] =	dma.local [hbm:s7], s20  }
0xa0: {  	_ =	swait.ge [sflag:s22], s20  }
0xa1: {  	s6 =	ssub.s32 $0x0, s20;
	[sflag:s22] =	ssyncset.done $0x0  }
0xa2: {  	[sflag:s22] =	ssyncadd.s32 s6;
	_ =	sdelay $0x1  }
0xa3: {  	s23 =	simm.s32 $0x1B8B  }
0xa4: {  	_ =	swait.ge [sflag:s23], $0x1  }
0xa5: {  	[sflag:s23] =	ssyncset.done $0x0  }
0xa6: {  	s25 =	simm.s32 $0x1B8E;
	s24 =	sld [smem:$0x3FFE];
	[sflag:s23] =	ssyncadd.s32 $0xFFFFFFFF  }
0xa7: {  	s26 =	simm.s32 $execute0_lowered;
	[smem:$0x3FD2] =	sst s25  }
0xa8: {  	s7 =	sshll.u32 s26, $0x1;
	_ =	strace $0x80000046;
	[dreg:$0x1] =	wrdreg $0xFFFFFFFF  }
0xa9: {  	s28 =	simm.s32 $_size_execute0_lowered;
	s5 =	sadd.s32 s5, s7;
	[dreg:$0x0] =	wrdreg $0x0  }
0xaa: {  	s7 =	sshll.u32 s28, $0x1;
	[dreg:$0x2] =	wrdreg s5  }
0xab: {  	[dreg:$0x3] =	wrdreg s7  }
0xac: {  	[dreg:$0x4] =	wrdreg $0xC0  }
0xad: {  	_ =	task [dreg:s9], $0x5FFFF  }
0xae: {  	[dreg:$0x1] =	wrdreg $0xFFFFFFFF  }
0xaf: {  	[dreg:$0x0] =	wrdreg $0x60  }
0xb0: {  	[dreg:$0x2] =	wrdreg s24  }
0xb1: {  	[dreg:$0x3] =	wrdreg s2  }
0xb2: {  	[dreg:$0x4] =	wrdreg s18  }
0xb3: {  	[dreg:$0x5] =	wrdreg s4  }
0xb4: {  	[dreg:$0x6] =	wrdreg $0x9  }
0xb5: {  	_ =	task.clear_ibuf [dreg:s9], $0x7FFFF;
	_ =	strace $0x90000046  }
0xb6: {  	s29 =	simm.s32 $0x9;
	_ =	strace $0x80000048  }
0xb7: {  	_ =	swait.ge [sflag:s29], $0x1  }
0xb8: {  	[sflag:s29] =	ssyncadd.s32 $0xFFFFFFFF  }
0xb9: {  	_ =	strace $0x90000048  }
0xba: {  	_ =	sfence  }
0xbb: {  	s30 =	sld [smem:$0x0];
	_ =	sdelay $0x2  }
0xbc: {  	s31 =	sshll.u32 s1, $0xD;
	s1 =	sshrl.u32 s1, $0x2  }
0xbd: {  	s3 =	sand.u32 $0x4000, s31;
	s1 =	sadd.s32 s1, s30  }
0xbe: {  	s0 =	sor.u32 s3, s0;
	s1 =	sshll.u32 s1, $0x11  }
0xbf: {  	s0 =	sor.u32 s1, s0  }
0xc0: {  	s0 =	sadd.s32 $0x8F2B, s0  }
0xc1: {  	[sflag:s0] =	ssyncadd.remote.s32 $0x1  }
0xc2: {  	_ =	sfence.sel $0xFFFF  }
0xc3: {  	[dreg:$0x0] =	wrdreg $0xFFFFFFFF;
	(pc) =	sbr.abs _section_cstart, $3  }
0xc4: {  	[dreg:$0x1] =	wrdreg $0xFFFFFFFF  }
0xc5: {  	_ =	task.clear_ibuf [dreg:s9], $0x2FFFF;
	_ =	strace $0x9FFFFFFF  }
0xc6: {  	(tm) =	ssettm $0x7FFFFFFF  }
0xc7: {  	_ =	shalt  }
tec
execute0_lowered:
.L_overlay_start_1:
0x0: {  	(tag) =	ssettag $0x1  }
0x1: {  	s2 =	rddreg [dreg:$0x0]  }
0x2: {  	s5 =	rddreg [dreg:$0x1]  }
0x3: {  	s0 =	srdreg.scid;
	s6 =	rddreg [dreg:$0x2]  }
0x4: {  	s4 =	stileid.u32;
	s7 =	rddreg [dreg:$0x3];
	s1 =	simm.s32 $0x0  }
0x5: {  	s3 =	sand.u32 $0x1, s0;
	s12 =	sshll.u32 s4, $0x1;
	s0 =	rddreg [dreg:$0x4]  }
0x6: {  	[smem:$0x7FF] =	sst s1;
	s8 =	sor.u32 s3, s12  }
0x7: {  	_ =	strace $0x80000047;
	s12 =	simm.s32 $0x230;
	s9 =	smul.u32 $0x186, s8  }
0x8: {  	s10 =	smul.u32 $0x61800, s8;
	[dreg:$0x1d] =	wrdreg s12;
	s12 =	simm.s32 $0x780  }
0x9: {  	s8 =	smul.u32 $0xC300, s8;
	[smem:$0x7F4] =	sst s12;
	s11 =	sadd.s32 s5, s9  }
0xa: {  	s9 =	sadd.s32 s6, s9;
	[dreg:$0x5] =	wrdreg s11  }
0xb: {  	s8 =	sadd.s32 s7, s8;
	[dreg:$0x6] =	wrdreg s9  }
0xc: {  	s23 =	smul.u32 $0x50, s3;
	[dreg:$0x7] =	wrdreg s8;
	s8 =	simm.s32 $0xF0  }
0xd: {  	s10 =	sshrl.u32 s10, $0x3;
	s9 =	simm.s32 $0x140;
	[dreg:$0x19] =	wrdreg s8  }
0xe: {  	s13 =	sadd.s32 s7, s10;
	s11 =	simm.s32 $0x1E0;
	[dreg:$0x1a] =	wrdreg s9  }
0xf: {  	s10 =	sor.u32 $0x18600, s23;
	s23 =	simm.s32 $0x550;
	[dreg:$0x1c] =	wrdreg s11  }
0x10: {  	s14 =	sadd.s32 $0xF00, s13;
	[smem:$0x7ED] =	sst s23  }
0x11: {  	s15 =	sadd.s32 $0x1E00, s13;
	[dreg:$0x8] =	wrdreg s14  }
0x12: {  	s16 =	sadd.s32 $0x2D00, s13;
	[dreg:$0x9] =	wrdreg s15  }
0x13: {  	s17 =	sadd.s32 $0x3C00, s13;
	[dreg:$0xa] =	wrdreg s16  }
0x14: {  	s18 =	sadd.s32 $0x4B00, s13;
	[dreg:$0xb] =	wrdreg s17  }
0x15: {  	s19 =	sadd.s32 $0x5A00, s13;
	[dreg:$0xc] =	wrdreg s18  }
0x16: {  	s20 =	sadd.s32 $0x6900, s13;
	[dreg:$0xd] =	wrdreg s19  }
0x17: {  	s21 =	sadd.s32 $0x7800, s13;
	[dreg:$0xe] =	wrdreg s20  }
0x18: {  	s22 =	sadd.s32 $0x8700, s13;
	[dreg:$0xf] =	wrdreg s21  }
0x19: {  	s24 =	sadd.s32 $0x9600, s13;
	[dreg:$0x10] =	wrdreg s22  }
0x1a: {  	s25 =	sadd.s32 $0xA500, s13;
	[dreg:$0x11] =	wrdreg s24  }
0x1b: {  	s26 =	sadd.s32 $0xB400, s13;
	s28 =	sshrl.u32 s10, $0x3;
	[dreg:$0x12] =	wrdreg s25  }
0x1c: {  	s30 =	sshll.u32 s10, $0x4;
	s10 =	simm.s32 $0x190;
	[dreg:$0x13] =	wrdreg s26  }
0x1d: {  	s13 =	simm.s32 $0x280;
	[dreg:$0x1b] =	wrdreg s10  }
0x1e: {  	s5 =	sadd.s32 s5, s28;
	[dreg:$0x1e] =	wrdreg s13  }
0x1f: {  	s29 =	sadd.s32 s6, s28;
	[dreg:$0x14] =	wrdreg s5  }
0x20: {  	s31 =	sadd.s32 s7, s30;
	[dreg:$0x15] =	wrdreg s29  }
0x21: {  	s2 =	sadd.s32 $0x400, s2;
	s6 =	simm.s32 $0xC80;
	[dreg:$0x16] =	wrdreg s31  }
0x22: {  	p0 =	sne.s32 s4, $0x0;
	s7 =	simm.s32 $0xA0;
	[dreg:$0x17] =	wrdreg s6  }
0x23: {  	s4 =	simm.s32 $0x1;
	s14 =	simm.s32 $0x2D0;
	[dreg:$0x18] =	wrdreg s7  }
0x24: {  	s3 =	ssub.s32 $0x2, s3;
	s15 =	simm.s32 $0x320;
	[dreg:$0x1f] =	wrdreg s14  }
0x25: {  	s12 =	simm.s32 $0xE100;
	s16 =	simm.s32 $0x370;
	[smem:$0x7E6] =	sst s15  }
0x26: {  	s8 =	simm.s32 $0x6900;
	s17 =	simm.s32 $0x3C0;
	[smem:$0x7E7] =	sst s16  }
0x27: {  	s9 =	simm.s32 $0x2;
	s18 =	simm.s32 $0x410;
	[smem:$0x7E8] =	sst s17  }
0x28: {  	s11 =	simm.s32 $0xB900;
	s20 =	simm.s32 $0x460;
	[smem:$0x7E9] =	sst s18  }
0x29: {  	s23 =	simm.s32 $0xB90;
	s21 =	simm.s32 $0x4B0;
	[smem:$0x7EA] =	sst s20  }
0x2a: {  	s19 =	sshrl.u32 s3, $0x1;
	s22 =	simm.s32 $0x500;
	[smem:$0x7EB] =	sst s21  }
0x2b: {  	s24 =	simm.s32 $0x5A0;
	s25 =	simm.s32 $0x5F0;
	[smem:$0x7EC] =	sst s22  }
0x2c: {  	s26 =	simm.s32 $0x640;
	s28 =	simm.s32 $0x690;
	[smem:$0x7EE] =	sst s24  }
0x2d: {  	s30 =	simm.s32 $0x730;
	s10 =	simm.s32 $0x9100;
	[smem:$0x7EF] =	sst s25  }
0x2e: {  	s13 =	simm.s32 $0x7D0;
	s3 =	ssub.s32 s3, s19;
	[smem:$0x7F0] =	sst s26  }
0x2f: {  	s5 =	simm.s32 $0x50;
	s6 =	simm.s32 $0x1900;
	[smem:$0x7F1] =	sst s28  }
0x30: {  	s7 =	simm.s32 $0x4100;
	s29 =	simm.s32 $0x6E0;
	[smem:$0x7F3] =	sst s30  }
0x31: {  	[smem:$0x7F5] =	sst s13;
	s14 =	simm.s32 $0x820;
	s13 =	simm.s32 $0x10900  }
0x32: {  	s15 =	simm.s32 $0x870;
	s16 =	simm.s32 $0x8C0;
	[smem:$0x7F2] =	sst s29  }
0x33: {  	v0 =	vlaneseq.u32;
	s17 =	simm.s32 $0x910;
	s18 =	simm.s32 $0x960;
	[smem:$0x7F6] =	sst s14  }
0x34: {  	v14 =	vmul.u32 $0x80, v0;
	s19 =	simm.s32 $0x9B0;
	s20 =	simm.s32 $0xA00;
	[smem:$0x7F7] =	sst s15  }
0x35: {  	s31 =	simm.s32 $0xA50;
	s21 =	simm.s32 $0xAF0;
	[smem:$0x7F8] =	sst s16  }
0x36: {  	v0 =	vor.u32 $0x7F, v14;
	v1 =	vor.u32 $0x87F, v14;
	v2 =	vor.u32 $0x107F, v14;
	s22 =	simm.s32 $0xB40;
	s24 =	simm.s32 $0xBE0;
	[smem:$0x7F9] =	sst s17  }
0x37: {  	v3 =	vor.u32 $0x187F, v14;
	v4 =	vor.u32 $0x207F, v14;
	v5 =	vor.u32 $0x287F, v14;
	s3 =	smax.u32 s3, $0x1;
	s14 =	simm.s32 $0x13100;
	[smem:$0x7FA] =	sst s18  }
0x38: {  	v6 =	vor.u32 $0x307F, v14;
	v7 =	vor.u32 $0x387F, v14;
	v8 =	vor.u32 $0x407F, v14;
	s15 =	simm.s32 $0x15900;
	s16 =	simm.s32 $0x4;
	[smem:$0x7FB] =	sst s19  }
0x39: {  	v9 =	vor.u32 $0x487F, v14;
	v10 =	vor.u32 $0x507F, v14;
	v11 =	vor.u32 $0x587F, v14;
	s17 =	simm.s32 $0x3;
	s18 =	simm.s32 $0x5;
	[smem:$0x7FC] =	sst s20  }
0x3a: {  	v12 =	vor.u32 $0x607F, v14;
	v13 =	vor.u32 $0x687F, v14;
	v14 =	vor.u32 $0x707F, v14;
	s19 =	simm.s32 $0x6;
	[smem:$0x7FD] =	sst s31;
	s20 =	simm.s32 $0xAA0  }
.LBB2_1:
0x3b: {  	s25 =	rddreg [dreg:$0x5]  }
0x3c: {  	s26 =	rddreg [dreg:$0x6]  }
0x3d: {  	[tilespmem:s1], [sflag:$0x1] =	stream.linear.gather [hbm4b:s25+s1], $0xC30, $0x38;
	[tilespmem:$0x18100] =	vst v63  }
0x3e: {  	s28 =	rddreg [dreg:$0x17]  }
0x3f: {  	[tilespmem:s28], [sflag:$0x2] =	stream.linear.gather [hbm4b:s26+s1], $0xC30, $0x38;
	[tilespmem:$0x18100] =	vst v63  }
0x40: {  	_ =	swait.ge [sflag:s4], $0xC30  }
0x41: {  	[sflag:s4] =	ssyncset.done $0x0  }
0x42: {  	[sflag:s4] =	ssyncadd.s32 $0xFFFFF3D0  }
0x43: {  	[tilespmem:s6], [sflag:$0x1] =	stream.indirect.gather [hbm4b:s2+s5], $0x80, s1, s5, $0xb8;
	[tilespmem:$0x18100] =	vst v63  }
0x44: {  	_ = 	snop  }
0x45: {  	[tilespmem:s7], [sflag:$0x1] =	stream.indirect.gather [hbm4b:s2+s5], $0x80, s5, s5, $0xb8;
	[tilespmem:$0x18100] =	vst v63  }
0x46: {  	s28 =	rddreg [dreg:$0x18]  }
0x47: {  	[tilespmem:s8], [sflag:$0x1] =	stream.indirect.gather [hbm4b:s2+s5], $0x80, s28, s5, $0xb8;
	[tilespmem:$0x18100] =	vst v63  }
0x48: {  	_ =	swait.ge [sflag:s9], $0xC30  }
0x49: {  	[sflag:s9] =	ssyncset.done $0x0  }
0x4a: {  	s29 =	rddreg [dreg:$0x19];
	[sflag:s9] =	ssyncadd.s32 $0xFFFFF3D0  }
0x4b: {  	[tilespmem:s10], [sflag:$0x2] =	stream.indirect.gather [hbm4b:s2+s5], $0x80, s29, s5, $0xb8;
	[tilespmem:$0x18100] =	vst v63  }
0x4c: {  	s30 =	rddreg [dreg:$0x1a]  }
0x4d: {  	[tilespmem:s11], [sflag:$0x2] =	stream.indirect.gather [hbm4b:s2+s5], $0x80, s30, s5, $0xb8;
	[tilespmem:$0x18100] =	vst v63  }
0x4e: {  	s31 =	rddreg [dreg:$0x1b]  }
0x4f: {  	[tilespmem:s12], [sflag:$0x2] =	stream.indirect.gather [hbm4b:s2+s5], $0x80, s31, s5, $0xb8;
	[tilespmem:$0x18100] =	vst v63  }
0x50: {  	_ =	swait.ge [sflag:s4], $0x2800  }
0x51: {  	[sflag:s4] =	ssyncset.done $0x0  }
0x52: {  	[sflag:s4] =	ssyncadd.s32 $0xFFFFD800  }
0x53: {  	_ =	swait.ge [sflag:s4], $0x2800  }
0x54: {  	[sflag:s4] =	ssyncset.done $0x0  }
0x55: {  	[sflag:s4] =	ssyncadd.s32 $0xFFFFD800  }
0x56: {  	_ =	swait.ge [sflag:s4], $0x2800  }
0x57: {  	[sflag:s4] =	ssyncset.done $0x0  }
0x58: {  	[sflag:s4] =	ssyncadd.s32 $0xFFFFD800  }
0x59: {  	v15 =	vld [tilespmem:$0xC80];
	_ =	sdelay $0x4  }
0x5a: {  	[tilespmem:v0+s6+$0x0] =	vst.idx.msk $0xffff, v15  }
0x5b: {  	v15 =	vld [tilespmem:$0xC90];
	_ =	sdelay $0x4  }
0x5c: {  	[tilespmem:v1+s6+$0x0] =	vst.idx.msk $0xffff, v15  }
0x5d: {  	v15 =	vld [tilespmem:$0xCA0];
	_ =	sdelay $0x4  }
0x5e: {  	[tilespmem:v2+s6+$0x0] =	vst.idx.msk $0xffff, v15  }
0x5f: {  	v15 =	vld [tilespmem:$0xCB0];
	_ =	sdelay $0x4  }
0x60: {  	[tilespmem:v3+s6+$0x0] =	vst.idx.msk $0xffff, v15  }
0x61: {  	v15 =	vld [tilespmem:$0xCC0];
	_ =	sdelay $0x4  }
0x62: {  	[tilespmem:v4+s6+$0x0] =	vst.idx.msk $0xffff, v15  }
0x63: {  	v15 =	vld [tilespmem:$0xCD0];
	_ =	sdelay $0x4  }
0x64: {  	[tilespmem:v5+s6+$0x0] =	vst.idx.msk $0xffff, v15  }
0x65: {  	v15 =	vld [tilespmem:$0xCE0];
	_ =	sdelay $0x4  }
0x66: {  	[tilespmem:v6+s6+$0x0] =	vst.idx.msk $0xffff, v15  }
0x67: {  	v15 =	vld [tilespmem:$0xCF0];
	_ =	sdelay $0x4  }
0x68: {  	[tilespmem:v7+s6+$0x0] =	vst.idx.msk $0xffff, v15  }
0x69: {  	v15 =	vld [tilespmem:$0xD00];
	_ =	sdelay $0x4  }
0x6a: {  	[tilespmem:v8+s6+$0x0] =	vst.idx.msk $0xffff, v15  }
0x6b: {  	v15 =	vld [tilespmem:$0xD10];
	_ =	sdelay $0x4  }
0x6c: {  	[tilespmem:v9+s6+$0x0] =	vst.idx.msk $0xffff, v15  }
0x6d: {  	v15 =	vld [tilespmem:$0xD20];
	_ =	sdelay $0x4  }
0x6e: {  	[tilespmem:v10+s6+$0x0] =	vst.idx.msk $0xffff, v15  }
0x6f: {  	v15 =	vld [tilespmem:$0xD30];
	_ =	sdelay $0x4  }
0x70: {  	[tilespmem:v11+s6+$0x0] =	vst.idx.msk $0xffff, v15  }
0x71: {  	v15 =	vld [tilespmem:$0xD40];
	_ =	sdelay $0x4  }
0x72: {  	[tilespmem:v12+s6+$0x0] =	vst.idx.msk $0xffff, v15  }
0x73: {  	v15 =	vld [tilespmem:$0xD50];
	_ =	sdelay $0x4  }
0x74: {  	[tilespmem:v13+s6+$0x0] =	vst.idx.msk $0xffff, v15  }
0x75: {  	v15 =	vld [tilespmem:$0xD60];
	_ =	sdelay $0x4  }
0x76: {  	s28 =	rddreg [dreg:$0x7];
	[tilespmem:v14+s6+$0x0] =	vst.idx.msk $0xffff, v15  }
0x77: {  	[hbm4b:s28+s1] =	stream.linear.scatter [tilespmem:s6], [sflag:$0x4], $0x7800, $0x38;
	[tilespmem:$0x18100] =	vst v63  }
0x78: {  	s29 =	rddreg [dreg:$0x1c]  }
0x79: {  	[tilespmem:s13], [sflag:$0x3] =	stream.indirect.gather [hbm4b:s2+s5], $0x80, s29, s5, $0xb8;
	[tilespmem:$0x18100] =	vst v63  }
0x7a: {  	s30 =	rddreg [dreg:$0x1d]  }
0x7b: {  	[tilespmem:s14], [sflag:$0x3] =	stream.indirect.gather [hbm4b:s2+s5], $0x80, s30, s5, $0xb8;
	[tilespmem:$0x18100] =	vst v63  }
0x7c: {  	s31 =	rddreg [dreg:$0x1e]  }
0x7d: {  	[tilespmem:s15], [sflag:$0x3] =	stream.indirect.gather [hbm4b:s2+s5], $0x80, s31, s5, $0xb8;
	[tilespmem:$0x18100] =	vst v63  }
0x7e: {  	_ =	swait.ge [sflag:s9], $0x2800  }
0x7f: {  	[sflag:s9] =	ssyncset.done $0x0  }
0x80: {  	[sflag:s9] =	ssyncadd.s32 $0xFFFFD800  }
0x81: {  	_ =	swait.ge [sflag:s9], $0x2800  }
0x82: {  	[sflag:s9] =	ssyncset.done $0x0  }
0x83: {  	[sflag:s9] =	ssyncadd.s32 $0xFFFFD800  }
0x84: {  	_ =	swait.ge [sflag:s9], $0x2800  }
0x85: {  	[sflag:s9] =	ssyncset.done $0x0  }
0x86: {  	[sflag:s9] =	ssyncadd.s32 $0xFFFFD800  }
0x87: {  	v15 =	vld [tilespmem:$0xD70];
	_ =	sdelay $0x4  }
0x88: {  	[tilespmem:v0+s10+$0x0] =	vst.idx.msk $0xffff, v15  }
0x89: {  	v15 =	vld [tilespmem:$0xD80];
	_ =	sdelay $0x4  }
0x8a: {  	[tilespmem:v1+s10+$0x0] =	vst.idx.msk $0xffff, v15  }
0x8b: {  	v15 =	vld [tilespmem:$0xD90];
	_ =	sdelay $0x4  }
0x8c: {  	[tilespmem:v2+s10+$0x0] =	vst.idx.msk $0xffff, v15  }
0x8d: {  	v15 =	vld [tilespmem:$0xDA0];
	_ =	sdelay $0x4  }
0x8e: {  	[tilespmem:v3+s10+$0x0] =	vst.idx.msk $0xffff, v15  }
0x8f: {  	v15 =	vld [tilespmem:$0xDB0];
	_ =	sdelay $0x4  }
0x90: {  	[tilespmem:v4+s10+$0x0] =	vst.idx.msk $0xffff, v15  }
0x91: {  	v15 =	vld [tilespmem:$0xDC0];
	_ =	sdelay $0x4  }
0x92: {  	[tilespmem:v5+s10+$0x0] =	vst.idx.msk $0xffff, v15  }
0x93: {  	v15 =	vld [tilespmem:$0xDD0];
	_ =	sdelay $0x4  }
0x94: {  	[tilespmem:v6+s10+$0x0] =	vst.idx.msk $0xffff, v15  }
0x95: {  	v15 =	vld [tilespmem:$0xDE0];
	_ =	sdelay $0x4  }
0x96: {  	[tilespmem:v7+s10+$0x0] =	vst.idx.msk $0xffff, v15  }
0x97: {  	v15 =	vld [tilespmem:$0xDF0];
	_ =	sdelay $0x4  }
0x98: {  	[tilespmem:v8+s10+$0x0] =	vst.idx.msk $0xffff, v15  }
0x99: {  	v15 =	vld [tilespmem:$0xE00];
	_ =	sdelay $0x4  }
0x9a: {  	[tilespmem:v9+s10+$0x0] =	vst.idx.msk $0xffff, v15  }
0x9b: {  	v15 =	vld [tilespmem:$0xE10];
	_ =	sdelay $0x4  }
0x9c: {  	[tilespmem:v10+s10+$0x0] =	vst.idx.msk $0xffff, v15  }
0x9d: {  	v15 =	vld [tilespmem:$0xE20];
	_ =	sdelay $0x4  }
0x9e: {  	[tilespmem:v11+s10+$0x0] =	vst.idx.msk $0xffff, v15  }
0x9f: {  	v15 =	vld [tilespmem:$0xE30];
	_ =	sdelay $0x4  }
0xa0: {  	[tilespmem:v12+s10+$0x0] =	vst.idx.msk $0xffff, v15  }
0xa1: {  	v15 =	vld [tilespmem:$0xE40];
	_ =	sdelay $0x4  }
0xa2: {  	[tilespmem:v13+s10+$0x0] =	vst.idx.msk $0xffff, v15  }
0xa3: {  	v15 =	vld [tilespmem:$0xE50];
	_ =	sdelay $0x4  }
0xa4: {  	s28 =	rddreg [dreg:$0x8];
	[tilespmem:v14+s10+$0x0] =	vst.idx.msk $0xffff, v15  }
0xa5: {  	[hbm4b:s28+s1] =	stream.linear.scatter [tilespmem:s10], [sflag:$0x5], $0x7800, $0x38;
	[tilespmem:$0x18100] =	vst v63  }
0xa6: {  	_ =	swait.ge [sflag:s16], $0x7800  }
0xa7: {  	s29 =	rddreg [dreg:$0x1f];
	[sflag:s16] =	ssyncset.done $0x0  }
0xa8: {  	s30 =	sld [smem:$0x7E6];
	[sflag:s16] =	ssyncadd.s32 $0xFFFF8800  }
0xa9: {  	[tilespmem:s6], [sflag:$0x1] =	stream.indirect.gather [hbm4b:s2+s5], $0x80, s29, s5, $0xb8;
	[tilespmem:$0x18100] =	vst v63  }
0xaa: {  	s31 =	sld [smem:$0x7E7]  }
0xab: {  	[tilespmem:s7], [sflag:$0x1] =	stream.indirect.gather [hbm4b:s2+s5], $0x80, s30, s5, $0xb8;
	[tilespmem:$0x18100] =	vst v63  }
0xac: {  	_ = 	snop  }
0xad: {  	[tilespmem:s8], [sflag:$0x1] =	stream.indirect.gather [hbm4b:s2+s5], $0x80, s31, s5, $0xb8;
	[tilespmem:$0x18100] =	vst v63  }
0xae: {  	_ =	swait.ge [sflag:s17], $0x2800  }
0xaf: {  	[sflag:s17] =	ssyncset.done $0x0  }
0xb0: {  	[sflag:s17] =	ssyncadd.s32 $0xFFFFD800  }
0xb1: {  	_ =	swait.ge [sflag:s17], $0x2800  }
0xb2: {  	[sflag:s17] =	ssyncset.done $0x0  }
0xb3: {  	[sflag:s17] =	ssyncadd.s32 $0xFFFFD800  }
0xb4: {  	_ =	swait.ge [sflag:s17], $0x2800  }
0xb5: {  	[sflag:s17] =	ssyncset.done $0x0  }
0xb6: {  	[sflag:s17] =	ssyncadd.s32 $0xFFFFD800  }
0xb7: {  	v15 =	vld [tilespmem:$0xE60];
	_ =	sdelay $0x4  }
0xb8: {  	[tilespmem:v0+s13+$0x0] =	vst.idx.msk $0xffff, v15  }
0xb9: {  	v15 =	vld [tilespmem:$0xE70];
	_ =	sdelay $0x4  }
0xba: {  	[tilespmem:v1+s13+$0x0] =	vst.idx.msk $0xffff, v15  }
0xbb: {  	v15 =	vld [tilespmem:$0xE80];
	_ =	sdelay $0x4  }
0xbc: {  	[tilespmem:v2+s13+$0x0] =	vst.idx.msk $0xffff, v15  }
0xbd: {  	v15 =	vld [tilespmem:$0xE90];
	_ =	sdelay $0x4  }
0xbe: {  	[tilespmem:v3+s13+$0x0] =	vst.idx.msk $0xffff, v15  }
0xbf: {  	v15 =	vld [tilespmem:$0xEA0];
	_ =	sdelay $0x4  }
0xc0: {  	[tilespmem:v4+s13+$0x0] =	vst.idx.msk $0xffff, v15  }
0xc1: {  	v15 =	vld [tilespmem:$0xEB0];
	_ =	sdelay $0x4  }
0xc2: {  	[tilespmem:v5+s13+$0x0] =	vst.idx.msk $0xffff, v15  }
0xc3: {  	v15 =	vld [tilespmem:$0xEC0];
	_ =	sdelay $0x4  }
0xc4: {  	[tilespmem:v6+s13+$0x0] =	vst.idx.msk $0xffff, v15  }
0xc5: {  	v15 =	vld [tilespmem:$0xED0];
	_ =	sdelay $0x4  }
0xc6: {  	[tilespmem:v7+s13+$0x0] =	vst.idx.msk $0xffff, v15  }
0xc7: {  	v15 =	vld [tilespmem:$0xEE0];
	_ =	sdelay $0x4  }
0xc8: {  	[tilespmem:v8+s13+$0x0] =	vst.idx.msk $0xffff, v15  }
0xc9: {  	v15 =	vld [tilespmem:$0xEF0];
	_ =	sdelay $0x4  }
0xca: {  	[tilespmem:v9+s13+$0x0] =	vst.idx.msk $0xffff, v15  }
0xcb: {  	v15 =	vld [tilespmem:$0xF00];
	_ =	sdelay $0x4  }
0xcc: {  	[tilespmem:v10+s13+$0x0] =	vst.idx.msk $0xffff, v15  }
0xcd: {  	v15 =	vld [tilespmem:$0xF10];
	_ =	sdelay $0x4  }
0xce: {  	[tilespmem:v11+s13+$0x0] =	vst.idx.msk $0xffff, v15  }
0xcf: {  	v15 =	vld [tilespmem:$0xF20];
	_ =	sdelay $0x4  }
0xd0: {  	[tilespmem:v12+s13+$0x0] =	vst.idx.msk $0xffff, v15  }
0xd1: {  	v15 =	vld [tilespmem:$0xF30];
	_ =	sdelay $0x4  }
0xd2: {  	[tilespmem:v13+s13+$0x0] =	vst.idx.msk $0xffff, v15  }
0xd3: {  	v15 =	vld [tilespmem:$0xF40];
	_ =	sdelay $0x4  }
0xd4: {  	s28 =	rddreg [dreg:$0x9];
	[tilespmem:v14+s13+$0x0] =	vst.idx.msk $0xffff, v15  }
0xd5: {  	[hbm4b:s28+s1] =	stream.linear.scatter [tilespmem:s13], [sflag:$0x6], $0x7800, $0x38;
	[tilespmem:$0x18100] =	vst v63  }
0xd6: {  	_ =	swait.ge [sflag:s18], $0x7800  }
0xd7: {  	s29 =	sld [smem:$0x7E8]  }
0xd8: {  	[sflag:s18] =	ssyncset.done $0x0  }
0xd9: {  	s30 =	sld [smem:$0x7E9];
	[sflag:s18] =	ssyncadd.s32 $0xFFFF8800  }
0xda: {  	[tilespmem:s10], [sflag:$0x2] =	stream.indirect.gather [hbm4b:s2+s5], $0x80, s29, s5, $0xb8;
	[tilespmem:$0x18100] =	vst v63  }
0xdb: {  	s31 =	sld [smem:$0x7EA]  }
0xdc: {  	[tilespmem:s11], [sflag:$0x2] =	stream.indirect.gather [hbm4b:s2+s5], $0x80, s30, s5, $0xb8;
	[tilespmem:$0x18100] =	vst v63  }
0xdd: {  	_ = 	snop  }
0xde: {  	[tilespmem:s12], [sflag:$0x2] =	stream.indirect.gather [hbm4b:s2+s5], $0x80, s31, s5, $0xb8;
	[tilespmem:$0x18100] =	vst v63  }
0xdf: {  	_ =	swait.ge [sflag:s4], $0x2800  }
0xe0: {  	[sflag:s4] =	ssyncset.done $0x0  }
0xe1: {  	[sflag:s4] =	ssyncadd.s32 $0xFFFFD800  }
0xe2: {  	_ =	swait.ge [sflag:s4], $0x2800  }
0xe3: {  	[sflag:s4] =	ssyncset.done $0x0  }
0xe4: {  	[sflag:s4] =	ssyncadd.s32 $0xFFFFD800  }
0xe5: {  	_ =	swait.ge [sflag:s4], $0x2800  }
0xe6: {  	[sflag:s4] =	ssyncset.done $0x0  }
0xe7: {  	[sflag:s4] =	ssyncadd.s32 $0xFFFFD800  }
0xe8: {  	v15 =	vld [tilespmem:$0xF50];
	_ =	sdelay $0x4  }
0xe9: {  	[tilespmem:v0+s6+$0x0] =	vst.idx.msk $0xffff, v15  }
0xea: {  	v15 =	vld [tilespmem:$0xF60];
	_ =	sdelay $0x4  }
0xeb: {  	[tilespmem:v1+s6+$0x0] =	vst.idx.msk $0xffff, v15  }
0xec: {  	v15 =	vld [tilespmem:$0xF70];
	_ =	sdelay $0x4  }
0xed: {  	[tilespmem:v2+s6+$0x0] =	vst.idx.msk $0xffff, v15  }
0xee: {  	v15 =	vld [tilespmem:$0xF80];
	_ =	sdelay $0x4  }
0xef: {  	[tilespmem:v3+s6+$0x0] =	vst.idx.msk $0xffff, v15  }
0xf0: {  	v15 =	vld [tilespmem:$0xF90];
	_ =	sdelay $0x4  }
0xf1: {  	[tilespmem:v4+s6+$0x0] =	vst.idx.msk $0xffff, v15  }
0xf2: {  	v15 =	vld [tilespmem:$0xFA0];
	_ =	sdelay $0x4  }
0xf3: {  	[tilespmem:v5+s6+$0x0] =	vst.idx.msk $0xffff, v15  }
0xf4: {  	v15 =	vld [tilespmem:$0xFB0];
	_ =	sdelay $0x4  }
0xf5: {  	[tilespmem:v6+s6+$0x0] =	vst.idx.msk $0xffff, v15  }
0xf6: {  	v15 =	vld [tilespmem:$0xFC0];
	_ =	sdelay $0x4  }
0xf7: {  	[tilespmem:v7+s6+$0x0] =	vst.idx.msk $0xffff, v15  }
0xf8: {  	v15 =	vld [tilespmem:$0xFD0];
	_ =	sdelay $0x4  }
0xf9: {  	[tilespmem:v8+s6+$0x0] =	vst.idx.msk $0xffff, v15  }
0xfa: {  	v15 =	vld [tilespmem:$0xFE0];
	_ =	sdelay $0x4  }
0xfb: {  	[tilespmem:v9+s6+$0x0] =	vst.idx.msk $0xffff, v15  }
0xfc: {  	v15 =	vld [tilespmem:$0xFF0];
	_ =	sdelay $0x4  }
0xfd: {  	[tilespmem:v10+s6+$0x0] =	vst.idx.msk $0xffff, v15  }
0xfe: {  	v15 =	vld [tilespmem:$0x1000];
	_ =	sdelay $0x4  }
0xff: {  	[tilespmem:v11+s6+$0x0] =	vst.idx.msk $0xffff, v15  }
0x100: {  	v15 =	vld [tilespmem:$0x1010];
	_ =	sdelay $0x4  }
0x101: {  	[tilespmem:v12+s6+$0x0] =	vst.idx.msk $0xffff, v15  }
0x102: {  	v15 =	vld [tilespmem:$0x1020];
	_ =	sdelay $0x4  }
0x103: {  	[tilespmem:v13+s6+$0x0] =	vst.idx.msk $0xffff, v15  }
0x104: {  	v15 =	vld [tilespmem:$0x1030];
	_ =	sdelay $0x4  }
0x105: {  	s28 =	rddreg [dreg:$0xa];
	[tilespmem:v14+s6+$0x0] =	vst.idx.msk $0xffff, v15  }
0x106: {  	[hbm4b:s28+s1] =	stream.linear.scatter [tilespmem:s6], [sflag:$0x4], $0x7800, $0x38;
	[tilespmem:$0x18100] =	vst v63  }
0x107: {  	_ =	swait.ge [sflag:s19], $0x7800  }
0x108: {  	s29 =	sld [smem:$0x7EB]  }
0x109: {  	[sflag:s19] =	ssyncset.done $0x0  }
0x10a: {  	s30 =	sld [smem:$0x7EC];
	[sflag:s19] =	ssyncadd.s32 $0xFFFF8800  }
0x10b: {  	[tilespmem:s13], [sflag:$0x3] =	stream.indirect.gather [hbm4b:s2+s5], $0x80, s29, s5, $0xb8;
	[tilespmem:$0x18100] =	vst v63  }
0x10c: {  	s31 =	sld [smem:$0x7ED]  }
0x10d: {  	[tilespmem:s14], [sflag:$0x3] =	stream.indirect.gather [hbm4b:s2+s5], $0x80, s30, s5, $0xb8;
	[tilespmem:$0x18100] =	vst v63  }
0x10e: {  	_ = 	snop  }
0x10f: {  	[tilespmem:s15], [sflag:$0x3] =	stream.indirect.gather [hbm4b:s2+s5], $0x80, s31, s5, $0xb8;
	[tilespmem:$0x18100] =	vst v63  }
0x110: {  	_ =	swait.ge [sflag:s9], $0x2800  }
0x111: {  	[sflag:s9] =	ssyncset.done $0x0  }
0x112: {  	[sflag:s9] =	ssyncadd.s32 $0xFFFFD800  }
0x113: {  	_ =	swait.ge [sflag:s9], $0x2800  }
0x114: {  	[sflag:s9] =	ssyncset.done $0x0  }
0x115: {  	[sflag:s9] =	ssyncadd.s32 $0xFFFFD800  }
0x116: {  	_ =	swait.ge [sflag:s9], $0x2800  }
0x117: {  	[sflag:s9] =	ssyncset.done $0x0  }
0x118: {  	[sflag:s9] =	ssyncadd.s32 $0xFFFFD800  }
0x119: {  	v15 =	vld [tilespmem:$0x1040];
	_ =	sdelay $0x4  }
0x11a: {  	[tilespmem:v0+s10+$0x0] =	vst.idx.msk $0xffff, v15  }
0x11b: {  	v15 =	vld [tilespmem:$0x1050];
	_ =	sdelay $0x4  }
0x11c: {  	[tilespmem:v1+s10+$0x0] =	vst.idx.msk $0xffff, v15  }
0x11d: {  	v15 =	vld [tilespmem:$0x1060];
	_ =	sdelay $0x4  }
0x11e: {  	[tilespmem:v2+s10+$0x0] =	vst.idx.msk $0xffff, v15  }
0x11f: {  	v15 =	vld [tilespmem:$0x1070];
	_ =	sdelay $0x4  }
0x120: {  	[tilespmem:v3+s10+$0x0] =	vst.idx.msk $0xffff, v15  }
0x121: {  	v15 =	vld [tilespmem:$0x1080];
	_ =	sdelay $0x4  }
0x122: {  	[tilespmem:v4+s10+$0x0] =	vst.idx.msk $0xffff, v15  }
0x123: {  	v15 =	vld [tilespmem:$0x1090];
	_ =	sdelay $0x4  }
0x124: {  	[tilespmem:v5+s10+$0x0] =	vst.idx.msk $0xffff, v15  }
0x125: {  	v15 =	vld [tilespmem:$0x10A0];
	_ =	sdelay $0x4  }
0x126: {  	[tilespmem:v6+s10+$0x0] =	vst.idx.msk $0xffff, v15  }
0x127: {  	v15 =	vld [tilespmem:$0x10B0];
	_ =	sdelay $0x4  }
0x128: {  	[tilespmem:v7+s10+$0x0] =	vst.idx.msk $0xffff, v15  }
0x129: {  	v15 =	vld [tilespmem:$0x10C0];
	_ =	sdelay $0x4  }
0x12a: {  	[tilespmem:v8+s10+$0x0] =	vst.idx.msk $0xffff, v15  }
0x12b: {  	v15 =	vld [tilespmem:$0x10D0];
	_ =	sdelay $0x4  }
0x12c: {  	[tilespmem:v9+s10+$0x0] =	vst.idx.msk $0xffff, v15  }
0x12d: {  	v15 =	vld [tilespmem:$0x10E0];
	_ =	sdelay $0x4  }
0x12e: {  	[tilespmem:v10+s10+$0x0] =	vst.idx.msk $0xffff, v15  }
0x12f: {  	v15 =	vld [tilespmem:$0x10F0];
	_ =	sdelay $0x4  }
0x130: {  	[tilespmem:v11+s10+$0x0] =	vst.idx.msk $0xffff, v15  }
0x131: {  	v15 =	vld [tilespmem:$0x1100];
	_ =	sdelay $0x4  }
0x132: {  	[tilespmem:v12+s10+$0x0] =	vst.idx.msk $0xffff, v15  }
0x133: {  	v15 =	vld [tilespmem:$0x1110];
	_ =	sdelay $0x4  }
0x134: {  	[tilespmem:v13+s10+$0x0] =	vst.idx.msk $0xffff, v15  }
0x135: {  	v15 =	vld [tilespmem:$0x1120];
	_ =	sdelay $0x4  }
0x136: {  	s28 =	rddreg [dreg:$0xb];
	[tilespmem:v14+s10+$0x0] =	vst.idx.msk $0xffff, v15  }
0x137: {  	[hbm4b:s28+s1] =	stream.linear.scatter [tilespmem:s10], [sflag:$0x5], $0x7800, $0x38;
	[tilespmem:$0x18100] =	vst v63  }
0x138: {  	_ =	swait.ge [sflag:s16], $0x7800  }
0x139: {  	s29 =	sld [smem:$0x7EE]  }
0x13a: {  	[sflag:s16] =	ssyncset.done $0x0  }
0x13b: {  	s30 =	sld [smem:$0x7EF];
	[sflag:s16] =	ssyncadd.s32 $0xFFFF8800  }
0x13c: {  	[tilespmem:s6], [sflag:$0x1] =	stream.indirect.gather [hbm4b:s2+s5], $0x80, s29, s5, $0xb8;
	[tilespmem:$0x18100] =	vst v63  }
0x13d: {  	s31 =	sld [smem:$0x7F0]  }
0x13e: {  	[tilespmem:s7], [sflag:$0x1] =	stream.indirect.gather [hbm4b:s2+s5], $0x80, s30, s5, $0xb8;
	[tilespmem:$0x18100] =	vst v63  }
0x13f: {  	_ = 	snop  }
0x140: {  	[tilespmem:s8], [sflag:$0x1] =	stream.indirect.gather [hbm4b:s2+s5], $0x80, s31, s5, $0xb8;
	[tilespmem:$0x18100] =	vst v63  }
0x141: {  	_ =	swait.ge [sflag:s17], $0x2800  }
0x142: {  	[sflag:s17] =	ssyncset.done $0x0  }
0x143: {  	[sflag:s17] =	ssyncadd.s32 $0xFFFFD800  }
0x144: {  	_ =	swait.ge [sflag:s17], $0x2800  }
0x145: {  	[sflag:s17] =	ssyncset.done $0x0  }
0x146: {  	[sflag:s17] =	ssyncadd.s32 $0xFFFFD800  }
0x147: {  	_ =	swait.ge [sflag:s17], $0x2800  }
0x148: {  	[sflag:s17] =	ssyncset.done $0x0  }
0x149: {  	[sflag:s17] =	ssyncadd.s32 $0xFFFFD800  }
0x14a: {  	v15 =	vld [tilespmem:$0x1130];
	_ =	sdelay $0x4  }
0x14b: {  	[tilespmem:v0+s13+$0x0] =	vst.idx.msk $0xffff, v15  }
0x14c: {  	v15 =	vld [tilespmem:$0x1140];
	_ =	sdelay $0x4  }
0x14d: {  	[tilespmem:v1+s13+$0x0] =	vst.idx.msk $0xffff, v15  }
0x14e: {  	v15 =	vld [tilespmem:$0x1150];
	_ =	sdelay $0x4  }
0x14f: {  	[tilespmem:v2+s13+$0x0] =	vst.idx.msk $0xffff, v15  }
0x150: {  	v15 =	vld [tilespmem:$0x1160];
	_ =	sdelay $0x4  }
0x151: {  	[tilespmem:v3+s13+$0x0] =	vst.idx.msk $0xffff, v15  }
0x152: {  	v15 =	vld [tilespmem:$0x1170];
	_ =	sdelay $0x4  }
0x153: {  	[tilespmem:v4+s13+$0x0] =	vst.idx.msk $0xffff, v15  }
0x154: {  	v15 =	vld [tilespmem:$0x1180];
	_ =	sdelay $0x4  }
0x155: {  	[tilespmem:v5+s13+$0x0] =	vst.idx.msk $0xffff, v15  }
0x156: {  	v15 =	vld [tilespmem:$0x1190];
	_ =	sdelay $0x4  }
0x157: {  	[tilespmem:v6+s13+$0x0] =	vst.idx.msk $0xffff, v15  }
0x158: {  	v15 =	vld [tilespmem:$0x11A0];
	_ =	sdelay $0x4  }
0x159: {  	[tilespmem:v7+s13+$0x0] =	vst.idx.msk $0xffff, v15  }
0x15a: {  	v15 =	vld [tilespmem:$0x11B0];
	_ =	sdelay $0x4  }
0x15b: {  	[tilespmem:v8+s13+$0x0] =	vst.idx.msk $0xffff, v15  }
0x15c: {  	v15 =	vld [tilespmem:$0x11C0];
	_ =	sdelay $0x4  }
0x15d: {  	[tilespmem:v9+s13+$0x0] =	vst.idx.msk $0xffff, v15  }
0x15e: {  	v15 =	vld [tilespmem:$0x11D0];
	_ =	sdelay $0x4  }
0x15f: {  	[tilespmem:v10+s13+$0x0] =	vst.idx.msk $0xffff, v15  }
0x160: {  	v15 =	vld [tilespmem:$0x11E0];
	_ =	sdelay $0x4  }
0x161: {  	[tilespmem:v11+s13+$0x0] =	vst.idx.msk $0xffff, v15  }
0x162: {  	v15 =	vld [tilespmem:$0x11F0];
	_ =	sdelay $0x4  }
0x163: {  	[tilespmem:v12+s13+$0x0] =	vst.idx.msk $0xffff, v15  }
0x164: {  	v15 =	vld [tilespmem:$0x1200];
	_ =	sdelay $0x4  }
0x165: {  	[tilespmem:v13+s13+$0x0] =	vst.idx.msk $0xffff, v15  }
0x166: {  	v15 =	vld [tilespmem:$0x1210];
	_ =	sdelay $0x4  }
0x167: {  	s28 =	rddreg [dreg:$0xc];
	[tilespmem:v14+s13+$0x0] =	vst.idx.msk $0xffff, v15  }
0x168: {  	[hbm4b:s28+s1] =	stream.linear.scatter [tilespmem:s13], [sflag:$0x6], $0x7800, $0x38;
	[tilespmem:$0x18100] =	vst v63  }
0x169: {  	_ =	swait.ge [sflag:s18], $0x7800  }
0x16a: {  	s29 =	sld [smem:$0x7F1]  }
0x16b: {  	[sflag:s18] =	ssyncset.done $0x0  }
0x16c: {  	s30 =	sld [smem:$0x7F2];
	[sflag:s18] =	ssyncadd.s32 $0xFFFF8800  }
0x16d: {  	[tilespmem:s10], [sflag:$0x2] =	stream.indirect.gather [hbm4b:s2+s5], $0x80, s29, s5, $0xb8;
	[tilespmem:$0x18100] =	vst v63  }
0x16e: {  	s31 =	sld [smem:$0x7F3]  }
0x16f: {  	[tilespmem:s11], [sflag:$0x2] =	stream.indirect.gather [hbm4b:s2+s5], $0x80, s30, s5, $0xb8;
	[tilespmem:$0x18100] =	vst v63  }
0x170: {  	_ = 	snop  }
0x171: {  	[tilespmem:s12], [sflag:$0x2] =	stream.indirect.gather [hbm4b:s2+s5], $0x80, s31, s5, $0xb8;
	[tilespmem:$0x18100] =	vst v63  }
0x172: {  	_ =	swait.ge [sflag:s4], $0x2800  }
0x173: {  	[sflag:s4] =	ssyncset.done $0x0  }
0x174: {  	[sflag:s4] =	ssyncadd.s32 $0xFFFFD800  }
0x175: {  	_ =	swait.ge [sflag:s4], $0x2800  }
0x176: {  	[sflag:s4] =	ssyncset.done $0x0  }
0x177: {  	[sflag:s4] =	ssyncadd.s32 $0xFFFFD800  }
0x178: {  	_ =	swait.ge [sflag:s4], $0x2800  }
0x179: {  	[sflag:s4] =	ssyncset.done $0x0  }
0x17a: {  	[sflag:s4] =	ssyncadd.s32 $0xFFFFD800  }
0x17b: {  	v15 =	vld [tilespmem:$0x1220];
	_ =	sdelay $0x4  }
0x17c: {  	[tilespmem:v0+s6+$0x0] =	vst.idx.msk $0xffff, v15  }
0x17d: {  	v15 =	vld [tilespmem:$0x1230];
	_ =	sdelay $0x4  }
0x17e: {  	[tilespmem:v1+s6+$0x0] =	vst.idx.msk $0xffff, v15  }
0x17f: {  	v15 =	vld [tilespmem:$0x1240];
	_ =	sdelay $0x4  }
0x180: {  	[tilespmem:v2+s6+$0x0] =	vst.idx.msk $0xffff, v15  }
0x181: {  	v15 =	vld [tilespmem:$0x1250];
	_ =	sdelay $0x4  }
0x182: {  	[tilespmem:v3+s6+$0x0] =	vst.idx.msk $0xffff, v15  }
0x183: {  	v15 =	vld [tilespmem:$0x1260];
	_ =	sdelay $0x4  }
0x184: {  	[tilespmem:v4+s6+$0x0] =	vst.idx.msk $0xffff, v15  }
0x185: {  	v15 =	vld [tilespmem:$0x1270];
	_ =	sdelay $0x4  }
0x186: {  	[tilespmem:v5+s6+$0x0] =	vst.idx.msk $0xffff, v15  }
0x187: {  	v15 =	vld [tilespmem:$0x1280];
	_ =	sdelay $0x4  }
0x188: {  	[tilespmem:v6+s6+$0x0] =	vst.idx.msk $0xffff, v15  }
0x189: {  	v15 =	vld [tilespmem:$0x1290];
	_ =	sdelay $0x4  }
0x18a: {  	[tilespmem:v7+s6+$0x0] =	vst.idx.msk $0xffff, v15  }
0x18b: {  	v15 =	vld [tilespmem:$0x12A0];
	_ =	sdelay $0x4  }
0x18c: {  	[tilespmem:v8+s6+$0x0] =	vst.idx.msk $0xffff, v15  }
0x18d: {  	v15 =	vld [tilespmem:$0x12B0];
	_ =	sdelay $0x4  }
0x18e: {  	[tilespmem:v9+s6+$0x0] =	vst.idx.msk $0xffff, v15  }
0x18f: {  	v15 =	vld [tilespmem:$0x12C0];
	_ =	sdelay $0x4  }
0x190: {  	[tilespmem:v10+s6+$0x0] =	vst.idx.msk $0xffff, v15  }
0x191: {  	v15 =	vld [tilespmem:$0x12D0];
	_ =	sdelay $0x4  }
0x192: {  	[tilespmem:v11+s6+$0x0] =	vst.idx.msk $0xffff, v15  }
0x193: {  	v15 =	vld [tilespmem:$0x12E0];
	_ =	sdelay $0x4  }
0x194: {  	[tilespmem:v12+s6+$0x0] =	vst.idx.msk $0xffff, v15  }
0x195: {  	v15 =	vld [tilespmem:$0x12F0];
	_ =	sdelay $0x4  }
0x196: {  	[tilespmem:v13+s6+$0x0] =	vst.idx.msk $0xffff, v15  }
0x197: {  	v15 =	vld [tilespmem:$0x1300];
	_ =	sdelay $0x4  }
0x198: {  	s28 =	rddreg [dreg:$0xd];
	[tilespmem:v14+s6+$0x0] =	vst.idx.msk $0xffff, v15  }
0x199: {  	[hbm4b:s28+s1] =	stream.linear.scatter [tilespmem:s6], [sflag:$0x4], $0x7800, $0x38;
	[tilespmem:$0x18100] =	vst v63  }
0x19a: {  	_ =	swait.ge [sflag:s19], $0x7800  }
0x19b: {  	s29 =	sld [smem:$0x7F4]  }
0x19c: {  	[sflag:s19] =	ssyncset.done $0x0  }
0x19d: {  	s30 =	sld [smem:$0x7F5];
	[sflag:s19] =	ssyncadd.s32 $0xFFFF8800  }
0x19e: {  	[tilespmem:s13], [sflag:$0x3] =	stream.indirect.gather [hbm4b:s2+s5], $0x80, s29, s5, $0xb8;
	[tilespmem:$0x18100] =	vst v63  }
0x19f: {  	s31 =	sld [smem:$0x7F6]  }
0x1a0: {  	[tilespmem:s14], [sflag:$0x3] =	stream.indirect.gather [hbm4b:s2+s5], $0x80, s30, s5, $0xb8;
	[tilespmem:$0x18100] =	vst v63  }
0x1a1: {  	_ = 	snop  }
0x1a2: {  	[tilespmem:s15], [sflag:$0x3] =	stream.indirect.gather [hbm4b:s2+s5], $0x80, s31, s5, $0xb8;
	[tilespmem:$0x18100] =	vst v63  }
0x1a3: {  	_ =	swait.ge [sflag:s9], $0x2800  }
0x1a4: {  	[sflag:s9] =	ssyncset.done $0x0  }
0x1a5: {  	[sflag:s9] =	ssyncadd.s32 $0xFFFFD800  }
0x1a6: {  	_ =	swait.ge [sflag:s9], $0x2800  }
0x1a7: {  	[sflag:s9] =	ssyncset.done $0x0  }
0x1a8: {  	[sflag:s9] =	ssyncadd.s32 $0xFFFFD800  }
0x1a9: {  	_ =	swait.ge [sflag:s9], $0x2800  }
0x1aa: {  	[sflag:s9] =	ssyncset.done $0x0  }
0x1ab: {  	[sflag:s9] =	ssyncadd.s32 $0xFFFFD800  }
0x1ac: {  	v15 =	vld [tilespmem:$0x1310];
	_ =	sdelay $0x4  }
0x1ad: {  	[tilespmem:v0+s10+$0x0] =	vst.idx.msk $0xffff, v15  }
0x1ae: {  	v15 =	vld [tilespmem:$0x1320];
	_ =	sdelay $0x4  }
0x1af: {  	[tilespmem:v1+s10+$0x0] =	vst.idx.msk $0xffff, v15  }
0x1b0: {  	v15 =	vld [tilespmem:$0x1330];
	_ =	sdelay $0x4  }
0x1b1: {  	[tilespmem:v2+s10+$0x0] =	vst.idx.msk $0xffff, v15  }
0x1b2: {  	v15 =	vld [tilespmem:$0x1340];
	_ =	sdelay $0x4  }
0x1b3: {  	[tilespmem:v3+s10+$0x0] =	vst.idx.msk $0xffff, v15  }
0x1b4: {  	v15 =	vld [tilespmem:$0x1350];
	_ =	sdelay $0x4  }
0x1b5: {  	[tilespmem:v4+s10+$0x0] =	vst.idx.msk $0xffff, v15  }
0x1b6: {  	v15 =	vld [tilespmem:$0x1360];
	_ =	sdelay $0x4  }
0x1b7: {  	[tilespmem:v5+s10+$0x0] =	vst.idx.msk $0xffff, v15  }
0x1b8: {  	v15 =	vld [tilespmem:$0x1370];
	_ =	sdelay $0x4  }
0x1b9: {  	[tilespmem:v6+s10+$0x0] =	vst.idx.msk $0xffff, v15  }
0x1ba: {  	v15 =	vld [tilespmem:$0x1380];
	_ =	sdelay $0x4  }
0x1bb: {  	[tilespmem:v7+s10+$0x0] =	vst.idx.msk $0xffff, v15  }
0x1bc: {  	v15 =	vld [tilespmem:$0x1390];
	_ =	sdelay $0x4  }
0x1bd: {  	[tilespmem:v8+s10+$0x0] =	vst.idx.msk $0xffff, v15  }
0x1be: {  	v15 =	vld [tilespmem:$0x13A0];
	_ =	sdelay $0x4  }
0x1bf: {  	[tilespmem:v9+s10+$0x0] =	vst.idx.msk $0xffff, v15  }
0x1c0: {  	v15 =	vld [tilespmem:$0x13B0];
	_ =	sdelay $0x4  }
0x1c1: {  	[tilespmem:v10+s10+$0x0] =	vst.idx.msk $0xffff, v15  }
0x1c2: {  	v15 =	vld [tilespmem:$0x13C0];
	_ =	sdelay $0x4  }
0x1c3: {  	[tilespmem:v11+s10+$0x0] =	vst.idx.msk $0xffff, v15  }
0x1c4: {  	v15 =	vld [tilespmem:$0x13D0];
	_ =	sdelay $0x4  }
0x1c5: {  	[tilespmem:v12+s10+$0x0] =	vst.idx.msk $0xffff, v15  }
0x1c6: {  	v15 =	vld [tilespmem:$0x13E0];
	_ =	sdelay $0x4  }
0x1c7: {  	[tilespmem:v13+s10+$0x0] =	vst.idx.msk $0xffff, v15  }
0x1c8: {  	v15 =	vld [tilespmem:$0x13F0];
	_ =	sdelay $0x4  }
0x1c9: {  	s28 =	rddreg [dreg:$0xe];
	[tilespmem:v14+s10+$0x0] =	vst.idx.msk $0xffff, v15  }
0x1ca: {  	[hbm4b:s28+s1] =	stream.linear.scatter [tilespmem:s10], [sflag:$0x5], $0x7800, $0x38;
	[tilespmem:$0x18100] =	vst v63  }
0x1cb: {  	_ =	swait.ge [sflag:s16], $0x7800  }
0x1cc: {  	s29 =	sld [smem:$0x7F7]  }
0x1cd: {  	[sflag:s16] =	ssyncset.done $0x0  }
0x1ce: {  	s30 =	sld [smem:$0x7F8];
	[sflag:s16] =	ssyncadd.s32 $0xFFFF8800  }
0x1cf: {  	[tilespmem:s6], [sflag:$0x1] =	stream.indirect.gather [hbm4b:s2+s5], $0x80, s29, s5, $0xb8;
	[tilespmem:$0x18100] =	vst v63  }
0x1d0: {  	s31 =	sld [smem:$0x7F9]  }
0x1d1: {  	[tilespmem:s7], [sflag:$0x1] =	stream.indirect.gather [hbm4b:s2+s5], $0x80, s30, s5, $0xb8;
	[tilespmem:$0x18100] =	vst v63  }
0x1d2: {  	_ = 	snop  }
0x1d3: {  	[tilespmem:s8], [sflag:$0x1] =	stream.indirect.gather [hbm4b:s2+s5], $0x80, s31, s5, $0xb8;
	[tilespmem:$0x18100] =	vst v63  }
0x1d4: {  	_ =	swait.ge [sflag:s17], $0x2800  }
0x1d5: {  	[sflag:s17] =	ssyncset.done $0x0  }
0x1d6: {  	[sflag:s17] =	ssyncadd.s32 $0xFFFFD800  }
0x1d7: {  	_ =	swait.ge [sflag:s17], $0x2800  }
0x1d8: {  	[sflag:s17] =	ssyncset.done $0x0  }
0x1d9: {  	[sflag:s17] =	ssyncadd.s32 $0xFFFFD800  }
0x1da: {  	_ =	swait.ge [sflag:s17], $0x2800  }
0x1db: {  	[sflag:s17] =	ssyncset.done $0x0  }
0x1dc: {  	[sflag:s17] =	ssyncadd.s32 $0xFFFFD800  }
0x1dd: {  	v15 =	vld [tilespmem:$0x1400];
	_ =	sdelay $0x4  }
0x1de: {  	[tilespmem:v0+s13+$0x0] =	vst.idx.msk $0xffff, v15  }
0x1df: {  	v15 =	vld [tilespmem:$0x1410];
	_ =	sdelay $0x4  }
0x1e0: {  	[tilespmem:v1+s13+$0x0] =	vst.idx.msk $0xffff, v15  }
0x1e1: {  	v15 =	vld [tilespmem:$0x1420];
	_ =	sdelay $0x4  }
0x1e2: {  	[tilespmem:v2+s13+$0x0] =	vst.idx.msk $0xffff, v15  }
0x1e3: {  	v15 =	vld [tilespmem:$0x1430];
	_ =	sdelay $0x4  }
0x1e4: {  	[tilespmem:v3+s13+$0x0] =	vst.idx.msk $0xffff, v15  }
0x1e5: {  	v15 =	vld [tilespmem:$0x1440];
	_ =	sdelay $0x4  }
0x1e6: {  	[tilespmem:v4+s13+$0x0] =	vst.idx.msk $0xffff, v15  }
0x1e7: {  	v15 =	vld [tilespmem:$0x1450];
	_ =	sdelay $0x4  }
0x1e8: {  	[tilespmem:v5+s13+$0x0] =	vst.idx.msk $0xffff, v15  }
0x1e9: {  	v15 =	vld [tilespmem:$0x1460];
	_ =	sdelay $0x4  }
0x1ea: {  	[tilespmem:v6+s13+$0x0] =	vst.idx.msk $0xffff, v15  }
0x1eb: {  	v15 =	vld [tilespmem:$0x1470];
	_ =	sdelay $0x4  }
0x1ec: {  	[tilespmem:v7+s13+$0x0] =	vst.idx.msk $0xffff, v15  }
0x1ed: {  	v15 =	vld [tilespmem:$0x1480];
	_ =	sdelay $0x4  }
0x1ee: {  	[tilespmem:v8+s13+$0x0] =	vst.idx.msk $0xffff, v15  }
0x1ef: {  	v15 =	vld [tilespmem:$0x1490];
	_ =	sdelay $0x4  }
0x1f0: {  	[tilespmem:v9+s13+$0x0] =	vst.idx.msk $0xffff, v15  }
0x1f1: {  	v15 =	vld [tilespmem:$0x14A0];
	_ =	sdelay $0x4  }
0x1f2: {  	[tilespmem:v10+s13+$0x0] =	vst.idx.msk $0xffff, v15  }
0x1f3: {  	v15 =	vld [tilespmem:$0x14B0];
	_ =	sdelay $0x4  }
0x1f4: {  	[tilespmem:v11+s13+$0x0] =	vst.idx.msk $0xffff, v15  }
0x1f5: {  	v15 =	vld [tilespmem:$0x14C0];
	_ =	sdelay $0x4  }
0x1f6: {  	[tilespmem:v12+s13+$0x0] =	vst.idx.msk $0xffff, v15  }
0x1f7: {  	v15 =	vld [tilespmem:$0x14D0];
	_ =	sdelay $0x4  }
0x1f8: {  	[tilespmem:v13+s13+$0x0] =	vst.idx.msk $0xffff, v15  }
0x1f9: {  	v15 =	vld [tilespmem:$0x14E0];
	_ =	sdelay $0x4  }
0x1fa: {  	s28 =	rddreg [dreg:$0xf];
	[tilespmem:v14+s13+$0x0] =	vst.idx.msk $0xffff, v15  }
0x1fb: {  	[hbm4b:s28+s1] =	stream.linear.scatter [tilespmem:s13], [sflag:$0x6], $0x7800, $0x38;
	[tilespmem:$0x18100] =	vst v63  }
0x1fc: {  	_ =	swait.ge [sflag:s18], $0x7800  }
0x1fd: {  	s29 =	sld [smem:$0x7FA]  }
0x1fe: {  	[sflag:s18] =	ssyncset.done $0x0  }
0x1ff: {  	s30 =	sld [smem:$0x7FB];
	[sflag:s18] =	ssyncadd.s32 $0xFFFF8800  }
0x200: {  	[tilespmem:s10], [sflag:$0x2] =	stream.indirect.gather [hbm4b:s2+s5], $0x80, s29, s5, $0xb8;
	[tilespmem:$0x18100] =	vst v63  }
0x201: {  	s31 =	sld [smem:$0x7FC]  }
0x202: {  	[tilespmem:s11], [sflag:$0x2] =	stream.indirect.gather [hbm4b:s2+s5], $0x80, s30, s5, $0xb8;
	[tilespmem:$0x18100] =	vst v63  }
0x203: {  	_ = 	snop  }
0x204: {  	[tilespmem:s12], [sflag:$0x2] =	stream.indirect.gather [hbm4b:s2+s5], $0x80, s31, s5, $0xb8;
	[tilespmem:$0x18100] =	vst v63  }
0x205: {  	_ =	swait.ge [sflag:s4], $0x2800  }
0x206: {  	[sflag:s4] =	ssyncset.done $0x0  }
0x207: {  	[sflag:s4] =	ssyncadd.s32 $0xFFFFD800  }
0x208: {  	_ =	swait.ge [sflag:s4], $0x2800  }
0x209: {  	[sflag:s4] =	ssyncset.done $0x0  }
0x20a: {  	[sflag:s4] =	ssyncadd.s32 $0xFFFFD800  }
0x20b: {  	_ =	swait.ge [sflag:s4], $0x2800  }
0x20c: {  	[sflag:s4] =	ssyncset.done $0x0  }
0x20d: {  	[sflag:s4] =	ssyncadd.s32 $0xFFFFD800  }
0x20e: {  	v15 =	vld [tilespmem:$0x14F0];
	_ =	sdelay $0x4  }
0x20f: {  	[tilespmem:v0+s6+$0x0] =	vst.idx.msk $0xffff, v15  }
0x210: {  	v15 =	vld [tilespmem:$0x1500];
	_ =	sdelay $0x4  }
0x211: {  	[tilespmem:v1+s6+$0x0] =	vst.idx.msk $0xffff, v15  }
0x212: {  	v15 =	vld [tilespmem:$0x1510];
	_ =	sdelay $0x4  }
0x213: {  	[tilespmem:v2+s6+$0x0] =	vst.idx.msk $0xffff, v15  }
0x214: {  	v15 =	vld [tilespmem:$0x1520];
	_ =	sdelay $0x4  }
0x215: {  	[tilespmem:v3+s6+$0x0] =	vst.idx.msk $0xffff, v15  }
0x216: {  	v15 =	vld [tilespmem:$0x1530];
	_ =	sdelay $0x4  }
0x217: {  	[tilespmem:v4+s6+$0x0] =	vst.idx.msk $0xffff, v15  }
0x218: {  	v15 =	vld [tilespmem:$0x1540];
	_ =	sdelay $0x4  }
0x219: {  	[tilespmem:v5+s6+$0x0] =	vst.idx.msk $0xffff, v15  }
0x21a: {  	v15 =	vld [tilespmem:$0x1550];
	_ =	sdelay $0x4  }
0x21b: {  	[tilespmem:v6+s6+$0x0] =	vst.idx.msk $0xffff, v15  }
0x21c: {  	v15 =	vld [tilespmem:$0x1560];
	_ =	sdelay $0x4  }
0x21d: {  	[tilespmem:v7+s6+$0x0] =	vst.idx.msk $0xffff, v15  }
0x21e: {  	v15 =	vld [tilespmem:$0x1570];
	_ =	sdelay $0x4  }
0x21f: {  	[tilespmem:v8+s6+$0x0] =	vst.idx.msk $0xffff, v15  }
0x220: {  	v15 =	vld [tilespmem:$0x1580];
	_ =	sdelay $0x4  }
0x221: {  	[tilespmem:v9+s6+$0x0] =	vst.idx.msk $0xffff, v15  }
0x222: {  	v15 =	vld [tilespmem:$0x1590];
	_ =	sdelay $0x4  }
0x223: {  	[tilespmem:v10+s6+$0x0] =	vst.idx.msk $0xffff, v15  }
0x224: {  	v15 =	vld [tilespmem:$0x15A0];
	_ =	sdelay $0x4  }
0x225: {  	[tilespmem:v11+s6+$0x0] =	vst.idx.msk $0xffff, v15  }
0x226: {  	v15 =	vld [tilespmem:$0x15B0];
	_ =	sdelay $0x4  }
0x227: {  	[tilespmem:v12+s6+$0x0] =	vst.idx.msk $0xffff, v15  }
0x228: {  	v15 =	vld [tilespmem:$0x15C0];
	_ =	sdelay $0x4  }
0x229: {  	[tilespmem:v13+s6+$0x0] =	vst.idx.msk $0xffff, v15  }
0x22a: {  	v15 =	vld [tilespmem:$0x15D0];
	_ =	sdelay $0x4  }
0x22b: {  	s26 =	rddreg [dreg:$0x10];
	[tilespmem:v14+s6+$0x0] =	vst.idx.msk $0xffff, v15  }
0x22c: {  	[hbm4b:s26+s1] =	stream.linear.scatter [tilespmem:s6], [sflag:$0x4], $0x7800, $0x38;
	[tilespmem:$0x18100] =	vst v63  }
0x22d: {  	_ =	swait.ge [sflag:s19], $0x7800  }
0x22e: {  	s28 =	sld [smem:$0x7FD]  }
0x22f: {  	[sflag:s19] =	ssyncset.done $0x0  }
0x230: {  	[sflag:s19] =	ssyncadd.s32 $0xFFFF8800  }
0x231: {  	[tilespmem:s13], [sflag:$0x3] =	stream.indirect.gather [hbm4b:s2+s5], $0x80, s28, s5, $0xb8;
	[tilespmem:$0x18100] =	vst v63  }
0x232: {  	_ = 	snop  }
0x233: {  	[tilespmem:s14], [sflag:$0x3] =	stream.indirect.gather [hbm4b:s2+s5], $0x80, s20, s5, $0xb8;
	[tilespmem:$0x18100] =	vst v63  }
0x234: {  	_ = 	snop  }
0x235: {  	[tilespmem:s15], [sflag:$0x3] =	stream.indirect.gather [hbm4b:s2+s5], $0x80, s21, s5, $0xb8;
	[tilespmem:$0x18100] =	vst v63  }
0x236: {  	_ =	swait.ge [sflag:s9], $0x2800  }
0x237: {  	[sflag:s9] =	ssyncset.done $0x0  }
0x238: {  	[sflag:s9] =	ssyncadd.s32 $0xFFFFD800  }
0x239: {  	_ =	swait.ge [sflag:s9], $0x2800  }
0x23a: {  	[sflag:s9] =	ssyncset.done $0x0  }
0x23b: {  	[sflag:s9] =	ssyncadd.s32 $0xFFFFD800  }
0x23c: {  	_ =	swait.ge [sflag:s9], $0x2800  }
0x23d: {  	[sflag:s9] =	ssyncset.done $0x0  }
0x23e: {  	[sflag:s9] =	ssyncadd.s32 $0xFFFFD800  }
0x23f: {  	v15 =	vld [tilespmem:$0x15E0];
	_ =	sdelay $0x4  }
0x240: {  	[tilespmem:v0+s10+$0x0] =	vst.idx.msk $0xffff, v15  }
0x241: {  	v15 =	vld [tilespmem:$0x15F0];
	_ =	sdelay $0x4  }
0x242: {  	[tilespmem:v1+s10+$0x0] =	vst.idx.msk $0xffff, v15  }
0x243: {  	v15 =	vld [tilespmem:$0x1600];
	_ =	sdelay $0x4  }
0x244: {  	[tilespmem:v2+s10+$0x0] =	vst.idx.msk $0xffff, v15  }
0x245: {  	v15 =	vld [tilespmem:$0x1610];
	_ =	sdelay $0x4  }
0x246: {  	[tilespmem:v3+s10+$0x0] =	vst.idx.msk $0xffff, v15  }
0x247: {  	v15 =	vld [tilespmem:$0x1620];
	_ =	sdelay $0x4  }
0x248: {  	[tilespmem:v4+s10+$0x0] =	vst.idx.msk $0xffff, v15  }
0x249: {  	v15 =	vld [tilespmem:$0x1630];
	_ =	sdelay $0x4  }
0x24a: {  	[tilespmem:v5+s10+$0x0] =	vst.idx.msk $0xffff, v15  }
0x24b: {  	v15 =	vld [tilespmem:$0x1640];
	_ =	sdelay $0x4  }
0x24c: {  	[tilespmem:v6+s10+$0x0] =	vst.idx.msk $0xffff, v15  }
0x24d: {  	v15 =	vld [tilespmem:$0x1650];
	_ =	sdelay $0x4  }
0x24e: {  	[tilespmem:v7+s10+$0x0] =	vst.idx.msk $0xffff, v15  }
0x24f: {  	v15 =	vld [tilespmem:$0x1660];
	_ =	sdelay $0x4  }
0x250: {  	[tilespmem:v8+s10+$0x0] =	vst.idx.msk $0xffff, v15  }
0x251: {  	v15 =	vld [tilespmem:$0x1670];
	_ =	sdelay $0x4  }
0x252: {  	[tilespmem:v9+s10+$0x0] =	vst.idx.msk $0xffff, v15  }
0x253: {  	v15 =	vld [tilespmem:$0x1680];
	_ =	sdelay $0x4  }
0x254: {  	[tilespmem:v10+s10+$0x0] =	vst.idx.msk $0xffff, v15  }
0x255: {  	v15 =	vld [tilespmem:$0x1690];
	_ =	sdelay $0x4  }
0x256: {  	[tilespmem:v11+s10+$0x0] =	vst.idx.msk $0xffff, v15  }
0x257: {  	v15 =	vld [tilespmem:$0x16A0];
	_ =	sdelay $0x4  }
0x258: {  	[tilespmem:v12+s10+$0x0] =	vst.idx.msk $0xffff, v15  }
0x259: {  	v15 =	vld [tilespmem:$0x16B0];
	_ =	sdelay $0x4  }
0x25a: {  	[tilespmem:v13+s10+$0x0] =	vst.idx.msk $0xffff, v15  }
0x25b: {  	v15 =	vld [tilespmem:$0x16C0];
	_ =	sdelay $0x4  }
0x25c: {  	s29 =	rddreg [dreg:$0x11];
	[tilespmem:v14+s10+$0x0] =	vst.idx.msk $0xffff, v15  }
0x25d: {  	[hbm4b:s29+s1] =	stream.linear.scatter [tilespmem:s10], [sflag:$0x5], $0x7800, $0x38;
	[tilespmem:$0x18100] =	vst v63  }
0x25e: {  	_ =	swait.ge [sflag:s16], $0x7800  }
0x25f: {  	[sflag:s16] =	ssyncset.done $0x0  }
0x260: {  	[sflag:s16] =	ssyncadd.s32 $0xFFFF8800  }
0x261: {  	[tilespmem:s6], [sflag:$0x1] =	stream.indirect.gather [hbm4b:s2+s5], $0x80, s22, s5, $0xb8;
	[tilespmem:$0x18100] =	vst v63  }
0x262: {  	_ = 	snop  }
0x263: {  	[tilespmem:s7], [sflag:$0x1] =	stream.indirect.gather [hbm4b:s2+s5], $0x80, s23, s5, $0xb8;
	[tilespmem:$0x18100] =	vst v63  }
0x264: {  	_ = 	snop  }
0x265: {  	[tilespmem:s8], [sflag:$0x1] =	stream.indirect.gather [hbm4b:s2+s5], $0x80, s24, s5, $0xb8;
	[tilespmem:$0x18100] =	vst v63  }
0x266: {  	_ =	swait.ge [sflag:s17], $0x2800  }
0x267: {  	[sflag:s17] =	ssyncset.done $0x0  }
0x268: {  	[sflag:s17] =	ssyncadd.s32 $0xFFFFD800  }
0x269: {  	_ =	swait.ge [sflag:s17], $0x2800  }
0x26a: {  	[sflag:s17] =	ssyncset.done $0x0  }
0x26b: {  	[sflag:s17] =	ssyncadd.s32 $0xFFFFD800  }
0x26c: {  	_ =	swait.ge [sflag:s17], $0x2800  }
0x26d: {  	[sflag:s17] =	ssyncset.done $0x0  }
0x26e: {  	[sflag:s17] =	ssyncadd.s32 $0xFFFFD800  }
0x26f: {  	v15 =	vld [tilespmem:$0x16D0];
	_ =	sdelay $0x4  }
0x270: {  	[tilespmem:v0+s13+$0x0] =	vst.idx.msk $0xffff, v15  }
0x271: {  	v15 =	vld [tilespmem:$0x16E0];
	_ =	sdelay $0x4  }
0x272: {  	[tilespmem:v1+s13+$0x0] =	vst.idx.msk $0xffff, v15  }
0x273: {  	v15 =	vld [tilespmem:$0x16F0];
	_ =	sdelay $0x4  }
0x274: {  	[tilespmem:v2+s13+$0x0] =	vst.idx.msk $0xffff, v15  }
0x275: {  	v15 =	vld [tilespmem:$0x1700];
	_ =	sdelay $0x4  }
0x276: {  	[tilespmem:v3+s13+$0x0] =	vst.idx.msk $0xffff, v15  }
0x277: {  	v15 =	vld [tilespmem:$0x1710];
	_ =	sdelay $0x4  }
0x278: {  	[tilespmem:v4+s13+$0x0] =	vst.idx.msk $0xffff, v15  }
0x279: {  	v15 =	vld [tilespmem:$0x1720];
	_ =	sdelay $0x4  }
0x27a: {  	[tilespmem:v5+s13+$0x0] =	vst.idx.msk $0xffff, v15  }
0x27b: {  	v15 =	vld [tilespmem:$0x1730];
	_ =	sdelay $0x4  }
0x27c: {  	[tilespmem:v6+s13+$0x0] =	vst.idx.msk $0xffff, v15  }
0x27d: {  	v15 =	vld [tilespmem:$0x1740];
	_ =	sdelay $0x4  }
0x27e: {  	[tilespmem:v7+s13+$0x0] =	vst.idx.msk $0xffff, v15  }
0x27f: {  	v15 =	vld [tilespmem:$0x1750];
	_ =	sdelay $0x4  }
0x280: {  	[tilespmem:v8+s13+$0x0] =	vst.idx.msk $0xffff, v15  }
0x281: {  	v15 =	vld [tilespmem:$0x1760];
	_ =	sdelay $0x4  }
0x282: {  	[tilespmem:v9+s13+$0x0] =	vst.idx.msk $0xffff, v15  }
0x283: {  	v15 =	vld [tilespmem:$0x1770];
	_ =	sdelay $0x4  }
0x284: {  	[tilespmem:v10+s13+$0x0] =	vst.idx.msk $0xffff, v15  }
0x285: {  	v15 =	vld [tilespmem:$0x1780];
	_ =	sdelay $0x4  }
0x286: {  	[tilespmem:v11+s13+$0x0] =	vst.idx.msk $0xffff, v15  }
0x287: {  	v15 =	vld [tilespmem:$0x1790];
	_ =	sdelay $0x4  }
0x288: {  	[tilespmem:v12+s13+$0x0] =	vst.idx.msk $0xffff, v15  }
0x289: {  	v15 =	vld [tilespmem:$0x17A0];
	_ =	sdelay $0x4  }
0x28a: {  	[tilespmem:v13+s13+$0x0] =	vst.idx.msk $0xffff, v15  }
0x28b: {  	v15 =	vld [tilespmem:$0x17B0];
	_ =	sdelay $0x4  }
0x28c: {  	s30 =	rddreg [dreg:$0x12];
	[tilespmem:v14+s13+$0x0] =	vst.idx.msk $0xffff, v15  }
0x28d: {  	[hbm4b:s30+s1] =	stream.linear.scatter [tilespmem:s13], [sflag:$0x6], $0x7800, $0x38;
	[tilespmem:$0x18100] =	vst v63  }
0x28e: {  	_ =	swait.ge [sflag:s4], $0x2800  }
0x28f: {  	[sflag:s4] =	ssyncset.done $0x0  }
0x290: {  	[sflag:s4] =	ssyncadd.s32 $0xFFFFD800  }
0x291: {  	_ =	swait.ge [sflag:s4], $0x2800  }
0x292: {  	[sflag:s4] =	ssyncset.done $0x0  }
0x293: {  	[sflag:s4] =	ssyncadd.s32 $0xFFFFD800  }
0x294: {  	_ =	swait.ge [sflag:s4], $0x2800  }
0x295: {  	[sflag:s4] =	ssyncset.done $0x0  }
0x296: {  	[sflag:s4] =	ssyncadd.s32 $0xFFFFD800  }
0x297: {  	v15 =	vld [tilespmem:$0x17C0];
	_ =	sdelay $0x4  }
0x298: {  	[tilespmem:v0+s6+$0x0] =	vst.idx.msk $0xffff, v15  }
0x299: {  	v15 =	vld [tilespmem:$0x17D0];
	_ =	sdelay $0x4  }
0x29a: {  	[tilespmem:v1+s6+$0x0] =	vst.idx.msk $0xffff, v15  }
0x29b: {  	v15 =	vld [tilespmem:$0x17E0];
	_ =	sdelay $0x4  }
0x29c: {  	[tilespmem:v2+s6+$0x0] =	vst.idx.msk $0xffff, v15  }
0x29d: {  	v15 =	vld [tilespmem:$0x17F0];
	_ =	sdelay $0x4  }
0x29e: {  	[tilespmem:v3+s6+$0x0] =	vst.idx.msk $0xffff, v15  }
0x29f: {  	v15 =	vld [tilespmem:$0x1800];
	_ =	sdelay $0x4  }
0x2a0: {  	[tilespmem:v4+s6+$0x0] =	vst.idx.msk $0xffff, v15  }
0x2a1: {  	v15 =	vld [tilespmem:$0x1810];
	_ =	sdelay $0x4  }
0x2a2: {  	[tilespmem:v5+s6+$0x0] =	vst.idx.msk $0xffff, v15  }
0x2a3: {  	v15 =	vld [tilespmem:$0x1820];
	_ =	sdelay $0x4  }
0x2a4: {  	[tilespmem:v6+s6+$0x0] =	vst.idx.msk $0xffff, v15  }
0x2a5: {  	v15 =	vld [tilespmem:$0x1830];
	_ =	sdelay $0x4  }
0x2a6: {  	[tilespmem:v7+s6+$0x0] =	vst.idx.msk $0xffff, v15  }
0x2a7: {  	v15 =	vld [tilespmem:$0x1840];
	_ =	sdelay $0x4  }
0x2a8: {  	[tilespmem:v8+s6+$0x0] =	vst.idx.msk $0xffff, v15  }
0x2a9: {  	v15 =	vld [tilespmem:$0x1850];
	_ =	sdelay $0x4  }
0x2aa: {  	[tilespmem:v9+s6+$0x0] =	vst.idx.msk $0xffff, v15  }
0x2ab: {  	v15 =	vld [tilespmem:$0x1860];
	_ =	sdelay $0x4  }
0x2ac: {  	[tilespmem:v10+s6+$0x0] =	vst.idx.msk $0xffff, v15  }
0x2ad: {  	v15 =	vld [tilespmem:$0x1870];
	_ =	sdelay $0x4  }
0x2ae: {  	[tilespmem:v11+s6+$0x0] =	vst.idx.msk $0xffff, v15  }
0x2af: {  	v15 =	vld [tilespmem:$0x1880];
	_ =	sdelay $0x4  }
0x2b0: {  	[tilespmem:v12+s6+$0x0] =	vst.idx.msk $0xffff, v15  }
0x2b1: {  	v15 =	vld [tilespmem:$0x1890];
	_ =	sdelay $0x4  }
0x2b2: {  	[tilespmem:v13+s6+$0x0] =	vst.idx.msk $0xffff, v15  }
0x2b3: {  	v15 =	vld [tilespmem:$0x18A0];
	_ =	sdelay $0x4  }
0x2b4: {  	s31 =	rddreg [dreg:$0x13];
	[tilespmem:v14+s6+$0x0] =	vst.idx.msk $0xffff, v15  }
0x2b5: {  	[hbm4b:s31+s1] =	stream.linear.scatter [tilespmem:s6], [sflag:$0x4], $0x7800, $0x38;
	[tilespmem:$0x18100] =	vst v63  }
0x2b6: {  	_ =	swait.ge [sflag:s18], $0x7800  }
0x2b7: {  	[sflag:s18] =	ssyncset.done $0x0  }
0x2b8: {  	[sflag:s18] =	ssyncadd.s32 $0xFFFF8800  }
0x2b9: {  	_ =	swait.ge [sflag:s19], $0x7800  }
0x2ba: {  	[sflag:s19] =	ssyncset.done $0x0  }
0x2bb: {  	[sflag:s19] =	ssyncadd.s32 $0xFFFF8800  }
0x2bc: {  	_ =	swait.ge [sflag:s16], $0x7800  }
0x2bd: {  	[sflag:s16] =	ssyncset.done $0x0  }
0x2be: {  	s26 =	simm.s32 @!p0 $0x0;
	s25 =	rddreg [dreg:$0x14];
	[sflag:s16] =	ssyncadd.s32 $0xFFFF8800  }
0x2bf: {  	[tilespmem:s26], [sflag:$0x1] =	stream.linear.gather @!p0 [hbm4b:s25+s26], $0x50, $0x38;
	[tilespmem:$0x18100] =	vst v63  }
0x2c0: {  	s28 =	rddreg [dreg:$0x15];
	s25 =	simm.s32 @!p0 $0xC80  }
0x2c1: {  	[tilespmem:s25], [sflag:$0x2] =	stream.linear.gather @!p0 [hbm4b:s28+s26], $0x50, $0x38;
	[tilespmem:$0x18100] =	vst v63  }
0x2c2: {  	s25 =	simm.s32 @!p0 $0x1  }
0x2c3: {  	_ =	swait.ge @!p0 [sflag:s25], $0x50  }
0x2c4: {  	[sflag:s25] =	ssyncset.done @!p0 $0x0  }
0x2c5: {  	s28 =	simm.s32 @!p0 $0x2;
	[sflag:s25] =	ssyncadd.s32 @!p0 $0xFFFFFFB0  }
0x2c6: {  	_ =	swait.ge @!p0 [sflag:s28], $0x50  }
0x2c7: {  	[sflag:s28] =	ssyncset.done @!p0 $0x0  }
0x2c8: {  	s29 =	simm.s32 @!p0 $0x1900;
	[sflag:s28] =	ssyncadd.s32 @!p0 $0xFFFFFFB0;
	s28 =	simm.s32 @!p0 $0x50  }
0x2c9: {  	[tilespmem:s29], [sflag:$0x1] =	stream.indirect.gather @!p0 [hbm4b:s2+s28], $0x80, s26, s28, $0xb8;
	[tilespmem:$0x18100] =	vst v63  }
0x2ca: {  	v15 =	vlaneseq.u32 @!p0;
	_ =	swait.ge @!p0 [sflag:s25], $0x2800  }
0x2cb: {  	v15 =	vmul.u32 @!p0 $0x80, v15;
	[sflag:s25] =	ssyncset.done @!p0 $0x0  }
0x2cc: {  	[sflag:s25] =	ssyncadd.s32 @!p0 $0xFFFFD800  }
0x2cd: {  	v17 =	vor.u32 @!p0 $0x7F, v15;
	v16 =	vld @!p0 [tilespmem:$0xC80];
	_ =	sdelay $0x4  }
0x2ce: {  	[tilespmem:v17+s29+$0x0] =	vst.idx.msk @!p0 $0xffff, v16  }
0x2cf: {  	v17 =	vor.u32 @!p0 $0x87F, v15;
	v16 =	vld @!p0 [tilespmem:$0xC90];
	_ =	sdelay $0x4  }
0x2d0: {  	[tilespmem:v17+s29+$0x0] =	vst.idx.msk @!p0 $0xffff, v16  }
0x2d1: {  	v17 =	vor.u32 @!p0 $0x107F, v15;
	v16 =	vld @!p0 [tilespmem:$0xCA0];
	_ =	sdelay $0x4  }
0x2d2: {  	[tilespmem:v17+s29+$0x0] =	vst.idx.msk @!p0 $0xffff, v16  }
0x2d3: {  	v17 =	vor.u32 @!p0 $0x187F, v15;
	v16 =	vld @!p0 [tilespmem:$0xCB0];
	_ =	sdelay $0x4  }
0x2d4: {  	[tilespmem:v17+s29+$0x0] =	vst.idx.msk @!p0 $0xffff, v16  }
0x2d5: {  	v15 =	vor.u32 @!p0 $0x207F, v15;
	v16 =	vld @!p0 [tilespmem:$0xCC0];
	_ =	sdelay $0x3  }
0x2d6: {  	s3 =	sadd.s32 $0xFFFFFFFF, s3  }
0x2d7: {  	p1 =	sne.s32 s3, $0x0;
	s25 =	rddreg [dreg:$0x16];
	[tilespmem:v15+s29+$0x0] =	vst.idx.msk @!p0 $0xffff, v16  }
0x2d8: {  	[hbm4b:s25+s26] =	stream.linear.scatter @!p0 [tilespmem:s29], [sflag:$0x4], $0x2800, $0x38;
	[tilespmem:$0x18100] =	vst v63  }
.Ltmp0:
0x2d9: {  	_ = 	snop;
	(pc) =	sbr.rel @p1 .LBB2_1-.Ltmp0, $4  }
0x2da: {  	s25 =	simm.s32 @!p0 $0x4  }
0x2db: {  	_ =	swait.ge @!p0 [sflag:s25], $0x2800  }
0x2dc: {  	[sflag:s25] =	ssyncset.done @!p0 $0x0  }
0x2dd: {  	[sflag:s25] =	ssyncadd.s32 @!p0 $0xFFFFD800  }
0x2de: {  	_ =	sfence.sel $0x180000  }
0x2df: {  	[bflag:$0x0] =	sbarrier.arrive $0xFFFF  }
0x2e0: {  	_ =	strace $0x90000047  }
0x2e1: {  	s0 =	sadd.s32 @!p0 $0x100000, s0;
	[bflag:$0x2] =	sbarrier.arrive $0xFFFF  }
0x2e2: {  	[sflag:s0] =	ssyncadd.tile.s32 @!p0 $0x1;
	_ =	shalt  }
.Lfunc_end2:
_tile_overlayer_lowered:
.L_overlay_start_2:
0x2e3: {  	(tag) =	ssettag $0x2  }
0x2e4: {  	s0 =	rddreg [dreg:$0x0];
	s2 =	stileid.u32  }
0x2e5: {  	s1 =	rddreg [dreg:$0x1];
	p0 =	sne.s32 s2, $0x0  }
0x2e6: {  	s3 =	rddreg [dreg:$0x2];
	[bflag:$0x3] =	sbarrier.arrive $0xFFFF;
	s2 =	simm.s32 @!p0 $0x1C07  }
0x2e7: {  	[timem:s3], [sflag:s2] =	dma.local @!p0 [hbm:s0], s1  }
0x2e8: {  	s0 =	simm.s32 @!p0 $0x7  }
0x2e9: {  	_ =	swait.ge @!p0 [sflag:s0], s1  }
0x2ea: {  	s1 =	ssub.s32 @!p0 $0x0, s1;
	[sflag:s0] =	ssyncset.done @!p0 $0x0  }
0x2eb: {  	[sflag:s0] =	ssyncadd.s32 @!p0 s1  }
0x2ec: {  	[bflag:$0x3] =	sbarrier.arrive $0xFFFF  }
0x2ed: {  	_ =	shalt  }

</sc_bundles>
